<compile_context>
chip_gen: v7x
topology: tpu7x:2x2x1
jax: 0.10.2.dev20260603
libtpu: 0.0.44.dev20260713+nightly
codegen_flags: <defaults>
</compile_context>

<pallas_src>
import functools

import jax
import jax.numpy as jnp
from jax import lax
from jax.experimental import pallas as pl
from jax.experimental.pallas import tpu as pltpu
from jax.experimental.pallas import tpu_sc as plsc

N = 10000
E = 320000
D = 128
NC = 2
NS = 16
NW = NC * NS
EPW = E // NW
B = 125
C = EPW // B
NP = 10240
RPT = NP // NS

_mesh = plsc.VectorSubcoreMesh(core_axis_name="c", subcore_axis_name="s")


@functools.partial(
    pl.kernel,
    mesh=_mesh,
    out_type=jax.ShapeDtypeStruct((NW, 1, N), jnp.float32),
    scratch_types=[
        pltpu.VMEM((1, EPW), jnp.int32),
        pltpu.VMEM((N,), jnp.float32),
    ],
    compiler_params=pltpu.CompilerParams(needs_layout_passes=False),
)
def _p1_degree(row_hbm, degp_hbm, idx_v, deg_v):
    c = lax.axis_index("c")
    s = lax.axis_index("s")
    wid = c * NS + s

    pltpu.sync_copy(row_hbm.at[wid], idx_v)

    def zero_body(i, _):
        deg_v[pl.ds(i * 16, 16)] = jnp.zeros((16,), jnp.float32)
        return 0

    lax.fori_loop(0, N // 16, zero_body, 0)

    ones16 = jnp.ones((16,), jnp.float32)

    def hist_body(j, _):
        idx = idx_v[0, pl.ds(j * 16, 16)]
        plsc.addupdate_scatter(deg_v, [idx], ones16)
        return 0

    lax.fori_loop(0, EPW // 16, hist_body, 0)
    pltpu.sync_copy(deg_v, degp_hbm.at[wid, 0])


@functools.partial(
    pl.kernel,
    mesh=_mesh,
    out_type=jax.ShapeDtypeStruct((NC, NP, D), jnp.float32),
    scratch_types=[
        pltpu.VMEM((16, B), jnp.int32),
        pltpu.VMEM((16, B), jnp.int32),
        pltpu.VMEM((B, D), jnp.float32),
        pltpu.VMEM((B, D), jnp.float32),
        pltpu.VMEM((16, D), jnp.float32),
        pltpu.VMEM_SHARED((NP, D), jnp.float32),
        pltpu.SemaphoreType.DMA,
        pltpu.SemaphoreType.DMA,
        pltpu.SemaphoreType.DMA,
        pltpu.SemaphoreType.DMA,
        pltpu.SemaphoreType.DMA,
        pltpu.SemaphoreType.DMA,
        pltpu.SemaphoreType.DMA,
        pltpu.SemaphoreType.DMA,
    ],
)
def _p3_scatter(y_hbm, col_hbm, row_hbm, zp_hbm, colr, rowr, buf0, buf1,
                zb_v, z_sh, semg0, semg1, sems0, sems1, semc0, semc1,
                semr0, semr1):
    c = lax.axis_index("c")
    s = lax.axis_index("s")
    wid = c * NS + s

    for i in range(16):
        for k in range(D // 16):
            zb_v[i, pl.ds(k * 16, 16)] = jnp.zeros((16,), jnp.float32)

    def zero_body(i, _):
        pltpu.sync_copy(zb_v, z_sh.at[pl.ds(s * RPT + i * 16, 16)])
        return 0

    lax.fori_loop(0, RPT // 16, zero_body, 0)
    plsc.subcore_barrier()

    bufs = (buf0, buf1)
    semg = (semg0, semg1)
    sems = (sems0, sems1)

    def g_issue(t, m):
        pltpu.async_copy(y_hbm.at[colr.at[t % 16]], bufs[m], semg[m])

    def g_wait(m):
        pltpu.make_async_copy(y_hbm.at[colr.at[0]], bufs[m], semg[m]).wait()

    def s_issue(k, m):
        pltpu.async_copy(bufs[m], z_sh.at[rowr.at[k]], sems[m], add=True)

    def s_wait(m):
        pltpu.make_async_copy(bufs[m], z_sh.at[rowr.at[0]], sems[m]).wait()

    pltpu.sync_copy(col_hbm.at[wid, pl.ds(0, 16)], colr)
    pltpu.sync_copy(row_hbm.at[wid, pl.ds(0, 16)], rowr)
    pltpu.async_copy(y_hbm.at[colr.at[0]], buf0, semg0)

    def block_body(i, _):
        base = 16 * i

        def fetch(hbm, ring, slot, chunk0, sem):
            pltpu.async_copy(
                hbm.at[wid, pl.ds(pl.multiple_of(chunk0, 8), 8)],
                ring.at[pl.ds(slot * 8, 8)], sem)

        def fwait(hbm, ring, slot, sem):
            pltpu.make_async_copy(hbm.at[wid, pl.ds(0, 8)],
                                  ring.at[pl.ds(slot * 8, 8)], sem).wait()

        for kk in range(16):
            m = kk % 2
            g_wait(m)
            if kk == 0:
                @pl.when(i > 0)
                def _():
                    s_wait(1 - m)
                    fetch(col_hbm, colr, 1, base + 8, semc1)
                    fetch(row_hbm, rowr, 1, base + 8, semr1)
            else:
                s_wait(1 - m)
            if kk == 7:
                @pl.when(i > 0)
                def _():
                    fwait(col_hbm, colr, 1, semc1)
            if kk == 8:
                @pl.when(i > 0)
                def _():
                    fwait(row_hbm, rowr, 1, semr1)
                @pl.when(i < 4)
                def _():
                    fetch(col_hbm, colr, 0, base + 16, semc0)
            if kk == 9:
                @pl.when(i < 4)
                def _():
                    fetch(row_hbm, rowr, 0, base + 16, semr0)
            if kk == 14:
                @pl.when(i < 4)
                def _():
                    fwait(col_hbm, colr, 0, semc0)
                    fwait(row_hbm, rowr, 0, semr0)
            if kk == 15:
                @pl.when(i < 4)
                def _():
                    g_issue(base + kk + 1, 1 - m)
            else:
                g_issue(base + kk + 1, 1 - m)
            s_issue(kk, m)
        return 0

    lax.fori_loop(0, C // 16, block_body, 0)
    s_wait(1)
    plsc.subcore_barrier()

    pltpu.sync_copy(z_sh.at[pl.ds(s * RPT, RPT)],
                    zp_hbm.at[c, pl.ds(s * RPT, RPT)])


_R = 400
_G = N // _R


def _deg_inv_block(degp_blk):
    d = jnp.sum(degp_blk, axis=0).reshape(_R, 1)
    safe = jnp.where(d > 0, d, 1.0)
    return jnp.where(d > 0, lax.rsqrt(safe), 0.0)


def _p2_body(x_ref, degp_ref, w_ref, y_ref):
    dinv = _deg_inv_block(degp_ref[:])
    y_ref[:] = jnp.dot(x_ref[:], w_ref[:],
                       preferred_element_type=jnp.float32) * dinv


def _p2_scale_matmul(x, degp4, W):
    return pl.pallas_call(
        _p2_body,
        grid=(_G,),
        in_specs=[
            pl.BlockSpec((_R, D), lambda i: (i, 0)),
            pl.BlockSpec((NW, 1, 1, _R), lambda i: (0, i, 0, 0)),
            pl.BlockSpec((D, D), lambda i: (0, 0)),
        ],
        out_specs=pl.BlockSpec((_R, D), lambda i: (i, 0)),
        out_shape=jax.ShapeDtypeStruct((N, D), jnp.float32),
    )(x, degp4, W)


def _p4_body(zp_ref, degp_ref, out_ref):
    dinv = _deg_inv_block(degp_ref[:])
    out_ref[:] = (zp_ref[0] + zp_ref[1]) * dinv


def _p4_combine(zp, degp4):
    return pl.pallas_call(
        _p4_body,
        grid=(_G,),
        in_specs=[
            pl.BlockSpec((NC, _R, D), lambda i: (0, i, 0)),
            pl.BlockSpec((NW, 1, 1, _R), lambda i: (0, i, 0, 0)),
        ],
        out_specs=pl.BlockSpec((_R, D), lambda i: (i, 0)),
        out_shape=jax.ShapeDtypeStruct((N, D), jnp.float32),
    )(zp, degp4)


def kernel(x, edge_index, edge_type, r, W):
    del edge_type, r
    ei = edge_index.astype(jnp.int32)
    row3 = ei[0].reshape(NW, C, B)
    col3 = ei[1].reshape(NW, C, B)
    degp = _p1_degree(ei[0].reshape(NW, 1, EPW))
    degp4 = degp.reshape(NW, _G, 1, _R)
    y = _p2_scale_matmul(x, degp4, W)
    zp = _p3_scatter(y, col3, row3)
    return _p4_combine(zp, degp4)

# --- scband reference (transcript-rebuilt; emitter-appended) ---
"""Pipeline reference for scband-rgnn-layer-34351148433957 (READ-ONLY COPY).

The authoritative reference and input builder live on the scoring server;
editing this copy changes nothing except your own understanding.
"""

import jax, jax.numpy as jnp
import numpy as np

N_NODES = 10000
N_EDGES = 320000
D_IN = 128
D_OUT = 128
N_REL = 200

def setup_inputs(seed: int = 0) -> dict:
    key = jax.random.key(seed)
    k1, k2, k3, k4, k5 = jax.random.split(key, 5)
    x = jax.random.normal(k1, (N_NODES, D_IN), dtype=jnp.float32)
    edge_index = jax.random.randint(k2, (2, N_EDGES), 0, N_NODES, dtype=jnp.int64)
    edge_type = jax.random.randint(k3, (N_EDGES,), 0, N_REL, dtype=jnp.int64)
    r = jax.random.normal(k4, (N_REL, D_IN), dtype=jnp.float32)
    W = jax.random.normal(k5, (D_IN, D_OUT), dtype=jnp.float32) * (1.0 / np.sqrt(D_IN))
    return {"x": x, "edge_index": edge_index, "edge_type": edge_type, "r": r, "W": W}

def reference(x, edge_index, edge_type, r, W):
    # MessagePassing.propagate with aggregation='add'
    row = edge_index[0]  # h_i index / scatter destination
    col = edge_index[1]  # h_j index
    h_j = jnp.take(x, col, axis=0)          # gather source features per edge
    h_r = jnp.take(r, edge_type, axis=0)    # gather relation embeddings per edge
    # composition: base class returns h_j (h_i, h_r unused in composition)
    composed = h_j
    msg = composed @ W                       # message_per_edge = torch.mm(composed, weight)
    # edge_norm: symmetric degree normalization over row/col
    edge_weight = jnp.ones((row.shape[0],), dtype=x.dtype)
    deg = jax.ops.segment_sum(edge_weight, row, num_segments=N_NODES)
    deg_inv = jnp.where(deg > 0, deg ** -0.5, 0.0)
    norm = deg_inv[row] * edge_weight * deg_inv[col]
    msg = msg * norm[:, None]
    # scatter_('add', out, edge_index[0], dim_size=num_entities)
    out = jax.ops.segment_sum(msg, row, num_segments=N_NODES)
    # update: identity
    return out

if __name__ == "__main__":
    import jax
    _d = setup_inputs()
    print(jax.jit(kernel)(*tuple(_d.values())))

</pallas_src>

<mosaic_0001>
#map = affine_map<(d0, d1) -> (0, 0)>
#map1 = affine_map<(d0, d1) -> (0, 0, 0)>
module attributes {stable_mosaic.version = 14 : i64} {
  func.func @_p3_scatter(%arg0: i32, %arg1: i32, %arg2: memref<10000x128xf32, #tpu.memory_space<hbm>>, %arg3: memref<32x80x125xi32, #tpu.memory_space<hbm>>, %arg4: memref<32x80x125xi32, #tpu.memory_space<hbm>>, %arg5: memref<2x10240x128xf32, #tpu.memory_space<hbm>>, %arg6: memref<16x125xi32, #tpu.memory_space<vmem>>, %arg7: memref<16x125xi32, #tpu.memory_space<vmem>>, %arg8: memref<125x128xf32, #tpu.memory_space<vmem>>, %arg9: memref<125x128xf32, #tpu.memory_space<vmem>>, %arg10: memref<16x128xf32, #tpu.memory_space<vmem>>, %arg11: memref<10240x128xf32, #tpu.memory_space<vmem_shared>>, %arg12: memref<!tpu.dma_semaphore, #tpu.memory_space<semaphore_mem>>, %arg13: memref<!tpu.dma_semaphore, #tpu.memory_space<semaphore_mem>>, %arg14: memref<!tpu.dma_semaphore, #tpu.memory_space<semaphore_mem>>, %arg15: memref<!tpu.dma_semaphore, #tpu.memory_space<semaphore_mem>>, %arg16: memref<!tpu.dma_semaphore, #tpu.memory_space<semaphore_mem>>, %arg17: memref<!tpu.dma_semaphore, #tpu.memory_space<semaphore_mem>>, %arg18: memref<!tpu.dma_semaphore, #tpu.memory_space<semaphore_mem>>, %arg19: memref<!tpu.dma_semaphore, #tpu.memory_space<semaphore_mem>>) attributes {dimension_semantics = [#tpu.dimension_semantics<core_parallel>, #tpu.dimension_semantics<subcore_parallel>], iteration_bounds = array<i64: 2, 16>, scalar_prefetch = 0 : i64, scratch_operands = 14 : i64, tpu.core_type = #tpu.core_type<sc_vector_subcore>, window_params = [{transform_indices = #map}, {transform_indices = #map1}, {transform_indices = #map1}, {transform_indices = #map1}]} {
    %mul3A = arith.constant 16 : i32
    %mul3A_0 = arith.muli %arg0, %mul3A : i32
    %add3A = arith.addi %mul3A_0, %arg1 : i32
    %broadcast_in_dim3A = arith.constant 0.000000e+00 : f32
    %broadcast_in_dim3A_1 = vector.broadcast %broadcast_in_dim3A : f32 to vector<16xf32>
    %swap3A = arith.constant 0 : i32
    %swap3A_2 = arith.index_cast %swap3A : i32 to index
    %swap3A_3 = arith.constant 0 : index
    %swap3A_4 = tpu.vector_load %arg10[%swap3A_2, %swap3A_3] {strides = array<i32>} : memref<16x128xf32, #tpu.memory_space<vmem>>, vector<1x16xf32>,
    %swap3A_5 = vector.shape_cast %swap3A_4 : vector<1x16xf32> to vector<16xf32>
    %swap3A_6 = vector.shape_cast %broadcast_in_dim3A_1 : vector<16xf32> to vector<1x16xf32>
    tpu.vector_store %arg10[%swap3A_2, %swap3A_3], %swap3A_6 {strides = array<i32>} : memref<16x128xf32, #tpu.memory_space<vmem>>, vector<1x16xf32>,
    %broadcast_in_dim3A_7 = arith.constant 0.000000e+00 : f32
    %broadcast_in_dim3A_8 = vector.broadcast %broadcast_in_dim3A_7 : f32 to vector<16xf32>
    %swap3A_9 = arith.constant 0 : i32
    %swap3A_10 = arith.index_cast %swap3A_9 : i32 to index
    %swap3A_11 = arith.constant 16 : index
    %swap3A_12 = tpu.vector_load %arg10[%swap3A_10, %swap3A_11] {strides = array<i32>} : memref<16x128xf32, #tpu.memory_space<vmem>>, vector<1x16xf32>,
    %swap3A_13 = vector.shape_cast %swap3A_12 : vector<1x16xf32> to vector<16xf32>
    %swap3A_14 = vector.shape_cast %broadcast_in_dim3A_8 : vector<16xf32> to vector<1x16xf32>
    tpu.vector_store %arg10[%swap3A_10, %swap3A_11], %swap3A_14 {strides = array<i32>} : memref<16x128xf32, #tpu.memory_space<vmem>>, vector<1x16xf32>,
    %broadcast_in_dim3A_15 = arith.constant 0.000000e+00 : f32
    %broadcast_in_dim3A_16 = vector.broadcast %broadcast_in_dim3A_15 : f32 to vector<16xf32>
    %swap3A_17 = arith.constant 0 : i32
    %swap3A_18 = arith.index_cast %swap3A_17 : i32 to index
    %swap3A_19 = arith.constant 32 : index
    %swap3A_20 = tpu.vector_load %arg10[%swap3A_18, %swap3A_19] {strides = array<i32>} : memref<16x128xf32, #tpu.memory_space<vmem>>, vector<1x16xf32>,
    %swap3A_21 = vector.shape_cast %swap3A_20 : vector<1x16xf32> to vector<16xf32>
    %swap3A_22 = vector.shape_cast %broadcast_in_dim3A_16 : vector<16xf32> to vector<1x16xf32>
    tpu.vector_store %arg10[%swap3A_18, %swap3A_19], %swap3A_22 {strides = array<i32>} : memref<16x128xf32, #tpu.memory_space<vmem>>, vector<1x16xf32>,
    %broadcast_in_dim3A_23 = arith.constant 0.000000e+00 : f32
    %broadcast_in_dim3A_24 = vector.broadcast %broadcast_in_dim3A_23 : f32 to vector<16xf32>
    %swap3A_25 = arith.constant 0 : i32
    %swap3A_26 = arith.index_cast %swap3A_25 : i32 to index
    %swap3A_27 = arith.constant 48 : index
    %swap3A_28 = tpu.vector_load %arg10[%swap3A_26, %swap3A_27] {strides = array<i32>} : memref<16x128xf32, #tpu.memory_space<vmem>>, vector<1x16xf32>,
    %swap3A_29 = vector.shape_cast %swap3A_28 : vector<1x16xf32> to vector<16xf32>
    %swap3A_30 = vector.shape_cast %broadcast_in_dim3A_24 : vector<16xf32> to vector<1x16xf32>
    tpu.vector_store %arg10[%swap3A_26, %swap3A_27], %swap3A_30 {strides = array<i32>} : memref<16x128xf32, #tpu.memory_space<vmem>>, vector<1x16xf32>,
    %broadcast_in_dim3A_31 = arith.constant 0.000000e+00 : f32
    %broadcast_in_dim3A_32 = vector.broadcast %broadcast_in_dim3A_31 : f32 to vector<16xf32>
    %swap3A_33 = arith.constant 0 : i32
    %swap3A_34 = arith.index_cast %swap3A_33 : i32 to index
    %swap3A_35 = arith.constant 64 : index
    %swap3A_36 = tpu.vector_load %arg10[%swap3A_34, %swap3A_35] {strides = array<i32>} : memref<16x128xf32, #tpu.memory_space<vmem>>, vector<1x16xf32>,
    %swap3A_37 = vector.shape_cast %swap3A_36 : vector<1x16xf32> to vector<16xf32>
    %swap3A_38 = vector.shape_cast %broadcast_in_dim3A_32 : vector<16xf32> to vector<1x16xf32>
    tpu.vector_store %arg10[%swap3A_34, %swap3A_35], %swap3A_38 {strides = array<i32>} : memref<16x128xf32, #tpu.memory_space<vmem>>, vector<1x16xf32>,
    %broadcast_in_dim3A_39 = arith.constant 0.000000e+00 : f32
    %broadcast_in_dim3A_40 = vector.broadcast %broadcast_in_dim3A_39 : f32 to vector<16xf32>
    %swap3A_41 = arith.constant 0 : i32
    %swap3A_42 = arith.index_cast %swap3A_41 : i32 to index
    %swap3A_43 = arith.constant 80 : index
    %swap3A_44 = tpu.vector_load %arg10[%swap3A_42, %swap3A_43] {strides = array<i32>} : memref<16x128xf32, #tpu.memory_space<vmem>>, vector<1x16xf32>,
    %swap3A_45 = vector.shape_cast %swap3A_44 : vector<1x16xf32> to vector<16xf32>
    %swap3A_46 = vector.shape_cast %broadcast_in_dim3A_40 : vector<16xf32> to vector<1x16xf32>
    tpu.vector_store %arg10[%swap3A_42, %swap3A_43], %swap3A_46 {strides = array<i32>} : memref<16x128xf32, #tpu.memory_space<vmem>>, vector<1x16xf32>,
    %broadcast_in_dim3A_47 = arith.constant 0.000000e+00 : f32
    %broadcast_in_dim3A_48 = vector.broadcast %broadcast_in_dim3A_47 : f32 to vector<16xf32>
    %swap3A_49 = arith.constant 0 : i32
    %swap3A_50 = arith.index_cast %swap3A_49 : i32 to index
    %swap3A_51 = arith.constant 96 : index
    %swap3A_52 = tpu.vector_load %arg10[%swap3A_50, %swap3A_51] {strides = array<i32>} : memref<16x128xf32, #tpu.memory_space<vmem>>, vector<1x16xf32>,
    %swap3A_53 = vector.shape_cast %swap3A_52 : vector<1x16xf32> to vector<16xf32>
    %swap3A_54 = vector.shape_cast %broadcast_in_dim3A_48 : vector<16xf32> to vector<1x16xf32>
    tpu.vector_store %arg10[%swap3A_50, %swap3A_51], %swap3A_54 {strides = array<i32>} : memref<16x128xf32, #tpu.memory_space<vmem>>, vector<1x16xf32>,
    %broadcast_in_dim3A_55 = arith.constant 0.000000e+00 : f32
    %broadcast_in_dim3A_56 = vector.broadcast %broadcast_in_dim3A_55 : f32 to vector<16xf32>
    %swap3A_57 = arith.constant 0 : i32
    %swap3A_58 = arith.index_cast %swap3A_57 : i32 to index
    %swap3A_59 = arith.constant 112 : index
    %swap3A_60 = tpu.vector_load %arg10[%swap3A_58, %swap3A_59] {strides = array<i32>} : memref<16x128xf32, #tpu.memory_space<vmem>>, vector<1x16xf32>,
    %swap3A_61 = vector.shape_cast %swap3A_60 : vector<1x16xf32> to vector<16xf32>
    %swap3A_62 = vector.shape_cast %broadcast_in_dim3A_56 : vector<16xf32> to vector<1x16xf32>
    tpu.vector_store %arg10[%swap3A_58, %swap3A_59], %swap3A_62 {strides = array<i32>} : memref<16x128xf32, #tpu.memory_space<vmem>>, vector<1x16xf32>,
    %broadcast_in_dim3A_63 = arith.constant 0.000000e+00 : f32
    %broadcast_in_dim3A_64 = vector.broadcast %broadcast_in_dim3A_63 : f32 to vector<16xf32>
    %swap3A_65 = arith.constant 1 : i32
    %swap3A_66 = arith.index_cast %swap3A_65 : i32 to index
    %swap3A_67 = arith.constant 0 : index
    %swap3A_68 = tpu.vector_load %arg10[%swap3A_66, %swap3A_67] {strides = array<i32>} : memref<16x128xf32, #tpu.memory_space<vmem>>, vector<1x16xf32>,
    %swap3A_69 = vector.shape_cast %swap3A_68 : vector<1x16xf32> to vector<16xf32>
    %swap3A_70 = vector.shape_cast %broadcast_in_dim3A_64 : vector<16xf32> to vector<1x16xf32>
    tpu.vector_store %arg10[%swap3A_66, %swap3A_67], %swap3A_70 {strides = array<i32>} : memref<16x128xf32, #tpu.memory_space<vmem>>, vector<1x16xf32>,
    %broadcast_in_dim3A_71 = arith.constant 0.000000e+00 : f32
    %broadcast_in_dim3A_72 = vector.broadcast %broadcast_in_dim3A_71 : f32 to vector<16xf32>
    %swap3A_73 = arith.constant 1 : i32
    %swap3A_74 = arith.index_cast %swap3A_73 : i32 to index
    %swap3A_75 = arith.constant 16 : index
    %swap3A_76 = tpu.vector_load %arg10[%swap3A_74, %swap3A_75] {strides = array<i32>} : memref<16x128xf32, #tpu.memory_space<vmem>>, vector<1x16xf32>,
    %swap3A_77 = vector.shape_cast %swap3A_76 : vector<1x16xf32> to vector<16xf32>
    %swap3A_78 = vector.shape_cast %broadcast_in_dim3A_72 : vector<16xf32> to vector<1x16xf32>
    tpu.vector_store %arg10[%swap3A_74, %swap3A_75], %swap3A_78 {strides = array<i32>} : memref<16x128xf32, #tpu.memory_space<vmem>>, vector<1x16xf32>,
    %broadcast_in_dim3A_79 = arith.constant 0.000000e+00 : f32
    %broadcast_in_dim3A_80 = vector.broadcast %broadcast_in_dim3A_79 : f32 to vector<16xf32>
    %swap3A_81 = arith.constant 1 : i32
    %swap3A_82 = arith.index_cast %swap3A_81 : i32 to index
    %swap3A_83 = arith.constant 32 : index
    %swap3A_84 = tpu.vector_load %arg10[%swap3A_82, %swap3A_83] {strides = array<i32>} : memref<16x128xf32, #tpu.memory_space<vmem>>, vector<1x16xf32>,
    %swap3A_85 = vector.shape_cast %swap3A_84 : vector<1x16xf32> to vector<16xf32>
    %swap3A_86 = vector.shape_cast %broadcast_in_dim3A_80 : vector<16xf32> to vector<1x16xf32>
    tpu.vector_store %arg10[%swap3A_82, %swap3A_83], %swap3A_86 {strides = array<i32>} : memref<16x128xf32, #tpu.memory_space<vmem>>, vector<1x16xf32>,
    %broadcast_in_dim3A_87 = arith.constant 0.000000e+00 : f32
    %broadcast_in_dim3A_88 = vector.broadcast %broadcast_in_dim3A_87 : f32 to vector<16xf32>
    %swap3A_89 = arith.constant 1 : i32
    %swap3A_90 = arith.index_cast %swap3A_89 : i32 to index
    %swap3A_91 = arith.constant 48 : index
    %swap3A_92 = tpu.vector_load %arg10[%swap3A_90, %swap3A_91] {strides = array<i32>} : memref<16x128xf32, #tpu.memory_space<vmem>>, vector<1x16xf32>,
    %swap3A_93 = vector.shape_cast %swap3A_92 : vector<1x16xf32> to vector<16xf32>
    %swap3A_94 = vector.shape_cast %broadcast_in_dim3A_88 : vector<16xf32> to vector<1x16xf32>
    tpu.vector_store %arg10[%swap3A_90, %swap3A_91], %swap3A_94 {strides = array<i32>} : memref<16x128xf32, #tpu.memory_space<vmem>>, vector<1x16xf32>,
    %broadcast_in_dim3A_95 = arith.constant 0.000000e+00 : f32
    %broadcast_in_dim3A_96 = vector.broadcast %broadcast_in_dim3A_95 : f32 to vector<16xf32>
    %swap3A_97 = arith.constant 1 : i32
    %swap3A_98 = arith.index_cast %swap3A_97 : i32 to index
    %swap3A_99 = arith.constant 64 : index
    %swap3A_100 = tpu.vector_load %arg10[%swap3A_98, %swap3A_99] {strides = array<i32>} : memref<16x128xf32, #tpu.memory_space<vmem>>, vector<1x16xf32>,
    %swap3A_101 = vector.shape_cast %swap3A_100 : vector<1x16xf32> to vector<16xf32>
    %swap3A_102 = vector.shape_cast %broadcast_in_dim3A_96 : vector<16xf32> to vector<1x16xf32>
    tpu.vector_store %arg10[%swap3A_98, %swap3A_99], %swap3A_102 {strides = array<i32>} : memref<16x128xf32, #tpu.memory_space<vmem>>, vector<1x16xf32>,
    %broadcast_in_dim3A_103 = arith.constant 0.000000e+00 : f32
    %broadcast_in_dim3A_104 = vector.broadcast %broadcast_in_dim3A_103 : f32 to vector<16xf32>
    %swap3A_105 = arith.constant 1 : i32
    %swap3A_106 = arith.index_cast %swap3A_105 : i32 to index
    %swap3A_107 = arith.constant 80 : index
    %swap3A_108 = tpu.vector_load %arg10[%swap3A_106, %swap3A_107] {strides = array<i32>} : memref<16x128xf32, #tpu.memory_space<vmem>>, vector<1x16xf32>,
    %swap3A_109 = vector.shape_cast %swap3A_108 : vector<1x16xf32> to vector<16xf32>
    %swap3A_110 = vector.shape_cast %broadcast_in_dim3A_104 : vector<16xf32> to vector<1x16xf32>
    tpu.vector_store %arg10[%swap3A_106, %swap3A_107], %swap3A_110 {strides = array<i32>} : memref<16x128xf32, #tpu.memory_space<vmem>>, vector<1x16xf32>,
    %broadcast_in_dim3A_111 = arith.constant 0.000000e+00 : f32
    %broadcast_in_dim3A_112 = vector.broadcast %broadcast_in_dim3A_111 : f32 to vector<16xf32>
    %swap3A_113 = arith.constant 1 : i32
    %swap3A_114 = arith.index_cast %swap3A_113 : i32 to index
    %swap3A_115 = arith.constant 96 : index
    %swap3A_116 = tpu.vector_load %arg10[%swap3A_114, %swap3A_115] {strides = array<i32>} : memref<16x128xf32, #tpu.memory_space<vmem>>, vector<1x16xf32>,
    %swap3A_117 = vector.shape_cast %swap3A_116 : vector<1x16xf32> to vector<16xf32>
    %swap3A_118 = vector.shape_cast %broadcast_in_dim3A_112 : vector<16xf32> to vector<1x16xf32>
    tpu.vector_store %arg10[%swap3A_114, %swap3A_115], %swap3A_118 {strides = array<i32>} : memref<16x128xf32, #tpu.memory_space<vmem>>, vector<1x16xf32>,
    %broadcast_in_dim3A_119 = arith.constant 0.000000e+00 : f32
    %broadcast_in_dim3A_120 = vector.broadcast %broadcast_in_dim3A_119 : f32 to vector<16xf32>
    %swap3A_121 = arith.constant 1 : i32
    %swap3A_122 = arith.index_cast %swap3A_121 : i32 to index
    %swap3A_123 = arith.constant 112 : index
    %swap3A_124 = tpu.vector_load %arg10[%swap3A_122, %swap3A_123] {strides = array<i32>} : memref<16x128xf32, #tpu.memory_space<vmem>>, vector<1x16xf32>,
    %swap3A_125 = vector.shape_cast %swap3A_124 : vector<1x16xf32> to vector<16xf32>
    %swap3A_126 = vector.shape_cast %broadcast_in_dim3A_120 : vector<16xf32> to vector<1x16xf32>
    tpu.vector_store %arg10[%swap3A_122, %swap3A_123], %swap3A_126 {strides = array<i32>} : memref<16x128xf32, #tpu.memory_space<vmem>>, vector<1x16xf32>,
    %broadcast_in_dim3A_127 = arith.constant 0.000000e+00 : f32
    %broadcast_in_dim3A_128 = vector.broadcast %broadcast_in_dim3A_127 : f32 to vector<16xf32>
    %swap3A_129 = arith.constant 2 : i32
    %swap3A_130 = arith.index_cast %swap3A_129 : i32 to index
    %swap3A_131 = arith.constant 0 : index
    %swap3A_132 = tpu.vector_load %arg10[%swap3A_130, %swap3A_131] {strides = array<i32>} : memref<16x128xf32, #tpu.memory_space<vmem>>, vector<1x16xf32>,
    %swap3A_133 = vector.shape_cast %swap3A_132 : vector<1x16xf32> to vector<16xf32>
    %swap3A_134 = vector.shape_cast %broadcast_in_dim3A_128 : vector<16xf32> to vector<1x16xf32>
    tpu.vector_store %arg10[%swap3A_130, %swap3A_131], %swap3A_134 {strides = array<i32>} : memref<16x128xf32, #tpu.memory_space<vmem>>, vector<1x16xf32>,
    %broadcast_in_dim3A_135 = arith.constant 0.000000e+00 : f32
    %broadcast_in_dim3A_136 = vector.broadcast %broadcast_in_dim3A_135 : f32 to vector<16xf32>
    %swap3A_137 = arith.constant 2 : i32
    %swap3A_138 = arith.index_cast %swap3A_137 : i32 to index
    %swap3A_139 = arith.constant 16 : index
    %swap3A_140 = tpu.vector_load %arg10[%swap3A_138, %swap3A_139] {strides = array<i32>} : memref<16x128xf32, #tpu.memory_space<vmem>>, vector<1x16xf32>,
    %swap3A_141 = vector.shape_cast %swap3A_140 : vector<1x16xf32> to vector<16xf32>
    %swap3A_142 = vector.shape_cast %broadcast_in_dim3A_136 : vector<16xf32> to vector<1x16xf32>
    tpu.vector_store %arg10[%swap3A_138, %swap3A_139], %swap3A_142 {strides = array<i32>} : memref<16x128xf32, #tpu.memory_space<vmem>>, vector<1x16xf32>,
    %broadcast_in_dim3A_143 = arith.constant 0.000000e+00 : f32
    %broadcast_in_dim3A_144 = vector.broadcast %broadcast_in_dim3A_143 : f32 to vector<16xf32>
    %swap3A_145 = arith.constant 2 : i32
    %swap3A_146 = arith.index_cast %swap3A_145 : i32 to index
    %swap3A_147 = arith.constant 32 : index
    %swap3A_148 = tpu.vector_load %arg10[%swap3A_146, %swap3A_147] {strides = array<i32>} : memref<16x128xf32, #tpu.memory_space<vmem>>, vector<1x16xf32>,
    %swap3A_149 = vector.shape_cast %swap3A_148 : vector<1x16xf32> to vector<16xf32>
    %swap3A_150 = vector.shape_cast %broadcast_in_dim3A_144 : vector<16xf32> to vector<1x16xf32>
    tpu.vector_store %arg10[%swap3A_146, %swap3A_147], %swap3A_150 {strides = array<i32>} : memref<16x128xf32, #tpu.memory_space<vmem>>, vector<1x16xf32>,
    %broadcast_in_dim3A_151 = arith.constant 0.000000e+00 : f32
    %broadcast_in_dim3A_152 = vector.broadcast %broadcast_in_dim3A_151 : f32 to vector<16xf32>
    %swap3A_153 = arith.constant 2 : i32
    %swap3A_154 = arith.index_cast %swap3A_153 : i32 to index
    %swap3A_155 = arith.constant 48 : index
    %swap3A_156 = tpu.vector_load %arg10[%swap3A_154, %swap3A_155] {strides = array<i32>} : memref<16x128xf32, #tpu.memory_space<vmem>>, vector<1x16xf32>,
    %swap3A_157 = vector.shape_cast %swap3A_156 : vector<1x16xf32> to vector<16xf32>
    %swap3A_158 = vector.shape_cast %broadcast_in_dim3A_152 : vector<16xf32> to vector<1x16xf32>
    tpu.vector_store %arg10[%swap3A_154, %swap3A_155], %swap3A_158 {strides = array<i32>} : memref<16x128xf32, #tpu.memory_space<vmem>>, vector<1x16xf32>,
    %broadcast_in_dim3A_159 = arith.constant 0.000000e+00 : f32
    %broadcast_in_dim3A_160 = vector.broadcast %broadcast_in_dim3A_159 : f32 to vector<16xf32>
    %swap3A_161 = arith.constant 2 : i32
    %swap3A_162 = arith.index_cast %swap3A_161 : i32 to index
    %swap3A_163 = arith.constant 64 : index
    %swap3A_164 = tpu.vector_load %arg10[%swap3A_162, %swap3A_163] {strides = array<i32>} : memref<16x128xf32, #tpu.memory_space<vmem>>, vector<1x16xf32>,
    %swap3A_165 = vector.shape_cast %swap3A_164 : vector<1x16xf32> to vector<16xf32>
    %swap3A_166 = vector.shape_cast %broadcast_in_dim3A_160 : vector<16xf32> to vector<1x16xf32>
    tpu.vector_store %arg10[%swap3A_162, %swap3A_163], %swap3A_166 {strides = array<i32>} : memref<16x128xf32, #tpu.memory_space<vmem>>, vector<1x16xf32>,
    %broadcast_in_dim3A_167 = arith.constant 0.000000e+00 : f32
    %broadcast_in_dim3A_168 = vector.broadcast %broadcast_in_dim3A_167 : f32 to vector<16xf32>
    %swap3A_169 = arith.constant 2 : i32
    %swap3A_170 = arith.index_cast %swap3A_169 : i32 to index
    %swap3A_171 = arith.constant 80 : index
    %swap3A_172 = tpu.vector_load %arg10[%swap3A_170, %swap3A_171] {strides = array<i32>} : memref<16x128xf32, #tpu.memory_space<vmem>>, vector<1x16xf32>,
    %swap3A_173 = vector.shape_cast %swap3A_172 : vector<1x16xf32> to vector<16xf32>
    %swap3A_174 = vector.shape_cast %broadcast_in_dim3A_168 : vector<16xf32> to vector<1x16xf32>
    tpu.vector_store %arg10[%swap3A_170, %swap3A_171], %swap3A_174 {strides = array<i32>} : memref<16x128xf32, #tpu.memory_space<vmem>>, vector<1x16xf32>,
    %broadcast_in_dim3A_175 = arith.constant 0.000000e+00 : f32
    %broadcast_in_dim3A_176 = vector.broadcast %broadcast_in_dim3A_175 : f32 to vector<16xf32>
    %swap3A_177 = arith.constant 2 : i32
    %swap3A_178 = arith.index_cast %swap3A_177 : i32 to index
    %swap3A_179 = arith.constant 96 : index
    %swap3A_180 = tpu.vector_load %arg10[%swap3A_178, %swap3A_179] {strides = array<i32>} : memref<16x128xf32, #tpu.memory_space<vmem>>, vector<1x16xf32>,
    %swap3A_181 = vector.shape_cast %swap3A_180 : vector<1x16xf32> to vector<16xf32>
    %swap3A_182 = vector.shape_cast %broadcast_in_dim3A_176 : vector<16xf32> to vector<1x16xf32>
    tpu.vector_store %arg10[%swap3A_178, %swap3A_179], %swap3A_182 {strides = array<i32>} : memref<16x128xf32, #tpu.memory_space<vmem>>, vector<1x16xf32>,
    %broadcast_in_dim3A_183 = arith.constant 0.000000e+00 : f32
    %broadcast_in_dim3A_184 = vector.broadcast %broadcast_in_dim3A_183 : f32 to vector<16xf32>
    %swap3A_185 = arith.constant 2 : i32
    %swap3A_186 = arith.index_cast %swap3A_185 : i32 to index
    %swap3A_187 = arith.constant 112 : index
    %swap3A_188 = tpu.vector_load %arg10[%swap3A_186, %swap3A_187] {strides = array<i32>} : memref<16x128xf32, #tpu.memory_space<vmem>>, vector<1x16xf32>,
    %swap3A_189 = vector.shape_cast %swap3A_188 : vector<1x16xf32> to vector<16xf32>
    %swap3A_190 = vector.shape_cast %broadcast_in_dim3A_184 : vector<16xf32> to vector<1x16xf32>
    tpu.vector_store %arg10[%swap3A_186, %swap3A_187], %swap3A_190 {strides = array<i32>} : memref<16x128xf32, #tpu.memory_space<vmem>>, vector<1x16xf32>,
    %broadcast_in_dim3A_191 = arith.constant 0.000000e+00 : f32
    %broadcast_in_dim3A_192 = vector.broadcast %broadcast_in_dim3A_191 : f32 to vector<16xf32>
    %swap3A_193 = arith.constant 3 : i32
    %swap3A_194 = arith.index_cast %swap3A_193 : i32 to index
    %swap3A_195 = arith.constant 0 : index
    %swap3A_196 = tpu.vector_load %arg10[%swap3A_194, %swap3A_195] {strides = array<i32>} : memref<16x128xf32, #tpu.memory_space<vmem>>, vector<1x16xf32>,
    %swap3A_197 = vector.shape_cast %swap3A_196 : vector<1x16xf32> to vector<16xf32>
    %swap3A_198 = vector.shape_cast %broadcast_in_dim3A_192 : vector<16xf32> to vector<1x16xf32>
    tpu.vector_store %arg10[%swap3A_194, %swap3A_195], %swap3A_198 {strides = array<i32>} : memref<16x128xf32, #tpu.memory_space<vmem>>, vector<1x16xf32>,
    %broadcast_in_dim3A_199 = arith.constant 0.000000e+00 : f32
    %broadcast_in_dim3A_200 = vector.broadcast %broadcast_in_dim3A_199 : f32 to vector<16xf32>
    %swap3A_201 = arith.constant 3 : i32
    %swap3A_202 = arith.index_cast %swap3A_201 : i32 to index
    %swap3A_203 = arith.constant 16 : index
    %swap3A_204 = tpu.vector_load %arg10[%swap3A_202, %swap3A_203] {strides = array<i32>} : memref<16x128xf32, #tpu.memory_space<vmem>>, vector<1x16xf32>,
    %swap3A_205 = vector.shape_cast %swap3A_204 : vector<1x16xf32> to vector<16xf32>
    %swap3A_206 = vector.shape_cast %broadcast_in_dim3A_200 : vector<16xf32> to vector<1x16xf32>
    tpu.vector_store %arg10[%swap3A_202, %swap3A_203], %swap3A_206 {strides = array<i32>} : memref<16x128xf32, #tpu.memory_space<vmem>>, vector<1x16xf32>,
    %broadcast_in_dim3A_207 = arith.constant 0.000000e+00 : f32
    %broadcast_in_dim3A_208 = vector.broadcast %broadcast_in_dim3A_207 : f32 to vector<16xf32>
    %swap3A_209 = arith.constant 3 : i32
    %swap3A_210 = arith.index_cast %swap3A_209 : i32 to index
    %swap3A_211 = arith.constant 32 : index
    %swap3A_212 = tpu.vector_load %arg10[%swap3A_210, %swap3A_211] {strides = array<i32>} : memref<16x128xf32, #tpu.memory_space<vmem>>, vector<1x16xf32>,
    %swap3A_213 = vector.shape_cast %swap3A_212 : vector<1x16xf32> to vector<16xf32>
    %swap3A_214 = vector.shape_cast %broadcast_in_dim3A_208 : vector<16xf32> to vector<1x16xf32>
    tpu.vector_store %arg10[%swap3A_210, %swap3A_211], %swap3A_214 {strides = array<i32>} : memref<16x128xf32, #tpu.memory_space<vmem>>, vector<1x16xf32>,
    %broadcast_in_dim3A_215 = arith.constant 0.000000e+00 : f32
    %broadcast_in_dim3A_216 = vector.broadcast %broadcast_in_dim3A_215 : f32 to vector<16xf32>
    %swap3A_217 = arith.constant 3 : i32
    %swap3A_218 = arith.index_cast %swap3A_217 : i32 to index
    %swap3A_219 = arith.constant 48 : index
    %swap3A_220 = tpu.vector_load %arg10[%swap3A_218, %swap3A_219] {strides = array<i32>} : memref<16x128xf32, #tpu.memory_space<vmem>>, vector<1x16xf32>,
    %swap3A_221 = vector.shape_cast %swap3A_220 : vector<1x16xf32> to vector<16xf32>
    %swap3A_222 = vector.shape_cast %broadcast_in_dim3A_216 : vector<16xf32> to vector<1x16xf32>
    tpu.vector_store %arg10[%swap3A_218, %swap3A_219], %swap3A_222 {strides = array<i32>} : memref<16x128xf32, #tpu.memory_space<vmem>>, vector<1x16xf32>,
    %broadcast_in_dim3A_223 = arith.constant 0.000000e+00 : f32
    %broadcast_in_dim3A_224 = vector.broadcast %broadcast_in_dim3A_223 : f32 to vector<16xf32>
    %swap3A_225 = arith.constant 3 : i32
    %swap3A_226 = arith.index_cast %swap3A_225 : i32 to index
    %swap3A_227 = arith.constant 64 : index
    %swap3A_228 = tpu.vector_load %arg10[%swap3A_226, %swap3A_227] {strides = array<i32>} : memref<16x128xf32, #tpu.memory_space<vmem>>, vector<1x16xf32>,
    %swap3A_229 = vector.shape_cast %swap3A_228 : vector<1x16xf32> to vector<16xf32>
    %swap3A_230 = vector.shape_cast %broadcast_in_dim3A_224 : vector<16xf32> to vector<1x16xf32>
    tpu.vector_store %arg10[%swap3A_226, %swap3A_227], %swap3A_230 {strides = array<i32>} : memref<16x128xf32, #tpu.memory_space<vmem>>, vector<1x16xf32>,
    %broadcast_in_dim3A_231 = arith.constant 0.000000e+00 : f32
    %broadcast_in_dim3A_232 = vector.broadcast %broadcast_in_dim3A_231 : f32 to vector<16xf32>
    %swap3A_233 = arith.constant 3 : i32
    %swap3A_234 = arith.index_cast %swap3A_233 : i32 to index
    %swap3A_235 = arith.constant 80 : index
    %swap3A_236 = tpu.vector_load %arg10[%swap3A_234, %swap3A_235] {strides = array<i32>} : memref<16x128xf32, #tpu.memory_space<vmem>>, vector<1x16xf32>,
    %swap3A_237 = vector.shape_cast %swap3A_236 : vector<1x16xf32> to vector<16xf32>
    %swap3A_238 = vector.shape_cast %broadcast_in_dim3A_232 : vector<16xf32> to vector<1x16xf32>
    tpu.vector_store %arg10[%swap3A_234, %swap3A_235], %swap3A_238 {strides = array<i32>} : memref<16x128xf32, #tpu.memory_space<vmem>>, vector<1x16xf32>,
    %broadcast_in_dim3A_239 = arith.constant 0.000000e+00 : f32
    %broadcast_in_dim3A_240 = vector.broadcast %broadcast_in_dim3A_239 : f32 to vector<16xf32>
    %swap3A_241 = arith.constant 3 : i32
    %swap3A_242 = arith.index_cast %swap3A_241 : i32 to index
    %swap3A_243 = arith.constant 96 : index
    %swap3A_244 = tpu.vector_load %arg10[%swap3A_242, %swap3A_243] {strides = array<i32>} : memref<16x128xf32, #tpu.memory_space<vmem>>, vector<1x16xf32>,
    %swap3A_245 = vector.shape_cast %swap3A_244 : vector<1x16xf32> to vector<16xf32>
    %swap3A_246 = vector.shape_cast %broadcast_in_dim3A_240 : vector<16xf32> to vector<1x16xf32>
    tpu.vector_store %arg10[%swap3A_242, %swap3A_243], %swap3A_246 {strides = array<i32>} : memref<16x128xf32, #tpu.memory_space<vmem>>, vector<1x16xf32>,
    %broadcast_in_dim3A_247 = arith.constant 0.000000e+00 : f32
    %broadcast_in_dim3A_248 = vector.broadcast %broadcast_in_dim3A_247 : f32 to vector<16xf32>
    %swap3A_249 = arith.constant 3 : i32
    %swap3A_250 = arith.index_cast %swap3A_249 : i32 to index
    %swap3A_251 = arith.constant 112 : index
    %swap3A_252 = tpu.vector_load %arg10[%swap3A_250, %swap3A_251] {strides = array<i32>} : memref<16x128xf32, #tpu.memory_space<vmem>>, vector<1x16xf32>,
    %swap3A_253 = vector.shape_cast %swap3A_252 : vector<1x16xf32> to vector<16xf32>
    %swap3A_254 = vector.shape_cast %broadcast_in_dim3A_248 : vector<16xf32> to vector<1x16xf32>
    tpu.vector_store %arg10[%swap3A_250, %swap3A_251], %swap3A_254 {strides = array<i32>} : memref<16x128xf32, #tpu.memory_space<vmem>>, vector<1x16xf32>,
    %broadcast_in_dim3A_255 = arith.constant 0.000000e+00 : f32
    %broadcast_in_dim3A_256 = vector.broadcast %broadcast_in_dim3A_255 : f32 to vector<16xf32>
    %swap3A_257 = arith.constant 4 : i32
    %swap3A_258 = arith.index_cast %swap3A_257 : i32 to index
    %swap3A_259 = arith.constant 0 : index
    %swap3A_260 = tpu.vector_load %arg10[%swap3A_258, %swap3A_259] {strides = array<i32>} : memref<16x128xf32, #tpu.memory_space<vmem>>, vector<1x16xf32>,
    %swap3A_261 = vector.shape_cast %swap3A_260 : vector<1x16xf32> to vector<16xf32>
    %swap3A_262 = vector.shape_cast %broadcast_in_dim3A_256 : vector<16xf32> to vector<1x16xf32>
    tpu.vector_store %arg10[%swap3A_258, %swap3A_259], %swap3A_262 {strides = array<i32>} : memref<16x128xf32, #tpu.memory_space<vmem>>, vector<1x16xf32>,
    %broadcast_in_dim3A_263 = arith.constant 0.000000e+00 : f32
    %broadcast_in_dim3A_264 = vector.broadcast %broadcast_in_dim3A_263 : f32 to vector<16xf32>
    %swap3A_265 = arith.constant 4 : i32
    %swap3A_266 = arith.index_cast %swap3A_265 : i32 to index
    %swap3A_267 = arith.constant 16 : index
    %swap3A_268 = tpu.vector_load %arg10[%swap3A_266, %swap3A_267] {strides = array<i32>} : memref<16x128xf32, #tpu.memory_space<vmem>>, vector<1x16xf32>,
    %swap3A_269 = vector.shape_cast %swap3A_268 : vector<1x16xf32> to vector<16xf32>
    %swap3A_270 = vector.shape_cast %broadcast_in_dim3A_264 : vector<16xf32> to vector<1x16xf32>
    tpu.vector_store %arg10[%swap3A_266, %swap3A_267], %swap3A_270 {strides = array<i32>} : memref<16x128xf32, #tpu.memory_space<vmem>>, vector<1x16xf32>,
    %broadcast_in_dim3A_271 = arith.constant 0.000000e+00 : f32
    %broadcast_in_dim3A_272 = vector.broadcast %broadcast_in_dim3A_271 : f32 to vector<16xf32>
    %swap3A_273 = arith.constant 4 : i32
    %swap3A_274 = arith.index_cast %swap3A_273 : i32 to index
    %swap3A_275 = arith.constant 32 : index
    %swap3A_276 = tpu.vector_load %arg10[%swap3A_274, %swap3A_275] {strides = array<i32>} : memref<16x128xf32, #tpu.memory_space<vmem>>, vector<1x16xf32>,
    %swap3A_277 = vector.shape_cast %swap3A_276 : vector<1x16xf32> to vector<16xf32>
    %swap3A_278 = vector.shape_cast %broadcast_in_dim3A_272 : vector<16xf32> to vector<1x16xf32>
    tpu.vector_store %arg10[%swap3A_274, %swap3A_275], %swap3A_278 {strides = array<i32>} : memref<16x128xf32, #tpu.memory_space<vmem>>, vector<1x16xf32>,
    %broadcast_in_dim3A_279 = arith.constant 0.000000e+00 : f32
    %broadcast_in_dim3A_280 = vector.broadcast %broadcast_in_dim3A_279 : f32 to vector<16xf32>
    %swap3A_281 = arith.constant 4 : i32
    %swap3A_282 = arith.index_cast %swap3A_281 : i32 to index
    %swap3A_283 = arith.constant 48 : index
    %swap3A_284 = tpu.vector_load %arg10[%swap3A_282, %swap3A_283] {strides = array<i32>} : memref<16x128xf32, #tpu.memory_space<vmem>>, vector<1x16xf32>,
    %swap3A_285 = vector.shape_cast %swap3A_284 : vector<1x16xf32> to vector<16xf32>
    %swap3A_286 = vector.shape_cast %broadcast_in_dim3A_280 : vector<16xf32> to vector<1x16xf32>
    tpu.vector_store %arg10[%swap3A_282, %swap3A_283], %swap3A_286 {strides = array<i32>} : memref<16x128xf32, #tpu.memory_space<vmem>>, vector<1x16xf32>,
    %broadcast_in_dim3A_287 = arith.constant 0.000000e+00 : f32
    %broadcast_in_dim3A_288 = vector.broadcast %broadcast_in_dim3A_287 : f32 to vector<16xf32>
    %swap3A_289 = arith.constant 4 : i32
    %swap3A_290 = arith.index_cast %swap3A_289 : i32 to index
    %swap3A_291 = arith.constant 64 : index
    %swap3A_292 = tpu.vector_load %arg10[%swap3A_290, %swap3A_291] {strides = array<i32>} : memref<16x128xf32, #tpu.memory_space<vmem>>, vector<1x16xf32>,
    %swap3A_293 = vector.shape_cast %swap3A_292 : vector<1x16xf32> to vector<16xf32>
    %swap3A_294 = vector.shape_cast %broadcast_in_dim3A_288 : vector<16xf32> to vector<1x16xf32>
    tpu.vector_store %arg10[%swap3A_290, %swap3A_291], %swap3A_294 {strides = array<i32>} : memref<16x128xf32, #tpu.memory_space<vmem>>, vector<1x16xf32>,
    %broadcast_in_dim3A_295 = arith.constant 0.000000e+00 : f32
    %broadcast_in_dim3A_296 = vector.broadcast %broadcast_in_dim3A_295 : f32 to vector<16xf32>
    %swap3A_297 = arith.constant 4 : i32
    %swap3A_298 = arith.index_cast %swap3A_297 : i32 to index
    %swap3A_299 = arith.constant 80 : index
    %swap3A_300 = tpu.vector_load %arg10[%swap3A_298, %swap3A_299] {strides = array<i32>} : memref<16x128xf32, #tpu.memory_space<vmem>>, vector<1x16xf32>,
    %swap3A_301 = vector.shape_cast %swap3A_300 : vector<1x16xf32> to vector<16xf32>
    %swap3A_302 = vector.shape_cast %broadcast_in_dim3A_296 : vector<16xf32> to vector<1x16xf32>
    tpu.vector_store %arg10[%swap3A_298, %swap3A_299], %swap3A_302 {strides = array<i32>} : memref<16x128xf32, #tpu.memory_space<vmem>>, vector<1x16xf32>,
    %broadcast_in_dim3A_303 = arith.constant 0.000000e+00 : f32
    %broadcast_in_dim3A_304 = vector.broadcast %broadcast_in_dim3A_303 : f32 to vector<16xf32>
    %swap3A_305 = arith.constant 4 : i32
    %swap3A_306 = arith.index_cast %swap3A_305 : i32 to index
    %swap3A_307 = arith.constant 96 : index
    %swap3A_308 = tpu.vector_load %arg10[%swap3A_306, %swap3A_307] {strides = array<i32>} : memref<16x128xf32, #tpu.memory_space<vmem>>, vector<1x16xf32>,
    %swap3A_309 = vector.shape_cast %swap3A_308 : vector<1x16xf32> to vector<16xf32>
    %swap3A_310 = vector.shape_cast %broadcast_in_dim3A_304 : vector<16xf32> to vector<1x16xf32>
    tpu.vector_store %arg10[%swap3A_306, %swap3A_307], %swap3A_310 {strides = array<i32>} : memref<16x128xf32, #tpu.memory_space<vmem>>, vector<1x16xf32>,
    %broadcast_in_dim3A_311 = arith.constant 0.000000e+00 : f32
    %broadcast_in_dim3A_312 = vector.broadcast %broadcast_in_dim3A_311 : f32 to vector<16xf32>
    %swap3A_313 = arith.constant 4 : i32
    %swap3A_314 = arith.index_cast %swap3A_313 : i32 to index
    %swap3A_315 = arith.constant 112 : index
    %swap3A_316 = tpu.vector_load %arg10[%swap3A_314, %swap3A_315] {strides = array<i32>} : memref<16x128xf32, #tpu.memory_space<vmem>>, vector<1x16xf32>,
    %swap3A_317 = vector.shape_cast %swap3A_316 : vector<1x16xf32> to vector<16xf32>
    %swap3A_318 = vector.shape_cast %broadcast_in_dim3A_312 : vector<16xf32> to vector<1x16xf32>
    tpu.vector_store %arg10[%swap3A_314, %swap3A_315], %swap3A_318 {strides = array<i32>} : memref<16x128xf32, #tpu.memory_space<vmem>>, vector<1x16xf32>,
    %broadcast_in_dim3A_319 = arith.constant 0.000000e+00 : f32
    %broadcast_in_dim3A_320 = vector.broadcast %broadcast_in_dim3A_319 : f32 to vector<16xf32>
    %swap3A_321 = arith.constant 5 : i32
    %swap3A_322 = arith.index_cast %swap3A_321 : i32 to index
    %swap3A_323 = arith.constant 0 : index
    %swap3A_324 = tpu.vector_load %arg10[%swap3A_322, %swap3A_323] {strides = array<i32>} : memref<16x128xf32, #tpu.memory_space<vmem>>, vector<1x16xf32>,
    %swap3A_325 = vector.shape_cast %swap3A_324 : vector<1x16xf32> to vector<16xf32>
    %swap3A_326 = vector.shape_cast %broadcast_in_dim3A_320 : vector<16xf32> to vector<1x16xf32>
    tpu.vector_store %arg10[%swap3A_322, %swap3A_323], %swap3A_326 {strides = array<i32>} : memref<16x128xf32, #tpu.memory_space<vmem>>, vector<1x16xf32>,
    %broadcast_in_dim3A_327 = arith.constant 0.000000e+00 : f32
    %broadcast_in_dim3A_328 = vector.broadcast %broadcast_in_dim3A_327 : f32 to vector<16xf32>
    %swap3A_329 = arith.constant 5 : i32
    %swap3A_330 = arith.index_cast %swap3A_329 : i32 to index
    %swap3A_331 = arith.constant 16 : index
    %swap3A_332 = tpu.vector_load %arg10[%swap3A_330, %swap3A_331] {strides = array<i32>} : memref<16x128xf32, #tpu.memory_space<vmem>>, vector<1x16xf32>,
    %swap3A_333 = vector.shape_cast %swap3A_332 : vector<1x16xf32> to vector<16xf32>
    %swap3A_334 = vector.shape_cast %broadcast_in_dim3A_328 : vector<16xf32> to vector<1x16xf32>
    tpu.vector_store %arg10[%swap3A_330, %swap3A_331], %swap3A_334 {strides = array<i32>} : memref<16x128xf32, #tpu.memory_space<vmem>>, vector<1x16xf32>,
    %broadcast_in_dim3A_335 = arith.constant 0.000000e+00 : f32
    %broadcast_in_dim3A_336 = vector.broadcast %broadcast_in_dim3A_335 : f32 to vector<16xf32>
    %swap3A_337 = arith.constant 5 : i32
    %swap3A_338 = arith.index_cast %swap3A_337 : i32 to index
    %swap3A_339 = arith.constant 32 : index
    %swap3A_340 = tpu.vector_load %arg10[%swap3A_338, %swap3A_339] {strides = array<i32>} : memref<16x128xf32, #tpu.memory_space<vmem>>, vector<1x16xf32>,
    %swap3A_341 = vector.shape_cast %swap3A_340 : vector<1x16xf32> to vector<16xf32>
    %swap3A_342 = vector.shape_cast %broadcast_in_dim3A_336 : vector<16xf32> to vector<1x16xf32>
    tpu.vector_store %arg10[%swap3A_338, %swap3A_339], %swap3A_342 {strides = array<i32>} : memref<16x128xf32, #tpu.memory_space<vmem>>, vector<1x16xf32>,
    %broadcast_in_dim3A_343 = arith.constant 0.000000e+00 : f32
    %broadcast_in_dim3A_344 = vector.broadcast %broadcast_in_dim3A_343 : f32 to vector<16xf32>
    %swap3A_345 = arith.constant 5 : i32
    %swap3A_346 = arith.index_cast %swap3A_345 : i32 to index
    %swap3A_347 = arith.constant 48 : index
    %swap3A_348 = tpu.vector_load %arg10[%swap3A_346, %swap3A_347] {strides = array<i32>} : memref<16x128xf32, #tpu.memory_space<vmem>>, vector<1x16xf32>,
    %swap3A_349 = vector.shape_cast %swap3A_348 : vector<1x16xf32> to vector<16xf32>
    %swap3A_350 = vector.shape_cast %broadcast_in_dim3A_344 : vector<16xf32> to vector<1x16xf32>
    tpu.vector_store %arg10[%swap3A_346, %swap3A_347], %swap3A_350 {strides = array<i32>} : memref<16x128xf32, #tpu.memory_space<vmem>>, vector<1x16xf32>,
    %broadcast_in_dim3A_351 = arith.constant 0.000000e+00 : f32
    %broadcast_in_dim3A_352 = vector.broadcast %broadcast_in_dim3A_351 : f32 to vector<16xf32>
    %swap3A_353 = arith.constant 5 : i32
    %swap3A_354 = arith.index_cast %swap3A_353 : i32 to index
    %swap3A_355 = arith.constant 64 : index
    %swap3A_356 = tpu.vector_load %arg10[%swap3A_354, %swap3A_355] {strides = array<i32>} : memref<16x128xf32, #tpu.memory_space<vmem>>, vector<1x16xf32>,
    %swap3A_357 = vector.shape_cast %swap3A_356 : vector<1x16xf32> to vector<16xf32>
    %swap3A_358 = vector.shape_cast %broadcast_in_dim3A_352 : vector<16xf32> to vector<1x16xf32>
    tpu.vector_store %arg10[%swap3A_354, %swap3A_355], %swap3A_358 {strides = array<i32>} : memref<16x128xf32, #tpu.memory_space<vmem>>, vector<1x16xf32>,
    %broadcast_in_dim3A_359 = arith.constant 0.000000e+00 : f32
    %broadcast_in_dim3A_360 = vector.broadcast %broadcast_in_dim3A_359 : f32 to vector<16xf32>
    %swap3A_361 = arith.constant 5 : i32
    %swap3A_362 = arith.index_cast %swap3A_361 : i32 to index
    %swap3A_363 = arith.constant 80 : index
    %swap3A_364 = tpu.vector_load %arg10[%swap3A_362, %swap3A_363] {strides = array<i32>} : memref<16x128xf32, #tpu.memory_space<vmem>>, vector<1x16xf32>,
    %swap3A_365 = vector.shape_cast %swap3A_364 : vector<1x16xf32> to vector<16xf32>
    %swap3A_366 = vector.shape_cast %broadcast_in_dim3A_360 : vector<16xf32> to vector<1x16xf32>
    tpu.vector_store %arg10[%swap3A_362, %swap3A_363], %swap3A_366 {strides = array<i32>} : memref<16x128xf32, #tpu.memory_space<vmem>>, vector<1x16xf32>,
    %broadcast_in_dim3A_367 = arith.constant 0.000000e+00 : f32
    %broadcast_in_dim3A_368 = vector.broadcast %broadcast_in_dim3A_367 : f32 to vector<16xf32>
    %swap3A_369 = arith.constant 5 : i32
    %swap3A_370 = arith.index_cast %swap3A_369 : i32 to index
    %swap3A_371 = arith.constant 96 : index
    %swap3A_372 = tpu.vector_load %arg10[%swap3A_370, %swap3A_371] {strides = array<i32>} : memref<16x128xf32, #tpu.memory_space<vmem>>, vector<1x16xf32>,
    %swap3A_373 = vector.shape_cast %swap3A_372 : vector<1x16xf32> to vector<16xf32>
    %swap3A_374 = vector.shape_cast %broadcast_in_dim3A_368 : vector<16xf32> to vector<1x16xf32>
    tpu.vector_store %arg10[%swap3A_370, %swap3A_371], %swap3A_374 {strides = array<i32>} : memref<16x128xf32, #tpu.memory_space<vmem>>, vector<1x16xf32>,
    %broadcast_in_dim3A_375 = arith.constant 0.000000e+00 : f32
    %broadcast_in_dim3A_376 = vector.broadcast %broadcast_in_dim3A_375 : f32 to vector<16xf32>
    %swap3A_377 = arith.constant 5 : i32
    %swap3A_378 = arith.index_cast %swap3A_377 : i32 to index
    %swap3A_379 = arith.constant 112 : index
    %swap3A_380 = tpu.vector_load %arg10[%swap3A_378, %swap3A_379] {strides = array<i32>} : memref<16x128xf32, #tpu.memory_space<vmem>>, vector<1x16xf32>,
    %swap3A_381 = vector.shape_cast %swap3A_380 : vector<1x16xf32> to vector<16xf32>
    %swap3A_382 = vector.shape_cast %broadcast_in_dim3A_376 : vector<16xf32> to vector<1x16xf32>
    tpu.vector_store %arg10[%swap3A_378, %swap3A_379], %swap3A_382 {strides = array<i32>} : memref<16x128xf32, #tpu.memory_space<vmem>>, vector<1x16xf32>,
    %broadcast_in_dim3A_383 = arith.constant 0.000000e+00 : f32
    %broadcast_in_dim3A_384 = vector.broadcast %broadcast_in_dim3A_383 : f32 to vector<16xf32>
    %swap3A_385 = arith.constant 6 : i32
    %swap3A_386 = arith.index_cast %swap3A_385 : i32 to index
    %swap3A_387 = arith.constant 0 : index
    %swap3A_388 = tpu.vector_load %arg10[%swap3A_386, %swap3A_387] {strides = array<i32>} : memref<16x128xf32, #tpu.memory_space<vmem>>, vector<1x16xf32>,
    %swap3A_389 = vector.shape_cast %swap3A_388 : vector<1x16xf32> to vector<16xf32>
    %swap3A_390 = vector.shape_cast %broadcast_in_dim3A_384 : vector<16xf32> to vector<1x16xf32>
    tpu.vector_store %arg10[%swap3A_386, %swap3A_387], %swap3A_390 {strides = array<i32>} : memref<16x128xf32, #tpu.memory_space<vmem>>, vector<1x16xf32>,
    %broadcast_in_dim3A_391 = arith.constant 0.000000e+00 : f32
    %broadcast_in_dim3A_392 = vector.broadcast %broadcast_in_dim3A_391 : f32 to vector<16xf32>
    %swap3A_393 = arith.constant 6 : i32
    %swap3A_394 = arith.index_cast %swap3A_393 : i32 to index
    %swap3A_395 = arith.constant 16 : index
    %swap3A_396 = tpu.vector_load %arg10[%swap3A_394, %swap3A_395] {strides = array<i32>} : memref<16x128xf32, #tpu.memory_space<vmem>>, vector<1x16xf32>,
    %swap3A_397 = vector.shape_cast %swap3A_396 : vector<1x16xf32> to vector<16xf32>
    %swap3A_398 = vector.shape_cast %broadcast_in_dim3A_392 : vector<16xf32> to vector<1x16xf32>
    tpu.vector_store %arg10[%swap3A_394, %swap3A_395], %swap3A_398 {strides = array<i32>} : memref<16x128xf32, #tpu.memory_space<vmem>>, vector<1x16xf32>,
    %broadcast_in_dim3A_399 = arith.constant 0.000000e+00 : f32
    %broadcast_in_dim3A_400 = vector.broadcast %broadcast_in_dim3A_399 : f32 to vector<16xf32>
    %swap3A_401 = arith.constant 6 : i32
    %swap3A_402 = arith.index_cast %swap3A_401 : i32 to index
    %swap3A_403 = arith.constant 32 : index
    %swap3A_404 = tpu.vector_load %arg10[%swap3A_402, %swap3A_403] {strides = array<i32>} : memref<16x128xf32, #tpu.memory_space<vmem>>, vector<1x16xf32>,
    %swap3A_405 = vector.shape_cast %swap3A_404 : vector<1x16xf32> to vector<16xf32>
    %swap3A_406 = vector.shape_cast %broadcast_in_dim3A_400 : vector<16xf32> to vector<1x16xf32>
    tpu.vector_store %arg10[%swap3A_402, %swap3A_403], %swap3A_406 {strides = array<i32>} : memref<16x128xf32, #tpu.memory_space<vmem>>, vector<1x16xf32>,
    %broadcast_in_dim3A_407 = arith.constant 0.000000e+00 : f32
    %broadcast_in_dim3A_408 = vector.broadcast %broadcast_in_dim3A_407 : f32 to vector<16xf32>
    %swap3A_409 = arith.constant 6 : i32
    %swap3A_410 = arith.index_cast %swap3A_409 : i32 to index
    %swap3A_411 = arith.constant 48 : index
    %swap3A_412 = tpu.vector_load %arg10[%swap3A_410, %swap3A_411] {strides = array<i32>} : memref<16x128xf32, #tpu.memory_space<vmem>>, vector<1x16xf32>,
    %swap3A_413 = vector.shape_cast %swap3A_412 : vector<1x16xf32> to vector<16xf32>
    %swap3A_414 = vector.shape_cast %broadcast_in_dim3A_408 : vector<16xf32> to vector<1x16xf32>
    tpu.vector_store %arg10[%swap3A_410, %swap3A_411], %swap3A_414 {strides = array<i32>} : memref<16x128xf32, #tpu.memory_space<vmem>>, vector<1x16xf32>,
    %broadcast_in_dim3A_415 = arith.constant 0.000000e+00 : f32
    %broadcast_in_dim3A_416 = vector.broadcast %broadcast_in_dim3A_415 : f32 to vector<16xf32>
    %swap3A_417 = arith.constant 6 : i32
    %swap3A_418 = arith.index_cast %swap3A_417 : i32 to index
    %swap3A_419 = arith.constant 64 : index
    %swap3A_420 = tpu.vector_load %arg10[%swap3A_418, %swap3A_419] {strides = array<i32>} : memref<16x128xf32, #tpu.memory_space<vmem>>, vector<1x16xf32>,
    %swap3A_421 = vector.shape_cast %swap3A_420 : vector<1x16xf32> to vector<16xf32>
    %swap3A_422 = vector.shape_cast %broadcast_in_dim3A_416 : vector<16xf32> to vector<1x16xf32>
    tpu.vector_store %arg10[%swap3A_418, %swap3A_419], %swap3A_422 {strides = array<i32>} : memref<16x128xf32, #tpu.memory_space<vmem>>, vector<1x16xf32>,
    %broadcast_in_dim3A_423 = arith.constant 0.000000e+00 : f32
    %broadcast_in_dim3A_424 = vector.broadcast %broadcast_in_dim3A_423 : f32 to vector<16xf32>
    %swap3A_425 = arith.constant 6 : i32
    %swap3A_426 = arith.index_cast %swap3A_425 : i32 to index
    %swap3A_427 = arith.constant 80 : index
    %swap3A_428 = tpu.vector_load %arg10[%swap3A_426, %swap3A_427] {strides = array<i32>} : memref<16x128xf32, #tpu.memory_space<vmem>>, vector<1x16xf32>,
    %swap3A_429 = vector.shape_cast %swap3A_428 : vector<1x16xf32> to vector<16xf32>
    %swap3A_430 = vector.shape_cast %broadcast_in_dim3A_424 : vector<16xf32> to vector<1x16xf32>
    tpu.vector_store %arg10[%swap3A_426, %swap3A_427], %swap3A_430 {strides = array<i32>} : memref<16x128xf32, #tpu.memory_space<vmem>>, vector<1x16xf32>,
    %broadcast_in_dim3A_431 = arith.constant 0.000000e+00 : f32
    %broadcast_in_dim3A_432 = vector.broadcast %broadcast_in_dim3A_431 : f32 to vector<16xf32>
    %swap3A_433 = arith.constant 6 : i32
    %swap3A_434 = arith.index_cast %swap3A_433 : i32 to index
    %swap3A_435 = arith.constant 96 : index
    %swap3A_436 = tpu.vector_load %arg10[%swap3A_434, %swap3A_435] {strides = array<i32>} : memref<16x128xf32, #tpu.memory_space<vmem>>, vector<1x16xf32>,
    %swap3A_437 = vector.shape_cast %swap3A_436 : vector<1x16xf32> to vector<16xf32>
    %swap3A_438 = vector.shape_cast %broadcast_in_dim3A_432 : vector<16xf32> to vector<1x16xf32>
    tpu.vector_store %arg10[%swap3A_434, %swap3A_435], %swap3A_438 {strides = array<i32>} : memref<16x128xf32, #tpu.memory_space<vmem>>, vector<1x16xf32>,
    %broadcast_in_dim3A_439 = arith.constant 0.000000e+00 : f32
    %broadcast_in_dim3A_440 = vector.broadcast %broadcast_in_dim3A_439 : f32 to vector<16xf32>
    %swap3A_441 = arith.constant 6 : i32
    %swap3A_442 = arith.index_cast %swap3A_441 : i32 to index
    %swap3A_443 = arith.constant 112 : index
    %swap3A_444 = tpu.vector_load %arg10[%swap3A_442, %swap3A_443] {strides = array<i32>} : memref<16x128xf32, #tpu.memory_space<vmem>>, vector<1x16xf32>,
    %swap3A_445 = vector.shape_cast %swap3A_444 : vector<1x16xf32> to vector<16xf32>
    %swap3A_446 = vector.shape_cast %broadcast_in_dim3A_440 : vector<16xf32> to vector<1x16xf32>
    tpu.vector_store %arg10[%swap3A_442, %swap3A_443], %swap3A_446 {strides = array<i32>} : memref<16x128xf32, #tpu.memory_space<vmem>>, vector<1x16xf32>,
    %broadcast_in_dim3A_447 = arith.constant 0.000000e+00 : f32
    %broadcast_in_dim3A_448 = vector.broadcast %broadcast_in_dim3A_447 : f32 to vector<16xf32>
    %swap3A_449 = arith.constant 7 : i32
    %swap3A_450 = arith.index_cast %swap3A_449 : i32 to index
    %swap3A_451 = arith.constant 0 : index
    %swap3A_452 = tpu.vector_load %arg10[%swap3A_450, %swap3A_451] {strides = array<i32>} : memref<16x128xf32, #tpu.memory_space<vmem>>, vector<1x16xf32>,
    %swap3A_453 = vector.shape_cast %swap3A_452 : vector<1x16xf32> to vector<16xf32>
    %swap3A_454 = vector.shape_cast %broadcast_in_dim3A_448 : vector<16xf32> to vector<1x16xf32>
    tpu.vector_store %arg10[%swap3A_450, %swap3A_451], %swap3A_454 {strides = array<i32>} : memref<16x128xf32, #tpu.memory_space<vmem>>, vector<1x16xf32>,
    %broadcast_in_dim3A_455 = arith.constant 0.000000e+00 : f32
    %broadcast_in_dim3A_456 = vector.broadcast %broadcast_in_dim3A_455 : f32 to vector<16xf32>
    %swap3A_457 = arith.constant 7 : i32
    %swap3A_458 = arith.index_cast %swap3A_457 : i32 to index
    %swap3A_459 = arith.constant 16 : index
    %swap3A_460 = tpu.vector_load %arg10[%swap3A_458, %swap3A_459] {strides = array<i32>} : memref<16x128xf32, #tpu.memory_space<vmem>>, vector<1x16xf32>,
    %swap3A_461 = vector.shape_cast %swap3A_460 : vector<1x16xf32> to vector<16xf32>
    %swap3A_462 = vector.shape_cast %broadcast_in_dim3A_456 : vector<16xf32> to vector<1x16xf32>
    tpu.vector_store %arg10[%swap3A_458, %swap3A_459], %swap3A_462 {strides = array<i32>} : memref<16x128xf32, #tpu.memory_space<vmem>>, vector<1x16xf32>,
    %broadcast_in_dim3A_463 = arith.constant 0.000000e+00 : f32
    %broadcast_in_dim3A_464 = vector.broadcast %broadcast_in_dim3A_463 : f32 to vector<16xf32>
    %swap3A_465 = arith.constant 7 : i32
    %swap3A_466 = arith.index_cast %swap3A_465 : i32 to index
    %swap3A_467 = arith.constant 32 : index
    %swap3A_468 = tpu.vector_load %arg10[%swap3A_466, %swap3A_467] {strides = array<i32>} : memref<16x128xf32, #tpu.memory_space<vmem>>, vector<1x16xf32>,
    %swap3A_469 = vector.shape_cast %swap3A_468 : vector<1x16xf32> to vector<16xf32>
    %swap3A_470 = vector.shape_cast %broadcast_in_dim3A_464 : vector<16xf32> to vector<1x16xf32>
    tpu.vector_store %arg10[%swap3A_466, %swap3A_467], %swap3A_470 {strides = array<i32>} : memref<16x128xf32, #tpu.memory_space<vmem>>, vector<1x16xf32>,
    %broadcast_in_dim3A_471 = arith.constant 0.000000e+00 : f32
    %broadcast_in_dim3A_472 = vector.broadcast %broadcast_in_dim3A_471 : f32 to vector<16xf32>
    %swap3A_473 = arith.constant 7 : i32
    %swap3A_474 = arith.index_cast %swap3A_473 : i32 to index
    %swap3A_475 = arith.constant 48 : index
    %swap3A_476 = tpu.vector_load %arg10[%swap3A_474, %swap3A_475] {strides = array<i32>} : memref<16x128xf32, #tpu.memory_space<vmem>>, vector<1x16xf32>,
    %swap3A_477 = vector.shape_cast %swap3A_476 : vector<1x16xf32> to vector<16xf32>
    %swap3A_478 = vector.shape_cast %broadcast_in_dim3A_472 : vector<16xf32> to vector<1x16xf32>
    tpu.vector_store %arg10[%swap3A_474, %swap3A_475], %swap3A_478 {strides = array<i32>} : memref<16x128xf32, #tpu.memory_space<vmem>>, vector<1x16xf32>,
    %broadcast_in_dim3A_479 = arith.constant 0.000000e+00 : f32
    %broadcast_in_dim3A_480 = vector.broadcast %broadcast_in_dim3A_479 : f32 to vector<16xf32>
    %swap3A_481 = arith.constant 7 : i32
    %swap3A_482 = arith.index_cast %swap3A_481 : i32 to index
    %swap3A_483 = arith.constant 64 : index
    %swap3A_484 = tpu.vector_load %arg10[%swap3A_482, %swap3A_483] {strides = array<i32>} : memref<16x128xf32, #tpu.memory_space<vmem>>, vector<1x16xf32>,
    %swap3A_485 = vector.shape_cast %swap3A_484 : vector<1x16xf32> to vector<16xf32>
    %swap3A_486 = vector.shape_cast %broadcast_in_dim3A_480 : vector<16xf32> to vector<1x16xf32>
    tpu.vector_store %arg10[%swap3A_482, %swap3A_483], %swap3A_486 {strides = array<i32>} : memref<16x128xf32, #tpu.memory_space<vmem>>, vector<1x16xf32>,
    %broadcast_in_dim3A_487 = arith.constant 0.000000e+00 : f32
    %broadcast_in_dim3A_488 = vector.broadcast %broadcast_in_dim3A_487 : f32 to vector<16xf32>
    %swap3A_489 = arith.constant 7 : i32
    %swap3A_490 = arith.index_cast %swap3A_489 : i32 to index
    %swap3A_491 = arith.constant 80 : index
    %swap3A_492 = tpu.vector_load %arg10[%swap3A_490, %swap3A_491] {strides = array<i32>} : memref<16x128xf32, #tpu.memory_space<vmem>>, vector<1x16xf32>,
    %swap3A_493 = vector.shape_cast %swap3A_492 : vector<1x16xf32> to vector<16xf32>
    %swap3A_494 = vector.shape_cast %broadcast_in_dim3A_488 : vector<16xf32> to vector<1x16xf32>
    tpu.vector_store %arg10[%swap3A_490, %swap3A_491], %swap3A_494 {strides = array<i32>} : memref<16x128xf32, #tpu.memory_space<vmem>>, vector<1x16xf32>,
    %broadcast_in_dim3A_495 = arith.constant 0.000000e+00 : f32
    %broadcast_in_dim3A_496 = vector.broadcast %broadcast_in_dim3A_495 : f32 to vector<16xf32>
    %swap3A_497 = arith.constant 7 : i32
    %swap3A_498 = arith.index_cast %swap3A_497 : i32 to index
    %swap3A_499 = arith.constant 96 : index
    %swap3A_500 = tpu.vector_load %arg10[%swap3A_498, %swap3A_499] {strides = array<i32>} : memref<16x128xf32, #tpu.memory_space<vmem>>, vector<1x16xf32>,
    %swap3A_501 = vector.shape_cast %swap3A_500 : vector<1x16xf32> to vector<16xf32>
    %swap3A_502 = vector.shape_cast %broadcast_in_dim3A_496 : vector<16xf32> to vector<1x16xf32>
    tpu.vector_store %arg10[%swap3A_498, %swap3A_499], %swap3A_502 {strides = array<i32>} : memref<16x128xf32, #tpu.memory_space<vmem>>, vector<1x16xf32>,
    %broadcast_in_dim3A_503 = arith.constant 0.000000e+00 : f32
    %broadcast_in_dim3A_504 = vector.broadcast %broadcast_in_dim3A_503 : f32 to vector<16xf32>
    %swap3A_505 = arith.constant 7 : i32
    %swap3A_506 = arith.index_cast %swap3A_505 : i32 to index
    %swap3A_507 = arith.constant 112 : index
    %swap3A_508 = tpu.vector_load %arg10[%swap3A_506, %swap3A_507] {strides = array<i32>} : memref<16x128xf32, #tpu.memory_space<vmem>>, vector<1x16xf32>,
    %swap3A_509 = vector.shape_cast %swap3A_508 : vector<1x16xf32> to vector<16xf32>
    %swap3A_510 = vector.shape_cast %broadcast_in_dim3A_504 : vector<16xf32> to vector<1x16xf32>
    tpu.vector_store %arg10[%swap3A_506, %swap3A_507], %swap3A_510 {strides = array<i32>} : memref<16x128xf32, #tpu.memory_space<vmem>>, vector<1x16xf32>,
    %broadcast_in_dim3A_511 = arith.constant 0.000000e+00 : f32
    %broadcast_in_dim3A_512 = vector.broadcast %broadcast_in_dim3A_511 : f32 to vector<16xf32>
    %swap3A_513 = arith.constant 8 : i32
    %swap3A_514 = arith.index_cast %swap3A_513 : i32 to index
    %swap3A_515 = arith.constant 0 : index
    %swap3A_516 = tpu.vector_load %arg10[%swap3A_514, %swap3A_515] {strides = array<i32>} : memref<16x128xf32, #tpu.memory_space<vmem>>, vector<1x16xf32>,
    %swap3A_517 = vector.shape_cast %swap3A_516 : vector<1x16xf32> to vector<16xf32>
    %swap3A_518 = vector.shape_cast %broadcast_in_dim3A_512 : vector<16xf32> to vector<1x16xf32>
    tpu.vector_store %arg10[%swap3A_514, %swap3A_515], %swap3A_518 {strides = array<i32>} : memref<16x128xf32, #tpu.memory_space<vmem>>, vector<1x16xf32>,
    %broadcast_in_dim3A_519 = arith.constant 0.000000e+00 : f32
    %broadcast_in_dim3A_520 = vector.broadcast %broadcast_in_dim3A_519 : f32 to vector<16xf32>
    %swap3A_521 = arith.constant 8 : i32
    %swap3A_522 = arith.index_cast %swap3A_521 : i32 to index
    %swap3A_523 = arith.constant 16 : index
    %swap3A_524 = tpu.vector_load %arg10[%swap3A_522, %swap3A_523] {strides = array<i32>} : memref<16x128xf32, #tpu.memory_space<vmem>>, vector<1x16xf32>,
    %swap3A_525 = vector.shape_cast %swap3A_524 : vector<1x16xf32> to vector<16xf32>
    %swap3A_526 = vector.shape_cast %broadcast_in_dim3A_520 : vector<16xf32> to vector<1x16xf32>
    tpu.vector_store %arg10[%swap3A_522, %swap3A_523], %swap3A_526 {strides = array<i32>} : memref<16x128xf32, #tpu.memory_space<vmem>>, vector<1x16xf32>,
    %broadcast_in_dim3A_527 = arith.constant 0.000000e+00 : f32
    %broadcast_in_dim3A_528 = vector.broadcast %broadcast_in_dim3A_527 : f32 to vector<16xf32>
    %swap3A_529 = arith.constant 8 : i32
    %swap3A_530 = arith.index_cast %swap3A_529 : i32 to index
    %swap3A_531 = arith.constant 32 : index
    %swap3A_532 = tpu.vector_load %arg10[%swap3A_530, %swap3A_531] {strides = array<i32>} : memref<16x128xf32, #tpu.memory_space<vmem>>, vector<1x16xf32>,
    %swap3A_533 = vector.shape_cast %swap3A_532 : vector<1x16xf32> to vector<16xf32>
    %swap3A_534 = vector.shape_cast %broadcast_in_dim3A_528 : vector<16xf32> to vector<1x16xf32>
    tpu.vector_store %arg10[%swap3A_530, %swap3A_531], %swap3A_534 {strides = array<i32>} : memref<16x128xf32, #tpu.memory_space<vmem>>, vector<1x16xf32>,
    %broadcast_in_dim3A_535 = arith.constant 0.000000e+00 : f32
    %broadcast_in_dim3A_536 = vector.broadcast %broadcast_in_dim3A_535 : f32 to vector<16xf32>
    %swap3A_537 = arith.constant 8 : i32
    %swap3A_538 = arith.index_cast %swap3A_537 : i32 to index
    %swap3A_539 = arith.constant 48 : index
    %swap3A_540 = tpu.vector_load %arg10[%swap3A_538, %swap3A_539] {strides = array<i32>} : memref<16x128xf32, #tpu.memory_space<vmem>>, vector<1x16xf32>,
    %swap3A_541 = vector.shape_cast %swap3A_540 : vector<1x16xf32> to vector<16xf32>
    %swap3A_542 = vector.shape_cast %broadcast_in_dim3A_536 : vector<16xf32> to vector<1x16xf32>
    tpu.vector_store %arg10[%swap3A_538, %swap3A_539], %swap3A_542 {strides = array<i32>} : memref<16x128xf32, #tpu.memory_space<vmem>>, vector<1x16xf32>,
    %broadcast_in_dim3A_543 = arith.constant 0.000000e+00 : f32
    %broadcast_in_dim3A_544 = vector.broadcast %broadcast_in_dim3A_543 : f32 to vector<16xf32>
    %swap3A_545 = arith.constant 8 : i32
    %swap3A_546 = arith.index_cast %swap3A_545 : i32 to index
    %swap3A_547 = arith.constant 64 : index
    %swap3A_548 = tpu.vector_load %arg10[%swap3A_546, %swap3A_547] {strides = array<i32>} : memref<16x128xf32, #tpu.memory_space<vmem>>, vector<1x16xf32>,
    %swap3A_549 = vector.shape_cast %swap3A_548 : vector<1x16xf32> to vector<16xf32>
    %swap3A_550 = vector.shape_cast %broadcast_in_dim3A_544 : vector<16xf32> to vector<1x16xf32>
    tpu.vector_store %arg10[%swap3A_546, %swap3A_547], %swap3A_550 {strides = array<i32>} : memref<16x128xf32, #tpu.memory_space<vmem>>, vector<1x16xf32>,
    %broadcast_in_dim3A_551 = arith.constant 0.000000e+00 : f32
    %broadcast_in_dim3A_552 = vector.broadcast %broadcast_in_dim3A_551 : f32 to vector<16xf32>
    %swap3A_553 = arith.constant 8 : i32
    %swap3A_554 = arith.index_cast %swap3A_553 : i32 to index
    %swap3A_555 = arith.constant 80 : index
    %swap3A_556 = tpu.vector_load %arg10[%swap3A_554, %swap3A_555] {strides = array<i32>} : memref<16x128xf32, #tpu.memory_space<vmem>>, vector<1x16xf32>,
    %swap3A_557 = vector.shape_cast %swap3A_556 : vector<1x16xf32> to vector<16xf32>
    %swap3A_558 = vector.shape_cast %broadcast_in_dim3A_552 : vector<16xf32> to vector<1x16xf32>
    tpu.vector_store %arg10[%swap3A_554, %swap3A_555], %swap3A_558 {strides = array<i32>} : memref<16x128xf32, #tpu.memory_space<vmem>>, vector<1x16xf32>,
    %broadcast_in_dim3A_559 = arith.constant 0.000000e+00 : f32
    %broadcast_in_dim3A_560 = vector.broadcast %broadcast_in_dim3A_559 : f32 to vector<16xf32>
    %swap3A_561 = arith.constant 8 : i32
    %swap3A_562 = arith.index_cast %swap3A_561 : i32 to index
    %swap3A_563 = arith.constant 96 : index
    %swap3A_564 = tpu.vector_load %arg10[%swap3A_562, %swap3A_563] {strides = array<i32>} : memref<16x128xf32, #tpu.memory_space<vmem>>, vector<1x16xf32>,
    %swap3A_565 = vector.shape_cast %swap3A_564 : vector<1x16xf32> to vector<16xf32>
    %swap3A_566 = vector.shape_cast %broadcast_in_dim3A_560 : vector<16xf32> to vector<1x16xf32>
    tpu.vector_store %arg10[%swap3A_562, %swap3A_563], %swap3A_566 {strides = array<i32>} : memref<16x128xf32, #tpu.memory_space<vmem>>, vector<1x16xf32>,
    %broadcast_in_dim3A_567 = arith.constant 0.000000e+00 : f32
    %broadcast_in_dim3A_568 = vector.broadcast %broadcast_in_dim3A_567 : f32 to vector<16xf32>
    %swap3A_569 = arith.constant 8 : i32
    %swap3A_570 = arith.index_cast %swap3A_569 : i32 to index
    %swap3A_571 = arith.constant 112 : index
    %swap3A_572 = tpu.vector_load %arg10[%swap3A_570, %swap3A_571] {strides = array<i32>} : memref<16x128xf32, #tpu.memory_space<vmem>>, vector<1x16xf32>,
    %swap3A_573 = vector.shape_cast %swap3A_572 : vector<1x16xf32> to vector<16xf32>
    %swap3A_574 = vector.shape_cast %broadcast_in_dim3A_568 : vector<16xf32> to vector<1x16xf32>
    tpu.vector_store %arg10[%swap3A_570, %swap3A_571], %swap3A_574 {strides = array<i32>} : memref<16x128xf32, #tpu.memory_space<vmem>>, vector<1x16xf32>,
    %broadcast_in_dim3A_575 = arith.constant 0.000000e+00 : f32
    %broadcast_in_dim3A_576 = vector.broadcast %broadcast_in_dim3A_575 : f32 to vector<16xf32>
    %swap3A_577 = arith.constant 9 : i32
    %swap3A_578 = arith.index_cast %swap3A_577 : i32 to index
    %swap3A_579 = arith.constant 0 : index
    %swap3A_580 = tpu.vector_load %arg10[%swap3A_578, %swap3A_579] {strides = array<i32>} : memref<16x128xf32, #tpu.memory_space<vmem>>, vector<1x16xf32>,
    %swap3A_581 = vector.shape_cast %swap3A_580 : vector<1x16xf32> to vector<16xf32>
    %swap3A_582 = vector.shape_cast %broadcast_in_dim3A_576 : vector<16xf32> to vector<1x16xf32>
    tpu.vector_store %arg10[%swap3A_578, %swap3A_579], %swap3A_582 {strides = array<i32>} : memref<16x128xf32, #tpu.memory_space<vmem>>, vector<1x16xf32>,
    %broadcast_in_dim3A_583 = arith.constant 0.000000e+00 : f32
    %broadcast_in_dim3A_584 = vector.broadcast %broadcast_in_dim3A_583 : f32 to vector<16xf32>
    %swap3A_585 = arith.constant 9 : i32
    %swap3A_586 = arith.index_cast %swap3A_585 : i32 to index
    %swap3A_587 = arith.constant 16 : index
    %swap3A_588 = tpu.vector_load %arg10[%swap3A_586, %swap3A_587] {strides = array<i32>} : memref<16x128xf32, #tpu.memory_space<vmem>>, vector<1x16xf32>,
    %swap3A_589 = vector.shape_cast %swap3A_588 : vector<1x16xf32> to vector<16xf32>
    %swap3A_590 = vector.shape_cast %broadcast_in_dim3A_584 : vector<16xf32> to vector<1x16xf32>
    tpu.vector_store %arg10[%swap3A_586, %swap3A_587], %swap3A_590 {strides = array<i32>} : memref<16x128xf32, #tpu.memory_space<vmem>>, vector<1x16xf32>,
    %broadcast_in_dim3A_591 = arith.constant 0.000000e+00 : f32
    %broadcast_in_dim3A_592 = vector.broadcast %broadcast_in_dim3A_591 : f32 to vector<16xf32>
    %swap3A_593 = arith.constant 9 : i32
    %swap3A_594 = arith.index_cast %swap3A_593 : i32 to index
    %swap3A_595 = arith.constant 32 : index
    %swap3A_596 = tpu.vector_load %arg10[%swap3A_594, %swap3A_595] {strides = array<i32>} : memref<16x128xf32, #tpu.memory_space<vmem>>, vector<1x16xf32>,
    %swap3A_597 = vector.shape_cast %swap3A_596 : vector<1x16xf32> to vector<16xf32>
    %swap3A_598 = vector.shape_cast %broadcast_in_dim3A_592 : vector<16xf32> to vector<1x16xf32>
    tpu.vector_store %arg10[%swap3A_594, %swap3A_595], %swap3A_598 {strides = array<i32>} : memref<16x128xf32, #tpu.memory_space<vmem>>, vector<1x16xf32>,
    %broadcast_in_dim3A_599 = arith.constant 0.000000e+00 : f32
    %broadcast_in_dim3A_600 = vector.broadcast %broadcast_in_dim3A_599 : f32 to vector<16xf32>
    %swap3A_601 = arith.constant 9 : i32
    %swap3A_602 = arith.index_cast %swap3A_601 : i32 to index
    %swap3A_603 = arith.constant 48 : index
    %swap3A_604 = tpu.vector_load %arg10[%swap3A_602, %swap3A_603] {strides = array<i32>} : memref<16x128xf32, #tpu.memory_space<vmem>>, vector<1x16xf32>,
    %swap3A_605 = vector.shape_cast %swap3A_604 : vector<1x16xf32> to vector<16xf32>
    %swap3A_606 = vector.shape_cast %broadcast_in_dim3A_600 : vector<16xf32> to vector<1x16xf32>
    tpu.vector_store %arg10[%swap3A_602, %swap3A_603], %swap3A_606 {strides = array<i32>} : memref<16x128xf32, #tpu.memory_space<vmem>>, vector<1x16xf32>,
    %broadcast_in_dim3A_607 = arith.constant 0.000000e+00 : f32
    %broadcast_in_dim3A_608 = vector.broadcast %broadcast_in_dim3A_607 : f32 to vector<16xf32>
    %swap3A_609 = arith.constant 9 : i32
    %swap3A_610 = arith.index_cast %swap3A_609 : i32 to index
    %swap3A_611 = arith.constant 64 : index
    %swap3A_612 = tpu.vector_load %arg10[%swap3A_610, %swap3A_611] {strides = array<i32>} : memref<16x128xf32, #tpu.memory_space<vmem>>, vector<1x16xf32>,
    %swap3A_613 = vector.shape_cast %swap3A_612 : vector<1x16xf32> to vector<16xf32>
    %swap3A_614 = vector.shape_cast %broadcast_in_dim3A_608 : vector<16xf32> to vector<1x16xf32>
    tpu.vector_store %arg10[%swap3A_610, %swap3A_611], %swap3A_614 {strides = array<i32>} : memref<16x128xf32, #tpu.memory_space<vmem>>, vector<1x16xf32>,
    %broadcast_in_dim3A_615 = arith.constant 0.000000e+00 : f32
    %broadcast_in_dim3A_616 = vector.broadcast %broadcast_in_dim3A_615 : f32 to vector<16xf32>
    %swap3A_617 = arith.constant 9 : i32
    %swap3A_618 = arith.index_cast %swap3A_617 : i32 to index
    %swap3A_619 = arith.constant 80 : index
    %swap3A_620 = tpu.vector_load %arg10[%swap3A_618, %swap3A_619] {strides = array<i32>} : memref<16x128xf32, #tpu.memory_space<vmem>>, vector<1x16xf32>,
    %swap3A_621 = vector.shape_cast %swap3A_620 : vector<1x16xf32> to vector<16xf32>
    %swap3A_622 = vector.shape_cast %broadcast_in_dim3A_616 : vector<16xf32> to vector<1x16xf32>
    tpu.vector_store %arg10[%swap3A_618, %swap3A_619], %swap3A_622 {strides = array<i32>} : memref<16x128xf32, #tpu.memory_space<vmem>>, vector<1x16xf32>,
    %broadcast_in_dim3A_623 = arith.constant 0.000000e+00 : f32
    %broadcast_in_dim3A_624 = vector.broadcast %broadcast_in_dim3A_623 : f32 to vector<16xf32>
    %swap3A_625 = arith.constant 9 : i32
    %swap3A_626 = arith.index_cast %swap3A_625 : i32 to index
    %swap3A_627 = arith.constant 96 : index
    %swap3A_628 = tpu.vector_load %arg10[%swap3A_626, %swap3A_627] {strides = array<i32>} : memref<16x128xf32, #tpu.memory_space<vmem>>, vector<1x16xf32>,
    %swap3A_629 = vector.shape_cast %swap3A_628 : vector<1x16xf32> to vector<16xf32>
    %swap3A_630 = vector.shape_cast %broadcast_in_dim3A_624 : vector<16xf32> to vector<1x16xf32>
    tpu.vector_store %arg10[%swap3A_626, %swap3A_627], %swap3A_630 {strides = array<i32>} : memref<16x128xf32, #tpu.memory_space<vmem>>, vector<1x16xf32>,
    %broadcast_in_dim3A_631 = arith.constant 0.000000e+00 : f32
    %broadcast_in_dim3A_632 = vector.broadcast %broadcast_in_dim3A_631 : f32 to vector<16xf32>
    %swap3A_633 = arith.constant 9 : i32
    %swap3A_634 = arith.index_cast %swap3A_633 : i32 to index
    %swap3A_635 = arith.constant 112 : index
    %swap3A_636 = tpu.vector_load %arg10[%swap3A_634, %swap3A_635] {strides = array<i32>} : memref<16x128xf32, #tpu.memory_space<vmem>>, vector<1x16xf32>,
    %swap3A_637 = vector.shape_cast %swap3A_636 : vector<1x16xf32> to vector<16xf32>
    %swap3A_638 = vector.shape_cast %broadcast_in_dim3A_632 : vector<16xf32> to vector<1x16xf32>
    tpu.vector_store %arg10[%swap3A_634, %swap3A_635], %swap3A_638 {strides = array<i32>} : memref<16x128xf32, #tpu.memory_space<vmem>>, vector<1x16xf32>,
    %broadcast_in_dim3A_639 = arith.constant 0.000000e+00 : f32
    %broadcast_in_dim3A_640 = vector.broadcast %broadcast_in_dim3A_639 : f32 to vector<16xf32>
    %swap3A_641 = arith.constant 10 : i32
    %swap3A_642 = arith.index_cast %swap3A_641 : i32 to index
    %swap3A_643 = arith.constant 0 : index
    %swap3A_644 = tpu.vector_load %arg10[%swap3A_642, %swap3A_643] {strides = array<i32>} : memref<16x128xf32, #tpu.memory_space<vmem>>, vector<1x16xf32>,
    %swap3A_645 = vector.shape_cast %swap3A_644 : vector<1x16xf32> to vector<16xf32>
    %swap3A_646 = vector.shape_cast %broadcast_in_dim3A_640 : vector<16xf32> to vector<1x16xf32>
    tpu.vector_store %arg10[%swap3A_642, %swap3A_643], %swap3A_646 {strides = array<i32>} : memref<16x128xf32, #tpu.memory_space<vmem>>, vector<1x16xf32>,
    %broadcast_in_dim3A_647 = arith.constant 0.000000e+00 : f32
    %broadcast_in_dim3A_648 = vector.broadcast %broadcast_in_dim3A_647 : f32 to vector<16xf32>
    %swap3A_649 = arith.constant 10 : i32
    %swap3A_650 = arith.index_cast %swap3A_649 : i32 to index
    %swap3A_651 = arith.constant 16 : index
    %swap3A_652 = tpu.vector_load %arg10[%swap3A_650, %swap3A_651] {strides = array<i32>} : memref<16x128xf32, #tpu.memory_space<vmem>>, vector<1x16xf32>,
    %swap3A_653 = vector.shape_cast %swap3A_652 : vector<1x16xf32> to vector<16xf32>
    %swap3A_654 = vector.shape_cast %broadcast_in_dim3A_648 : vector<16xf32> to vector<1x16xf32>
    tpu.vector_store %arg10[%swap3A_650, %swap3A_651], %swap3A_654 {strides = array<i32>} : memref<16x128xf32, #tpu.memory_space<vmem>>, vector<1x16xf32>,
    %broadcast_in_dim3A_655 = arith.constant 0.000000e+00 : f32
    %broadcast_in_dim3A_656 = vector.broadcast %broadcast_in_dim3A_655 : f32 to vector<16xf32>
    %swap3A_657 = arith.constant 10 : i32
    %swap3A_658 = arith.index_cast %swap3A_657 : i32 to index
    %swap3A_659 = arith.constant 32 : index
    %swap3A_660 = tpu.vector_load %arg10[%swap3A_658, %swap3A_659] {strides = array<i32>} : memref<16x128xf32, #tpu.memory_space<vmem>>, vector<1x16xf32>,
    %swap3A_661 = vector.shape_cast %swap3A_660 : vector<1x16xf32> to vector<16xf32>
    %swap3A_662 = vector.shape_cast %broadcast_in_dim3A_656 : vector<16xf32> to vector<1x16xf32>
    tpu.vector_store %arg10[%swap3A_658, %swap3A_659], %swap3A_662 {strides = array<i32>} : memref<16x128xf32, #tpu.memory_space<vmem>>, vector<1x16xf32>,
    %broadcast_in_dim3A_663 = arith.constant 0.000000e+00 : f32
    %broadcast_in_dim3A_664 = vector.broadcast %broadcast_in_dim3A_663 : f32 to vector<16xf32>
    %swap3A_665 = arith.constant 10 : i32
    %swap3A_666 = arith.index_cast %swap3A_665 : i32 to index
    %swap3A_667 = arith.constant 48 : index
    %swap3A_668 = tpu.vector_load %arg10[%swap3A_666, %swap3A_667] {strides = array<i32>} : memref<16x128xf32, #tpu.memory_space<vmem>>, vector<1x16xf32>,
    %swap3A_669 = vector.shape_cast %swap3A_668 : vector<1x16xf32> to vector<16xf32>
    %swap3A_670 = vector.shape_cast %broadcast_in_dim3A_664 : vector<16xf32> to vector<1x16xf32>
    tpu.vector_store %arg10[%swap3A_666, %swap3A_667], %swap3A_670 {strides = array<i32>} : memref<16x128xf32, #tpu.memory_space<vmem>>, vector<1x16xf32>,
    %broadcast_in_dim3A_671 = arith.constant 0.000000e+00 : f32
    %broadcast_in_dim3A_672 = vector.broadcast %broadcast_in_dim3A_671 : f32 to vector<16xf32>
    %swap3A_673 = arith.constant 10 : i32
    %swap3A_674 = arith.index_cast %swap3A_673 : i32 to index
    %swap3A_675 = arith.constant 64 : index
    %swap3A_676 = tpu.vector_load %arg10[%swap3A_674, %swap3A_675] {strides = array<i32>} : memref<16x128xf32, #tpu.memory_space<vmem>>, vector<1x16xf32>,
    %swap3A_677 = vector.shape_cast %swap3A_676 : vector<1x16xf32> to vector<16xf32>
    %swap3A_678 = vector.shape_cast %broadcast_in_dim3A_672 : vector<16xf32> to vector<1x16xf32>
    tpu.vector_store %arg10[%swap3A_674, %swap3A_675], %swap3A_678 {strides = array<i32>} : memref<16x128xf32, #tpu.memory_space<vmem>>, vector<1x16xf32>,
    %broadcast_in_dim3A_679 = arith.constant 0.000000e+00 : f32
    %broadcast_in_dim3A_680 = vector.broadcast %broadcast_in_dim3A_679 : f32 to vector<16xf32>
    %swap3A_681 = arith.constant 10 : i32
    %swap3A_682 = arith.index_cast %swap3A_681 : i32 to index
    %swap3A_683 = arith.constant 80 : index
    %swap3A_684 = tpu.vector_load %arg10[%swap3A_682, %swap3A_683] {strides = array<i32>} : memref<16x128xf32, #tpu.memory_space<vmem>>, vector<1x16xf32>,
    %swap3A_685 = vector.shape_cast %swap3A_684 : vector<1x16xf32> to vector<16xf32>
    %swap3A_686 = vector.shape_cast %broadcast_in_dim3A_680 : vector<16xf32> to vector<1x16xf32>
    tpu.vector_store %arg10[%swap3A_682, %swap3A_683], %swap3A_686 {strides = array<i32>} : memref<16x128xf32, #tpu.memory_space<vmem>>, vector<1x16xf32>,
    %broadcast_in_dim3A_687 = arith.constant 0.000000e+00 : f32
    %broadcast_in_dim3A_688 = vector.broadcast %broadcast_in_dim3A_687 : f32 to vector<16xf32>
    %swap3A_689 = arith.constant 10 : i32
    %swap3A_690 = arith.index_cast %swap3A_689 : i32 to index
    %swap3A_691 = arith.constant 96 : index
    %swap3A_692 = tpu.vector_load %arg10[%swap3A_690, %swap3A_691] {strides = array<i32>} : memref<16x128xf32, #tpu.memory_space<vmem>>, vector<1x16xf32>,
    %swap3A_693 = vector.shape_cast %swap3A_692 : vector<1x16xf32> to vector<16xf32>
    %swap3A_694 = vector.shape_cast %broadcast_in_dim3A_688 : vector<16xf32> to vector<1x16xf32>
    tpu.vector_store %arg10[%swap3A_690, %swap3A_691], %swap3A_694 {strides = array<i32>} : memref<16x128xf32, #tpu.memory_space<vmem>>, vector<1x16xf32>,
    %broadcast_in_dim3A_695 = arith.constant 0.000000e+00 : f32
    %broadcast_in_dim3A_696 = vector.broadcast %broadcast_in_dim3A_695 : f32 to vector<16xf32>
    %swap3A_697 = arith.constant 10 : i32
    %swap3A_698 = arith.index_cast %swap3A_697 : i32 to index
    %swap3A_699 = arith.constant 112 : index
    %swap3A_700 = tpu.vector_load %arg10[%swap3A_698, %swap3A_699] {strides = array<i32>} : memref<16x128xf32, #tpu.memory_space<vmem>>, vector<1x16xf32>,
    %swap3A_701 = vector.shape_cast %swap3A_700 : vector<1x16xf32> to vector<16xf32>
    %swap3A_702 = vector.shape_cast %broadcast_in_dim3A_696 : vector<16xf32> to vector<1x16xf32>
    tpu.vector_store %arg10[%swap3A_698, %swap3A_699], %swap3A_702 {strides = array<i32>} : memref<16x128xf32, #tpu.memory_space<vmem>>, vector<1x16xf32>,
    %broadcast_in_dim3A_703 = arith.constant 0.000000e+00 : f32
    %broadcast_in_dim3A_704 = vector.broadcast %broadcast_in_dim3A_703 : f32 to vector<16xf32>
    %swap3A_705 = arith.constant 11 : i32
    %swap3A_706 = arith.index_cast %swap3A_705 : i32 to index
    %swap3A_707 = arith.constant 0 : index
    %swap3A_708 = tpu.vector_load %arg10[%swap3A_706, %swap3A_707] {strides = array<i32>} : memref<16x128xf32, #tpu.memory_space<vmem>>, vector<1x16xf32>,
    %swap3A_709 = vector.shape_cast %swap3A_708 : vector<1x16xf32> to vector<16xf32>
    %swap3A_710 = vector.shape_cast %broadcast_in_dim3A_704 : vector<16xf32> to vector<1x16xf32>
    tpu.vector_store %arg10[%swap3A_706, %swap3A_707], %swap3A_710 {strides = array<i32>} : memref<16x128xf32, #tpu.memory_space<vmem>>, vector<1x16xf32>,
    %broadcast_in_dim3A_711 = arith.constant 0.000000e+00 : f32
    %broadcast_in_dim3A_712 = vector.broadcast %broadcast_in_dim3A_711 : f32 to vector<16xf32>
    %swap3A_713 = arith.constant 11 : i32
    %swap3A_714 = arith.index_cast %swap3A_713 : i32 to index
    %swap3A_715 = arith.constant 16 : index
    %swap3A_716 = tpu.vector_load %arg10[%swap3A_714, %swap3A_715] {strides = array<i32>} : memref<16x128xf32, #tpu.memory_space<vmem>>, vector<1x16xf32>,
    %swap3A_717 = vector.shape_cast %swap3A_716 : vector<1x16xf32> to vector<16xf32>
    %swap3A_718 = vector.shape_cast %broadcast_in_dim3A_712 : vector<16xf32> to vector<1x16xf32>
    tpu.vector_store %arg10[%swap3A_714, %swap3A_715], %swap3A_718 {strides = array<i32>} : memref<16x128xf32, #tpu.memory_space<vmem>>, vector<1x16xf32>,
    %broadcast_in_dim3A_719 = arith.constant 0.000000e+00 : f32
    %broadcast_in_dim3A_720 = vector.broadcast %broadcast_in_dim3A_719 : f32 to vector<16xf32>
    %swap3A_721 = arith.constant 11 : i32
    %swap3A_722 = arith.index_cast %swap3A_721 : i32 to index
    %swap3A_723 = arith.constant 32 : index
    %swap3A_724 = tpu.vector_load %arg10[%swap3A_722, %swap3A_723] {strides = array<i32>} : memref<16x128xf32, #tpu.memory_space<vmem>>, vector<1x16xf32>,
    %swap3A_725 = vector.shape_cast %swap3A_724 : vector<1x16xf32> to vector<16xf32>
    %swap3A_726 = vector.shape_cast %broadcast_in_dim3A_720 : vector<16xf32> to vector<1x16xf32>
    tpu.vector_store %arg10[%swap3A_722, %swap3A_723], %swap3A_726 {strides = array<i32>} : memref<16x128xf32, #tpu.memory_space<vmem>>, vector<1x16xf32>,
    %broadcast_in_dim3A_727 = arith.constant 0.000000e+00 : f32
    %broadcast_in_dim3A_728 = vector.broadcast %broadcast_in_dim3A_727 : f32 to vector<16xf32>
    %swap3A_729 = arith.constant 11 : i32
    %swap3A_730 = arith.index_cast %swap3A_729 : i32 to index
    %swap3A_731 = arith.constant 48 : index
    %swap3A_732 = tpu.vector_load %arg10[%swap3A_730, %swap3A_731] {strides = array<i32>} : memref<16x128xf32, #tpu.memory_space<vmem>>, vector<1x16xf32>,
    %swap3A_733 = vector.shape_cast %swap3A_732 : vector<1x16xf32> to vector<16xf32>
    %swap3A_734 = vector.shape_cast %broadcast_in_dim3A_728 : vector<16xf32> to vector<1x16xf32>
    tpu.vector_store %arg10[%swap3A_730, %swap3A_731], %swap3A_734 {strides = array<i32>} : memref<16x128xf32, #tpu.memory_space<vmem>>, vector<1x16xf32>,
    %broadcast_in_dim3A_735 = arith.constant 0.000000e+00 : f32
    %broadcast_in_dim3A_736 = vector.broadcast %broadcast_in_dim3A_735 : f32 to vector<16xf32>
    %swap3A_737 = arith.constant 11 : i32
    %swap3A_738 = arith.index_cast %swap3A_737 : i32 to index
    %swap3A_739 = arith.constant 64 : index
    %swap3A_740 = tpu.vector_load %arg10[%swap3A_738, %swap3A_739] {strides = array<i32>} : memref<16x128xf32, #tpu.memory_space<vmem>>, vector<1x16xf32>,
    %swap3A_741 = vector.shape_cast %swap3A_740 : vector<1x16xf32> to vector<16xf32>
    %swap3A_742 = vector.shape_cast %broadcast_in_dim3A_736 : vector<16xf32> to vector<1x16xf32>
    tpu.vector_store %arg10[%swap3A_738, %swap3A_739], %swap3A_742 {strides = array<i32>} : memref<16x128xf32, #tpu.memory_space<vmem>>, vector<1x16xf32>,
    %broadcast_in_dim3A_743 = arith.constant 0.000000e+00 : f32
    %broadcast_in_dim3A_744 = vector.broadcast %broadcast_in_dim3A_743 : f32 to vector<16xf32>
    %swap3A_745 = arith.constant 11 : i32
    %swap3A_746 = arith.index_cast %swap3A_745 : i32 to index
    %swap3A_747 = arith.constant 80 : index
    %swap3A_748 = tpu.vector_load %arg10[%swap3A_746, %swap3A_747] {strides = array<i32>} : memref<16x128xf32, #tpu.memory_space<vmem>>, vector<1x16xf32>,
    %swap3A_749 = vector.shape_cast %swap3A_748 : vector<1x16xf32> to vector<16xf32>
    %swap3A_750 = vector.shape_cast %broadcast_in_dim3A_744 : vector<16xf32> to vector<1x16xf32>
    tpu.vector_store %arg10[%swap3A_746, %swap3A_747], %swap3A_750 {strides = array<i32>} : memref<16x128xf32, #tpu.memory_space<vmem>>, vector<1x16xf32>,
    %broadcast_in_dim3A_751 = arith.constant 0.000000e+00 : f32
    %broadcast_in_dim3A_752 = vector.broadcast %broadcast_in_dim3A_751 : f32 to vector<16xf32>
    %swap3A_753 = arith.constant 11 : i32
    %swap3A_754 = arith.index_cast %swap3A_753 : i32 to index
    %swap3A_755 = arith.constant 96 : index
    %swap3A_756 = tpu.vector_load %arg10[%swap3A_754, %swap3A_755] {strides = array<i32>} : memref<16x128xf32, #tpu.memory_space<vmem>>, vector<1x16xf32>,
    %swap3A_757 = vector.shape_cast %swap3A_756 : vector<1x16xf32> to vector<16xf32>
    %swap3A_758 = vector.shape_cast %broadcast_in_dim3A_752 : vector<16xf32> to vector<1x16xf32>
    tpu.vector_store %arg10[%swap3A_754, %swap3A_755], %swap3A_758 {strides = array<i32>} : memref<16x128xf32, #tpu.memory_space<vmem>>, vector<1x16xf32>,
    %broadcast_in_dim3A_759 = arith.constant 0.000000e+00 : f32
    %broadcast_in_dim3A_760 = vector.broadcast %broadcast_in_dim3A_759 : f32 to vector<16xf32>
    %swap3A_761 = arith.constant 11 : i32
    %swap3A_762 = arith.index_cast %swap3A_761 : i32 to index
    %swap3A_763 = arith.constant 112 : index
    %swap3A_764 = tpu.vector_load %arg10[%swap3A_762, %swap3A_763] {strides = array<i32>} : memref<16x128xf32, #tpu.memory_space<vmem>>, vector<1x16xf32>,
    %swap3A_765 = vector.shape_cast %swap3A_764 : vector<1x16xf32> to vector<16xf32>
    %swap3A_766 = vector.shape_cast %broadcast_in_dim3A_760 : vector<16xf32> to vector<1x16xf32>
    tpu.vector_store %arg10[%swap3A_762, %swap3A_763], %swap3A_766 {strides = array<i32>} : memref<16x128xf32, #tpu.memory_space<vmem>>, vector<1x16xf32>,
    %broadcast_in_dim3A_767 = arith.constant 0.000000e+00 : f32
    %broadcast_in_dim3A_768 = vector.broadcast %broadcast_in_dim3A_767 : f32 to vector<16xf32>
    %swap3A_769 = arith.constant 12 : i32
    %swap3A_770 = arith.index_cast %swap3A_769 : i32 to index
    %swap3A_771 = arith.constant 0 : index
    %swap3A_772 = tpu.vector_load %arg10[%swap3A_770, %swap3A_771] {strides = array<i32>} : memref<16x128xf32, #tpu.memory_space<vmem>>, vector<1x16xf32>,
    %swap3A_773 = vector.shape_cast %swap3A_772 : vector<1x16xf32> to vector<16xf32>
    %swap3A_774 = vector.shape_cast %broadcast_in_dim3A_768 : vector<16xf32> to vector<1x16xf32>
    tpu.vector_store %arg10[%swap3A_770, %swap3A_771], %swap3A_774 {strides = array<i32>} : memref<16x128xf32, #tpu.memory_space<vmem>>, vector<1x16xf32>,
    %broadcast_in_dim3A_775 = arith.constant 0.000000e+00 : f32
    %broadcast_in_dim3A_776 = vector.broadcast %broadcast_in_dim3A_775 : f32 to vector<16xf32>
    %swap3A_777 = arith.constant 12 : i32
    %swap3A_778 = arith.index_cast %swap3A_777 : i32 to index
    %swap3A_779 = arith.constant 16 : index
    %swap3A_780 = tpu.vector_load %arg10[%swap3A_778, %swap3A_779] {strides = array<i32>} : memref<16x128xf32, #tpu.memory_space<vmem>>, vector<1x16xf32>,
    %swap3A_781 = vector.shape_cast %swap3A_780 : vector<1x16xf32> to vector<16xf32>
    %swap3A_782 = vector.shape_cast %broadcast_in_dim3A_776 : vector<16xf32> to vector<1x16xf32>
    tpu.vector_store %arg10[%swap3A_778, %swap3A_779], %swap3A_782 {strides = array<i32>} : memref<16x128xf32, #tpu.memory_space<vmem>>, vector<1x16xf32>,
    %broadcast_in_dim3A_783 = arith.constant 0.000000e+00 : f32
    %broadcast_in_dim3A_784 = vector.broadcast %broadcast_in_dim3A_783 : f32 to vector<16xf32>
    %swap3A_785 = arith.constant 12 : i32
    %swap3A_786 = arith.index_cast %swap3A_785 : i32 to index
    %swap3A_787 = arith.constant 32 : index
    %swap3A_788 = tpu.vector_load %arg10[%swap3A_786, %swap3A_787] {strides = array<i32>} : memref<16x128xf32, #tpu.memory_space<vmem>>, vector<1x16xf32>,
    %swap3A_789 = vector.shape_cast %swap3A_788 : vector<1x16xf32> to vector<16xf32>
    %swap3A_790 = vector.shape_cast %broadcast_in_dim3A_784 : vector<16xf32> to vector<1x16xf32>
    tpu.vector_store %arg10[%swap3A_786, %swap3A_787], %swap3A_790 {strides = array<i32>} : memref<16x128xf32, #tpu.memory_space<vmem>>, vector<1x16xf32>,
    %broadcast_in_dim3A_791 = arith.constant 0.000000e+00 : f32
    %broadcast_in_dim3A_792 = vector.broadcast %broadcast_in_dim3A_791 : f32 to vector<16xf32>
    %swap3A_793 = arith.constant 12 : i32
    %swap3A_794 = arith.index_cast %swap3A_793 : i32 to index
    %swap3A_795 = arith.constant 48 : index
    %swap3A_796 = tpu.vector_load %arg10[%swap3A_794, %swap3A_795] {strides = array<i32>} : memref<16x128xf32, #tpu.memory_space<vmem>>, vector<1x16xf32>,
    %swap3A_797 = vector.shape_cast %swap3A_796 : vector<1x16xf32> to vector<16xf32>
    %swap3A_798 = vector.shape_cast %broadcast_in_dim3A_792 : vector<16xf32> to vector<1x16xf32>
    tpu.vector_store %arg10[%swap3A_794, %swap3A_795], %swap3A_798 {strides = array<i32>} : memref<16x128xf32, #tpu.memory_space<vmem>>, vector<1x16xf32>,
    %broadcast_in_dim3A_799 = arith.constant 0.000000e+00 : f32
    %broadcast_in_dim3A_800 = vector.broadcast %broadcast_in_dim3A_799 : f32 to vector<16xf32>
    %swap3A_801 = arith.constant 12 : i32
    %swap3A_802 = arith.index_cast %swap3A_801 : i32 to index
    %swap3A_803 = arith.constant 64 : index
    %swap3A_804 = tpu.vector_load %arg10[%swap3A_802, %swap3A_803] {strides = array<i32>} : memref<16x128xf32, #tpu.memory_space<vmem>>, vector<1x16xf32>,
    %swap3A_805 = vector.shape_cast %swap3A_804 : vector<1x16xf32> to vector<16xf32>
    %swap3A_806 = vector.shape_cast %broadcast_in_dim3A_800 : vector<16xf32> to vector<1x16xf32>
    tpu.vector_store %arg10[%swap3A_802, %swap3A_803], %swap3A_806 {strides = array<i32>} : memref<16x128xf32, #tpu.memory_space<vmem>>, vector<1x16xf32>,
    %broadcast_in_dim3A_807 = arith.constant 0.000000e+00 : f32
    %broadcast_in_dim3A_808 = vector.broadcast %broadcast_in_dim3A_807 : f32 to vector<16xf32>
    %swap3A_809 = arith.constant 12 : i32
    %swap3A_810 = arith.index_cast %swap3A_809 : i32 to index
    %swap3A_811 = arith.constant 80 : index
    %swap3A_812 = tpu.vector_load %arg10[%swap3A_810, %swap3A_811] {strides = array<i32>} : memref<16x128xf32, #tpu.memory_space<vmem>>, vector<1x16xf32>,
    %swap3A_813 = vector.shape_cast %swap3A_812 : vector<1x16xf32> to vector<16xf32>
    %swap3A_814 = vector.shape_cast %broadcast_in_dim3A_808 : vector<16xf32> to vector<1x16xf32>
    tpu.vector_store %arg10[%swap3A_810, %swap3A_811], %swap3A_814 {strides = array<i32>} : memref<16x128xf32, #tpu.memory_space<vmem>>, vector<1x16xf32>,
    %broadcast_in_dim3A_815 = arith.constant 0.000000e+00 : f32
    %broadcast_in_dim3A_816 = vector.broadcast %broadcast_in_dim3A_815 : f32 to vector<16xf32>
    %swap3A_817 = arith.constant 12 : i32
    %swap3A_818 = arith.index_cast %swap3A_817 : i32 to index
    %swap3A_819 = arith.constant 96 : index
    %swap3A_820 = tpu.vector_load %arg10[%swap3A_818, %swap3A_819] {strides = array<i32>} : memref<16x128xf32, #tpu.memory_space<vmem>>, vector<1x16xf32>,
    %swap3A_821 = vector.shape_cast %swap3A_820 : vector<1x16xf32> to vector<16xf32>
    %swap3A_822 = vector.shape_cast %broadcast_in_dim3A_816 : vector<16xf32> to vector<1x16xf32>
    tpu.vector_store %arg10[%swap3A_818, %swap3A_819], %swap3A_822 {strides = array<i32>} : memref<16x128xf32, #tpu.memory_space<vmem>>, vector<1x16xf32>,
    %broadcast_in_dim3A_823 = arith.constant 0.000000e+00 : f32
    %broadcast_in_dim3A_824 = vector.broadcast %broadcast_in_dim3A_823 : f32 to vector<16xf32>
    %swap3A_825 = arith.constant 12 : i32
    %swap3A_826 = arith.index_cast %swap3A_825 : i32 to index
    %swap3A_827 = arith.constant 112 : index
    %swap3A_828 = tpu.vector_load %arg10[%swap3A_826, %swap3A_827] {strides = array<i32>} : memref<16x128xf32, #tpu.memory_space<vmem>>, vector<1x16xf32>,
    %swap3A_829 = vector.shape_cast %swap3A_828 : vector<1x16xf32> to vector<16xf32>
    %swap3A_830 = vector.shape_cast %broadcast_in_dim3A_824 : vector<16xf32> to vector<1x16xf32>
    tpu.vector_store %arg10[%swap3A_826, %swap3A_827], %swap3A_830 {strides = array<i32>} : memref<16x128xf32, #tpu.memory_space<vmem>>, vector<1x16xf32>,
    %broadcast_in_dim3A_831 = arith.constant 0.000000e+00 : f32
    %broadcast_in_dim3A_832 = vector.broadcast %broadcast_in_dim3A_831 : f32 to vector<16xf32>
    %swap3A_833 = arith.constant 13 : i32
    %swap3A_834 = arith.index_cast %swap3A_833 : i32 to index
    %swap3A_835 = arith.constant 0 : index
    %swap3A_836 = tpu.vector_load %arg10[%swap3A_834, %swap3A_835] {strides = array<i32>} : memref<16x128xf32, #tpu.memory_space<vmem>>, vector<1x16xf32>,
    %swap3A_837 = vector.shape_cast %swap3A_836 : vector<1x16xf32> to vector<16xf32>
    %swap3A_838 = vector.shape_cast %broadcast_in_dim3A_832 : vector<16xf32> to vector<1x16xf32>
    tpu.vector_store %arg10[%swap3A_834, %swap3A_835], %swap3A_838 {strides = array<i32>} : memref<16x128xf32, #tpu.memory_space<vmem>>, vector<1x16xf32>,
    %broadcast_in_dim3A_839 = arith.constant 0.000000e+00 : f32
    %broadcast_in_dim3A_840 = vector.broadcast %broadcast_in_dim3A_839 : f32 to vector<16xf32>
    %swap3A_841 = arith.constant 13 : i32
    %swap3A_842 = arith.index_cast %swap3A_841 : i32 to index
    %swap3A_843 = arith.constant 16 : index
    %swap3A_844 = tpu.vector_load %arg10[%swap3A_842, %swap3A_843] {strides = array<i32>} : memref<16x128xf32, #tpu.memory_space<vmem>>, vector<1x16xf32>,
    %swap3A_845 = vector.shape_cast %swap3A_844 : vector<1x16xf32> to vector<16xf32>
    %swap3A_846 = vector.shape_cast %broadcast_in_dim3A_840 : vector<16xf32> to vector<1x16xf32>
    tpu.vector_store %arg10[%swap3A_842, %swap3A_843], %swap3A_846 {strides = array<i32>} : memref<16x128xf32, #tpu.memory_space<vmem>>, vector<1x16xf32>,
    %broadcast_in_dim3A_847 = arith.constant 0.000000e+00 : f32
    %broadcast_in_dim3A_848 = vector.broadcast %broadcast_in_dim3A_847 : f32 to vector<16xf32>
    %swap3A_849 = arith.constant 13 : i32
    %swap3A_850 = arith.index_cast %swap3A_849 : i32 to index
    %swap3A_851 = arith.constant 32 : index
    %swap3A_852 = tpu.vector_load %arg10[%swap3A_850, %swap3A_851] {strides = array<i32>} : memref<16x128xf32, #tpu.memory_space<vmem>>, vector<1x16xf32>,
    %swap3A_853 = vector.shape_cast %swap3A_852 : vector<1x16xf32> to vector<16xf32>
    %swap3A_854 = vector.shape_cast %broadcast_in_dim3A_848 : vector<16xf32> to vector<1x16xf32>
    tpu.vector_store %arg10[%swap3A_850, %swap3A_851], %swap3A_854 {strides = array<i32>} : memref<16x128xf32, #tpu.memory_space<vmem>>, vector<1x16xf32>,
    %broadcast_in_dim3A_855 = arith.constant 0.000000e+00 : f32
    %broadcast_in_dim3A_856 = vector.broadcast %broadcast_in_dim3A_855 : f32 to vector<16xf32>
    %swap3A_857 = arith.constant 13 : i32
    %swap3A_858 = arith.index_cast %swap3A_857 : i32 to index
    %swap3A_859 = arith.constant 48 : index
    %swap3A_860 = tpu.vector_load %arg10[%swap3A_858, %swap3A_859] {strides = array<i32>} : memref<16x128xf32, #tpu.memory_space<vmem>>, vector<1x16xf32>,
    %swap3A_861 = vector.shape_cast %swap3A_860 : vector<1x16xf32> to vector<16xf32>
    %swap3A_862 = vector.shape_cast %broadcast_in_dim3A_856 : vector<16xf32> to vector<1x16xf32>
    tpu.vector_store %arg10[%swap3A_858, %swap3A_859], %swap3A_862 {strides = array<i32>} : memref<16x128xf32, #tpu.memory_space<vmem>>, vector<1x16xf32>,
    %broadcast_in_dim3A_863 = arith.constant 0.000000e+00 : f32
    %broadcast_in_dim3A_864 = vector.broadcast %broadcast_in_dim3A_863 : f32 to vector<16xf32>
    %swap3A_865 = arith.constant 13 : i32
    %swap3A_866 = arith.index_cast %swap3A_865 : i32 to index
    %swap3A_867 = arith.constant 64 : index
    %swap3A_868 = tpu.vector_load %arg10[%swap3A_866, %swap3A_867] {strides = array<i32>} : memref<16x128xf32, #tpu.memory_space<vmem>>, vector<1x16xf32>,
    %swap3A_869 = vector.shape_cast %swap3A_868 : vector<1x16xf32> to vector<16xf32>
    %swap3A_870 = vector.shape_cast %broadcast_in_dim3A_864 : vector<16xf32> to vector<1x16xf32>
    tpu.vector_store %arg10[%swap3A_866, %swap3A_867], %swap3A_870 {strides = array<i32>} : memref<16x128xf32, #tpu.memory_space<vmem>>, vector<1x16xf32>,
    %broadcast_in_dim3A_871 = arith.constant 0.000000e+00 : f32
    %broadcast_in_dim3A_872 = vector.broadcast %broadcast_in_dim3A_871 : f32 to vector<16xf32>
    %swap3A_873 = arith.constant 13 : i32
    %swap3A_874 = arith.index_cast %swap3A_873 : i32 to index
    %swap3A_875 = arith.constant 80 : index
    %swap3A_876 = tpu.vector_load %arg10[%swap3A_874, %swap3A_875] {strides = array<i32>} : memref<16x128xf32, #tpu.memory_space<vmem>>, vector<1x16xf32>,
    %swap3A_877 = vector.shape_cast %swap3A_876 : vector<1x16xf32> to vector<16xf32>
    %swap3A_878 = vector.shape_cast %broadcast_in_dim3A_872 : vector<16xf32> to vector<1x16xf32>
    tpu.vector_store %arg10[%swap3A_874, %swap3A_875], %swap3A_878 {strides = array<i32>} : memref<16x128xf32, #tpu.memory_space<vmem>>, vector<1x16xf32>,
    %broadcast_in_dim3A_879 = arith.constant 0.000000e+00 : f32
    %broadcast_in_dim3A_880 = vector.broadcast %broadcast_in_dim3A_879 : f32 to vector<16xf32>
    %swap3A_881 = arith.constant 13 : i32
    %swap3A_882 = arith.index_cast %swap3A_881 : i32 to index
    %swap3A_883 = arith.constant 96 : index
    %swap3A_884 = tpu.vector_load %arg10[%swap3A_882, %swap3A_883] {strides = array<i32>} : memref<16x128xf32, #tpu.memory_space<vmem>>, vector<1x16xf32>,
    %swap3A_885 = vector.shape_cast %swap3A_884 : vector<1x16xf32> to vector<16xf32>
    %swap3A_886 = vector.shape_cast %broadcast_in_dim3A_880 : vector<16xf32> to vector<1x16xf32>
    tpu.vector_store %arg10[%swap3A_882, %swap3A_883], %swap3A_886 {strides = array<i32>} : memref<16x128xf32, #tpu.memory_space<vmem>>, vector<1x16xf32>,
    %broadcast_in_dim3A_887 = arith.constant 0.000000e+00 : f32
    %broadcast_in_dim3A_888 = vector.broadcast %broadcast_in_dim3A_887 : f32 to vector<16xf32>
    %swap3A_889 = arith.constant 13 : i32
    %swap3A_890 = arith.index_cast %swap3A_889 : i32 to index
    %swap3A_891 = arith.constant 112 : index
    %swap3A_892 = tpu.vector_load %arg10[%swap3A_890, %swap3A_891] {strides = array<i32>} : memref<16x128xf32, #tpu.memory_space<vmem>>, vector<1x16xf32>,
    %swap3A_893 = vector.shape_cast %swap3A_892 : vector<1x16xf32> to vector<16xf32>
    %swap3A_894 = vector.shape_cast %broadcast_in_dim3A_888 : vector<16xf32> to vector<1x16xf32>
    tpu.vector_store %arg10[%swap3A_890, %swap3A_891], %swap3A_894 {strides = array<i32>} : memref<16x128xf32, #tpu.memory_space<vmem>>, vector<1x16xf32>,
    %broadcast_in_dim3A_895 = arith.constant 0.000000e+00 : f32
    %broadcast_in_dim3A_896 = vector.broadcast %broadcast_in_dim3A_895 : f32 to vector<16xf32>
    %swap3A_897 = arith.constant 14 : i32
    %swap3A_898 = arith.index_cast %swap3A_897 : i32 to index
    %swap3A_899 = arith.constant 0 : index
    %swap3A_900 = tpu.vector_load %arg10[%swap3A_898, %swap3A_899] {strides = array<i32>} : memref<16x128xf32, #tpu.memory_space<vmem>>, vector<1x16xf32>,
    %swap3A_901 = vector.shape_cast %swap3A_900 : vector<1x16xf32> to vector<16xf32>
    %swap3A_902 = vector.shape_cast %broadcast_in_dim3A_896 : vector<16xf32> to vector<1x16xf32>
    tpu.vector_store %arg10[%swap3A_898, %swap3A_899], %swap3A_902 {strides = array<i32>} : memref<16x128xf32, #tpu.memory_space<vmem>>, vector<1x16xf32>,
    %broadcast_in_dim3A_903 = arith.constant 0.000000e+00 : f32
    %broadcast_in_dim3A_904 = vector.broadcast %broadcast_in_dim3A_903 : f32 to vector<16xf32>
    %swap3A_905 = arith.constant 14 : i32
    %swap3A_906 = arith.index_cast %swap3A_905 : i32 to index
    %swap3A_907 = arith.constant 16 : index
    %swap3A_908 = tpu.vector_load %arg10[%swap3A_906, %swap3A_907] {strides = array<i32>} : memref<16x128xf32, #tpu.memory_space<vmem>>, vector<1x16xf32>,
    %swap3A_909 = vector.shape_cast %swap3A_908 : vector<1x16xf32> to vector<16xf32>
    %swap3A_910 = vector.shape_cast %broadcast_in_dim3A_904 : vector<16xf32> to vector<1x16xf32>
    tpu.vector_store %arg10[%swap3A_906, %swap3A_907], %swap3A_910 {strides = array<i32>} : memref<16x128xf32, #tpu.memory_space<vmem>>, vector<1x16xf32>,
    %broadcast_in_dim3A_911 = arith.constant 0.000000e+00 : f32
    %broadcast_in_dim3A_912 = vector.broadcast %broadcast_in_dim3A_911 : f32 to vector<16xf32>
    %swap3A_913 = arith.constant 14 : i32
    %swap3A_914 = arith.index_cast %swap3A_913 : i32 to index
    %swap3A_915 = arith.constant 32 : index
    %swap3A_916 = tpu.vector_load %arg10[%swap3A_914, %swap3A_915] {strides = array<i32>} : memref<16x128xf32, #tpu.memory_space<vmem>>, vector<1x16xf32>,
    %swap3A_917 = vector.shape_cast %swap3A_916 : vector<1x16xf32> to vector<16xf32>
    %swap3A_918 = vector.shape_cast %broadcast_in_dim3A_912 : vector<16xf32> to vector<1x16xf32>
    tpu.vector_store %arg10[%swap3A_914, %swap3A_915], %swap3A_918 {strides = array<i32>} : memref<16x128xf32, #tpu.memory_space<vmem>>, vector<1x16xf32>,
    %broadcast_in_dim3A_919 = arith.constant 0.000000e+00 : f32
    %broadcast_in_dim3A_920 = vector.broadcast %broadcast_in_dim3A_919 : f32 to vector<16xf32>
    %swap3A_921 = arith.constant 14 : i32
    %swap3A_922 = arith.index_cast %swap3A_921 : i32 to index
    %swap3A_923 = arith.constant 48 : index
    %swap3A_924 = tpu.vector_load %arg10[%swap3A_922, %swap3A_923] {strides = array<i32>} : memref<16x128xf32, #tpu.memory_space<vmem>>, vector<1x16xf32>,
    %swap3A_925 = vector.shape_cast %swap3A_924 : vector<1x16xf32> to vector<16xf32>
    %swap3A_926 = vector.shape_cast %broadcast_in_dim3A_920 : vector<16xf32> to vector<1x16xf32>
    tpu.vector_store %arg10[%swap3A_922, %swap3A_923], %swap3A_926 {strides = array<i32>} : memref<16x128xf32, #tpu.memory_space<vmem>>, vector<1x16xf32>,
    %broadcast_in_dim3A_927 = arith.constant 0.000000e+00 : f32
    %broadcast_in_dim3A_928 = vector.broadcast %broadcast_in_dim3A_927 : f32 to vector<16xf32>
    %swap3A_929 = arith.constant 14 : i32
    %swap3A_930 = arith.index_cast %swap3A_929 : i32 to index
    %swap3A_931 = arith.constant 64 : index
    %swap3A_932 = tpu.vector_load %arg10[%swap3A_930, %swap3A_931] {strides = array<i32>} : memref<16x128xf32, #tpu.memory_space<vmem>>, vector<1x16xf32>,
    %swap3A_933 = vector.shape_cast %swap3A_932 : vector<1x16xf32> to vector<16xf32>
    %swap3A_934 = vector.shape_cast %broadcast_in_dim3A_928 : vector<16xf32> to vector<1x16xf32>
    tpu.vector_store %arg10[%swap3A_930, %swap3A_931], %swap3A_934 {strides = array<i32>} : memref<16x128xf32, #tpu.memory_space<vmem>>, vector<1x16xf32>,
    %broadcast_in_dim3A_935 = arith.constant 0.000000e+00 : f32
    %broadcast_in_dim3A_936 = vector.broadcast %broadcast_in_dim3A_935 : f32 to vector<16xf32>
    %swap3A_937 = arith.constant 14 : i32
    %swap3A_938 = arith.index_cast %swap3A_937 : i32 to index
    %swap3A_939 = arith.constant 80 : index
    %swap3A_940 = tpu.vector_load %arg10[%swap3A_938, %swap3A_939] {strides = array<i32>} : memref<16x128xf32, #tpu.memory_space<vmem>>, vector<1x16xf32>,
    %swap3A_941 = vector.shape_cast %swap3A_940 : vector<1x16xf32> to vector<16xf32>
    %swap3A_942 = vector.shape_cast %broadcast_in_dim3A_936 : vector<16xf32> to vector<1x16xf32>
    tpu.vector_store %arg10[%swap3A_938, %swap3A_939], %swap3A_942 {strides = array<i32>} : memref<16x128xf32, #tpu.memory_space<vmem>>, vector<1x16xf32>,
    %broadcast_in_dim3A_943 = arith.constant 0.000000e+00 : f32
    %broadcast_in_dim3A_944 = vector.broadcast %broadcast_in_dim3A_943 : f32 to vector<16xf32>
    %swap3A_945 = arith.constant 14 : i32
    %swap3A_946 = arith.index_cast %swap3A_945 : i32 to index
    %swap3A_947 = arith.constant 96 : index
    %swap3A_948 = tpu.vector_load %arg10[%swap3A_946, %swap3A_947] {strides = array<i32>} : memref<16x128xf32, #tpu.memory_space<vmem>>, vector<1x16xf32>,
    %swap3A_949 = vector.shape_cast %swap3A_948 : vector<1x16xf32> to vector<16xf32>
    %swap3A_950 = vector.shape_cast %broadcast_in_dim3A_944 : vector<16xf32> to vector<1x16xf32>
    tpu.vector_store %arg10[%swap3A_946, %swap3A_947], %swap3A_950 {strides = array<i32>} : memref<16x128xf32, #tpu.memory_space<vmem>>, vector<1x16xf32>,
    %broadcast_in_dim3A_951 = arith.constant 0.000000e+00 : f32
    %broadcast_in_dim3A_952 = vector.broadcast %broadcast_in_dim3A_951 : f32 to vector<16xf32>
    %swap3A_953 = arith.constant 14 : i32
    %swap3A_954 = arith.index_cast %swap3A_953 : i32 to index
    %swap3A_955 = arith.constant 112 : index
    %swap3A_956 = tpu.vector_load %arg10[%swap3A_954, %swap3A_955] {strides = array<i32>} : memref<16x128xf32, #tpu.memory_space<vmem>>, vector<1x16xf32>,
    %swap3A_957 = vector.shape_cast %swap3A_956 : vector<1x16xf32> to vector<16xf32>
    %swap3A_958 = vector.shape_cast %broadcast_in_dim3A_952 : vector<16xf32> to vector<1x16xf32>
    tpu.vector_store %arg10[%swap3A_954, %swap3A_955], %swap3A_958 {strides = array<i32>} : memref<16x128xf32, #tpu.memory_space<vmem>>, vector<1x16xf32>,
    %broadcast_in_dim3A_959 = arith.constant 0.000000e+00 : f32
    %broadcast_in_dim3A_960 = vector.broadcast %broadcast_in_dim3A_959 : f32 to vector<16xf32>
    %swap3A_961 = arith.constant 15 : i32
    %swap3A_962 = arith.index_cast %swap3A_961 : i32 to index
    %swap3A_963 = arith.constant 0 : index
    %swap3A_964 = tpu.vector_load %arg10[%swap3A_962, %swap3A_963] {strides = array<i32>} : memref<16x128xf32, #tpu.memory_space<vmem>>, vector<1x16xf32>,
    %swap3A_965 = vector.shape_cast %swap3A_964 : vector<1x16xf32> to vector<16xf32>
    %swap3A_966 = vector.shape_cast %broadcast_in_dim3A_960 : vector<16xf32> to vector<1x16xf32>
    tpu.vector_store %arg10[%swap3A_962, %swap3A_963], %swap3A_966 {strides = array<i32>} : memref<16x128xf32, #tpu.memory_space<vmem>>, vector<1x16xf32>,
    %broadcast_in_dim3A_967 = arith.constant 0.000000e+00 : f32
    %broadcast_in_dim3A_968 = vector.broadcast %broadcast_in_dim3A_967 : f32 to vector<16xf32>
    %swap3A_969 = arith.constant 15 : i32
    %swap3A_970 = arith.index_cast %swap3A_969 : i32 to index
    %swap3A_971 = arith.constant 16 : index
    %swap3A_972 = tpu.vector_load %arg10[%swap3A_970, %swap3A_971] {strides = array<i32>} : memref<16x128xf32, #tpu.memory_space<vmem>>, vector<1x16xf32>,
    %swap3A_973 = vector.shape_cast %swap3A_972 : vector<1x16xf32> to vector<16xf32>
    %swap3A_974 = vector.shape_cast %broadcast_in_dim3A_968 : vector<16xf32> to vector<1x16xf32>
    tpu.vector_store %arg10[%swap3A_970, %swap3A_971], %swap3A_974 {strides = array<i32>} : memref<16x128xf32, #tpu.memory_space<vmem>>, vector<1x16xf32>,
    %broadcast_in_dim3A_975 = arith.constant 0.000000e+00 : f32
    %broadcast_in_dim3A_976 = vector.broadcast %broadcast_in_dim3A_975 : f32 to vector<16xf32>
    %swap3A_977 = arith.constant 15 : i32
    %swap3A_978 = arith.index_cast %swap3A_977 : i32 to index
    %swap3A_979 = arith.constant 32 : index
    %swap3A_980 = tpu.vector_load %arg10[%swap3A_978, %swap3A_979] {strides = array<i32>} : memref<16x128xf32, #tpu.memory_space<vmem>>, vector<1x16xf32>,
    %swap3A_981 = vector.shape_cast %swap3A_980 : vector<1x16xf32> to vector<16xf32>
    %swap3A_982 = vector.shape_cast %broadcast_in_dim3A_976 : vector<16xf32> to vector<1x16xf32>
    tpu.vector_store %arg10[%swap3A_978, %swap3A_979], %swap3A_982 {strides = array<i32>} : memref<16x128xf32, #tpu.memory_space<vmem>>, vector<1x16xf32>,
    %broadcast_in_dim3A_983 = arith.constant 0.000000e+00 : f32
    %broadcast_in_dim3A_984 = vector.broadcast %broadcast_in_dim3A_983 : f32 to vector<16xf32>
    %swap3A_985 = arith.constant 15 : i32
    %swap3A_986 = arith.index_cast %swap3A_985 : i32 to index
    %swap3A_987 = arith.constant 48 : index
    %swap3A_988 = tpu.vector_load %arg10[%swap3A_986, %swap3A_987] {strides = array<i32>} : memref<16x128xf32, #tpu.memory_space<vmem>>, vector<1x16xf32>,
    %swap3A_989 = vector.shape_cast %swap3A_988 : vector<1x16xf32> to vector<16xf32>
    %swap3A_990 = vector.shape_cast %broadcast_in_dim3A_984 : vector<16xf32> to vector<1x16xf32>
    tpu.vector_store %arg10[%swap3A_986, %swap3A_987], %swap3A_990 {strides = array<i32>} : memref<16x128xf32, #tpu.memory_space<vmem>>, vector<1x16xf32>,
    %broadcast_in_dim3A_991 = arith.constant 0.000000e+00 : f32
    %broadcast_in_dim3A_992 = vector.broadcast %broadcast_in_dim3A_991 : f32 to vector<16xf32>
    %swap3A_993 = arith.constant 15 : i32
    %swap3A_994 = arith.index_cast %swap3A_993 : i32 to index
    %swap3A_995 = arith.constant 64 : index
    %swap3A_996 = tpu.vector_load %arg10[%swap3A_994, %swap3A_995] {strides = array<i32>} : memref<16x128xf32, #tpu.memory_space<vmem>>, vector<1x16xf32>,
    %swap3A_997 = vector.shape_cast %swap3A_996 : vector<1x16xf32> to vector<16xf32>
    %swap3A_998 = vector.shape_cast %broadcast_in_dim3A_992 : vector<16xf32> to vector<1x16xf32>
    tpu.vector_store %arg10[%swap3A_994, %swap3A_995], %swap3A_998 {strides = array<i32>} : memref<16x128xf32, #tpu.memory_space<vmem>>, vector<1x16xf32>,
    %broadcast_in_dim3A_999 = arith.constant 0.000000e+00 : f32
    %broadcast_in_dim3A_1000 = vector.broadcast %broadcast_in_dim3A_999 : f32 to vector<16xf32>
    %swap3A_1001 = arith.constant 15 : i32
    %swap3A_1002 = arith.index_cast %swap3A_1001 : i32 to index
    %swap3A_1003 = arith.constant 80 : index
    %swap3A_1004 = tpu.vector_load %arg10[%swap3A_1002, %swap3A_1003] {strides = array<i32>} : memref<16x128xf32, #tpu.memory_space<vmem>>, vector<1x16xf32>,
    %swap3A_1005 = vector.shape_cast %swap3A_1004 : vector<1x16xf32> to vector<16xf32>
    %swap3A_1006 = vector.shape_cast %broadcast_in_dim3A_1000 : vector<16xf32> to vector<1x16xf32>
    tpu.vector_store %arg10[%swap3A_1002, %swap3A_1003], %swap3A_1006 {strides = array<i32>} : memref<16x128xf32, #tpu.memory_space<vmem>>, vector<1x16xf32>,
    %broadcast_in_dim3A_1007 = arith.constant 0.000000e+00 : f32
    %broadcast_in_dim3A_1008 = vector.broadcast %broadcast_in_dim3A_1007 : f32 to vector<16xf32>
    %swap3A_1009 = arith.constant 15 : i32
    %swap3A_1010 = arith.index_cast %swap3A_1009 : i32 to index
    %swap3A_1011 = arith.constant 96 : index
    %swap3A_1012 = tpu.vector_load %arg10[%swap3A_1010, %swap3A_1011] {strides = array<i32>} : memref<16x128xf32, #tpu.memory_space<vmem>>, vector<1x16xf32>,
    %swap3A_1013 = vector.shape_cast %swap3A_1012 : vector<1x16xf32> to vector<16xf32>
    %swap3A_1014 = vector.shape_cast %broadcast_in_dim3A_1008 : vector<16xf32> to vector<1x16xf32>
    tpu.vector_store %arg10[%swap3A_1010, %swap3A_1011], %swap3A_1014 {strides = array<i32>} : memref<16x128xf32, #tpu.memory_space<vmem>>, vector<1x16xf32>,
    %broadcast_in_dim3A_1015 = arith.constant 0.000000e+00 : f32
    %broadcast_in_dim3A_1016 = vector.broadcast %broadcast_in_dim3A_1015 : f32 to vector<16xf32>
    %swap3A_1017 = arith.constant 15 : i32
    %swap3A_1018 = arith.index_cast %swap3A_1017 : i32 to index
    %swap3A_1019 = arith.constant 112 : index
    %swap3A_1020 = tpu.vector_load %arg10[%swap3A_1018, %swap3A_1019] {strides = array<i32>} : memref<16x128xf32, #tpu.memory_space<vmem>>, vector<1x16xf32>,
    %swap3A_1021 = vector.shape_cast %swap3A_1020 : vector<1x16xf32> to vector<16xf32>
    %swap3A_1022 = vector.shape_cast %broadcast_in_dim3A_1016 : vector<16xf32> to vector<1x16xf32>
    tpu.vector_store %arg10[%swap3A_1018, %swap3A_1019], %swap3A_1022 {strides = array<i32>} : memref<16x128xf32, #tpu.memory_space<vmem>>, vector<1x16xf32>,
    %scan3A = arith.constant 0 : i32
    %scan3A_1023 = arith.constant 0 : i32
    %scan3A_1024 = arith.constant 40 : i32
    %scan3A_1025 = arith.addi %scan3A_1023, %scan3A_1024 : i32
    %scan3A_1026 = arith.constant 1 : i32
    %scan3A_1027 = scf.for %scan3A_1053 = %scan3A_1023 to %scan3A_1025 step %scan3A_1026 iter_args(%scan3A_1054 = %scan3A) -> (i32)  : i32 {
      %mul3A_1055 = arith.constant 640 : i32
      %mul3A_1056 = arith.muli %arg1, %mul3A_1055 : i32
      %mul3A_1057 = arith.constant 16 : i32
      %mul3A_1058 = arith.muli %scan3A_1053, %mul3A_1057 : i32
      %add3A_1059 = arith.addi %mul3A_1056, %mul3A_1058 : i32
      "tpu.region"() ({
        %run_scoped3A = tpu.sem_alloc : memref<!tpu.dma_semaphore, #tpu.memory_space<semaphore_mem>>
        %dma_start3A_1061 = arith.constant 0 : i32
        %dma_start3A_1062 = tpu.memref_slice %arg11[%add3A_1059, %dma_start3A_1061] : memref<10240x128xf32, #tpu.memory_space<vmem_shared>> -> memref<16x128xf32, #tpu.memory_space<vmem_shared>>
        %dma_start3A_1063 = arith.constant 0 : i32
        %dma_start3A_1064 = tpu.memref_slice %arg11[%add3A_1059, %dma_start3A_1063] : memref<10240x128xf32, #tpu.memory_space<vmem_shared>> -> memref<16x128xf32, #tpu.memory_space<vmem_shared>>
        tpu.enqueue_dma source(%arg10 : memref<16x128xf32, #tpu.memory_space<vmem>>) target(%dma_start3A_1064 : memref<16x128xf32, #tpu.memory_space<vmem_shared>>) target_semaphore(%run_scoped3A : memref<!tpu.dma_semaphore, #tpu.memory_space<semaphore_mem>>)
        %dma_wait3A_1065 = arith.constant 0 : i32
        %dma_wait3A_1066 = tpu.memref_slice %arg11[%add3A_1059, %dma_wait3A_1065] : memref<10240x128xf32, #tpu.memory_space<vmem_shared>> -> memref<16x128xf32, #tpu.memory_space<vmem_shared>>
        %dma_wait3A_1067 = arith.constant 0 : i32
        %dma_wait3A_1068 = tpu.memref_slice %arg11[%add3A_1059, %dma_wait3A_1067] : memref<10240x128xf32, #tpu.memory_space<vmem_shared>> -> memref<16x128xf32, #tpu.memory_space<vmem_shared>>
        tpu.wait_dma2 semaphore(%run_scoped3A : memref<!tpu.dma_semaphore, #tpu.memory_space<semaphore_mem>>) src(%arg10 : memref<16x128xf32, #tpu.memory_space<vmem>>) dst(%dma_wait3A_1068 : memref<16x128xf32, #tpu.memory_space<vmem_shared>>)
        tpu.yield
      }) : () -> ()
      %scan3A_1060 = arith.constant 0 : i32
      scf.yield %scan3A_1060 : i32
    }
    %scan3A_1028 = arith.constant 40 : i32
    %barrier3A = arith.constant 0 : index
    tpu.barrier barrier_id(%barrier3A)
    "tpu.region"() ({
      %run_scoped3A = tpu.sem_alloc : memref<!tpu.dma_semaphore, #tpu.memory_space<semaphore_mem>>
      %dma_start3A_1053 = arith.constant 0 : i32
      %dma_start3A_1054 = arith.constant 0 : i32
      %dma_start3A_1055 = tpu.memref_slice %arg3[%add3A, %dma_start3A_1053, %dma_start3A_1054] : memref<32x80x125xi32, #tpu.memory_space<hbm>> -> memref<1x16x125xi32, #tpu.memory_space<hbm>>
      %dma_start3A_1056 = tpu.memref_squeeze %dma_start3A_1055 : memref<1x16x125xi32, #tpu.memory_space<hbm>> -> memref<16x125xi32, #tpu.memory_space<hbm>>
      %dma_start3A_1057 = arith.constant 0 : i32
      %dma_start3A_1058 = arith.constant 0 : i32
      %dma_start3A_1059 = tpu.memref_slice %arg3[%add3A, %dma_start3A_1057, %dma_start3A_1058] : memref<32x80x125xi32, #tpu.memory_space<hbm>> -> memref<1x16x125xi32, #tpu.memory_space<hbm>>
      %dma_start3A_1060 = tpu.memref_squeeze %dma_start3A_1059 : memref<1x16x125xi32, #tpu.memory_space<hbm>> -> memref<16x125xi32, #tpu.memory_space<hbm>>
      tpu.enqueue_dma source(%dma_start3A_1060 : memref<16x125xi32, #tpu.memory_space<hbm>>) target(%arg6 : memref<16x125xi32, #tpu.memory_space<vmem>>) target_semaphore(%run_scoped3A : memref<!tpu.dma_semaphore, #tpu.memory_space<semaphore_mem>>)
      %dma_wait3A_1061 = arith.constant 0 : i32
      %dma_wait3A_1062 = arith.constant 0 : i32
      %dma_wait3A_1063 = tpu.memref_slice %arg3[%add3A, %dma_wait3A_1061, %dma_wait3A_1062] : memref<32x80x125xi32, #tpu.memory_space<hbm>> -> memref<1x16x125xi32, #tpu.memory_space<hbm>>
      %dma_wait3A_1064 = tpu.memref_squeeze %dma_wait3A_1063 : memref<1x16x125xi32, #tpu.memory_space<hbm>> -> memref<16x125xi32, #tpu.memory_space<hbm>>
      %dma_wait3A_1065 = arith.constant 0 : i32
      %dma_wait3A_1066 = arith.constant 0 : i32
      %dma_wait3A_1067 = tpu.memref_slice %arg3[%add3A, %dma_wait3A_1065, %dma_wait3A_1066] : memref<32x80x125xi32, #tpu.memory_space<hbm>> -> memref<1x16x125xi32, #tpu.memory_space<hbm>>
      %dma_wait3A_1068 = tpu.memref_squeeze %dma_wait3A_1067 : memref<1x16x125xi32, #tpu.memory_space<hbm>> -> memref<16x125xi32, #tpu.memory_space<hbm>>
      tpu.wait_dma2 semaphore(%run_scoped3A : memref<!tpu.dma_semaphore, #tpu.memory_space<semaphore_mem>>) src(%dma_wait3A_1068 : memref<16x125xi32, #tpu.memory_space<hbm>>) dst(%arg6 : memref<16x125xi32, #tpu.memory_space<vmem>>)
      tpu.yield
    }) : () -> ()
    "tpu.region"() ({
      %run_scoped3A = tpu.sem_alloc : memref<!tpu.dma_semaphore, #tpu.memory_space<semaphore_mem>>
      %dma_start3A_1053 = arith.constant 0 : i32
      %dma_start3A_1054 = arith.constant 0 : i32
      %dma_start3A_1055 = tpu.memref_slice %arg4[%add3A, %dma_start3A_1053, %dma_start3A_1054] : memref<32x80x125xi32, #tpu.memory_space<hbm>> -> memref<1x16x125xi32, #tpu.memory_space<hbm>>
      %dma_start3A_1056 = tpu.memref_squeeze %dma_start3A_1055 : memref<1x16x125xi32, #tpu.memory_space<hbm>> -> memref<16x125xi32, #tpu.memory_space<hbm>>
      %dma_start3A_1057 = arith.constant 0 : i32
      %dma_start3A_1058 = arith.constant 0 : i32
      %dma_start3A_1059 = tpu.memref_slice %arg4[%add3A, %dma_start3A_1057, %dma_start3A_1058] : memref<32x80x125xi32, #tpu.memory_space<hbm>> -> memref<1x16x125xi32, #tpu.memory_space<hbm>>
      %dma_start3A_1060 = tpu.memref_squeeze %dma_start3A_1059 : memref<1x16x125xi32, #tpu.memory_space<hbm>> -> memref<16x125xi32, #tpu.memory_space<hbm>>
      tpu.enqueue_dma source(%dma_start3A_1060 : memref<16x125xi32, #tpu.memory_space<hbm>>) target(%arg7 : memref<16x125xi32, #tpu.memory_space<vmem>>) target_semaphore(%run_scoped3A : memref<!tpu.dma_semaphore, #tpu.memory_space<semaphore_mem>>)
      %dma_wait3A_1061 = arith.constant 0 : i32
      %dma_wait3A_1062 = arith.constant 0 : i32
      %dma_wait3A_1063 = tpu.memref_slice %arg4[%add3A, %dma_wait3A_1061, %dma_wait3A_1062] : memref<32x80x125xi32, #tpu.memory_space<hbm>> -> memref<1x16x125xi32, #tpu.memory_space<hbm>>
      %dma_wait3A_1064 = tpu.memref_squeeze %dma_wait3A_1063 : memref<1x16x125xi32, #tpu.memory_space<hbm>> -> memref<16x125xi32, #tpu.memory_space<hbm>>
      %dma_wait3A_1065 = arith.constant 0 : i32
      %dma_wait3A_1066 = arith.constant 0 : i32
      %dma_wait3A_1067 = tpu.memref_slice %arg4[%add3A, %dma_wait3A_1065, %dma_wait3A_1066] : memref<32x80x125xi32, #tpu.memory_space<hbm>> -> memref<1x16x125xi32, #tpu.memory_space<hbm>>
      %dma_wait3A_1068 = tpu.memref_squeeze %dma_wait3A_1067 : memref<1x16x125xi32, #tpu.memory_space<hbm>> -> memref<16x125xi32, #tpu.memory_space<hbm>>
      tpu.wait_dma2 semaphore(%run_scoped3A : memref<!tpu.dma_semaphore, #tpu.memory_space<semaphore_mem>>) src(%dma_wait3A_1068 : memref<16x125xi32, #tpu.memory_space<hbm>>) dst(%arg7 : memref<16x125xi32, #tpu.memory_space<vmem>>)
      tpu.yield
    }) : () -> ()
    %dma_start3A = arith.constant 0 : i32
    %dma_start3A_1029 = arith.constant 0 : i32
    %dma_start3A_1030 = tpu.memref_slice %arg6[%dma_start3A, %dma_start3A_1029] : memref<16x125xi32, #tpu.memory_space<vmem>> -> memref<1x125xi32, #tpu.memory_space<vmem>>
    %dma_start3A_1031 = tpu.memref_squeeze %dma_start3A_1030 : memref<1x125xi32, #tpu.memory_space<vmem>> -> memref<125xi32, #tpu.memory_space<vmem>>
    %dma_start3A_1032 = arith.constant 0 : i32
    %dma_start3A_1033 = arith.constant 0 : i32
    %dma_start3A_1034 = tpu.memref_slice %arg2[%dma_start3A_1032, %dma_start3A_1033] : memref<10000x128xf32, #tpu.memory_space<hbm>> -> memref<10000x128xf32, #tpu.memory_space<hbm>>
    tpu.enqueue_indirect_dma source(%dma_start3A_1034 : memref<10000x128xf32, #tpu.memory_space<hbm>>) target(%arg8 : memref<125x128xf32, #tpu.memory_space<vmem>>) offsets(%dma_start3A_1031 : memref<125xi32, #tpu.memory_space<vmem>>) semaphore(%arg12 : memref<!tpu.dma_semaphore, #tpu.memory_space<semaphore_mem>>)
    %scan3A_1035 = arith.constant 0 : i32
    %scan3A_1036 = arith.constant 0 : i32
    %scan3A_1037 = arith.constant 5 : i32
    %scan3A_1038 = arith.addi %scan3A_1036, %scan3A_1037 : i32
    %scan3A_1039 = arith.constant 1 : i32
    %scan3A_1040 = scf.for %scan3A_1053 = %scan3A_1036 to %scan3A_1038 step %scan3A_1039 iter_args(%scan3A_1054 = %scan3A_1035) -> (i32)  : i32 {
      %mul3A_1055 = arith.constant 16 : i32
      %mul3A_1056 = arith.muli %mul3A_1055, %scan3A_1053 : i32
      %dma_wait3A_1057 = arith.constant 0 : i32
      %dma_wait3A_1058 = arith.constant 0 : i32
      %dma_wait3A_1059 = tpu.memref_slice %arg6[%dma_wait3A_1057, %dma_wait3A_1058] : memref<16x125xi32, #tpu.memory_space<vmem>> -> memref<1x125xi32, #tpu.memory_space<vmem>>
      %dma_wait3A_1060 = tpu.memref_squeeze %dma_wait3A_1059 : memref<1x125xi32, #tpu.memory_space<vmem>> -> memref<125xi32, #tpu.memory_space<vmem>>
      %dma_wait3A_1061 = arith.constant 0 : i32
      %dma_wait3A_1062 = arith.constant 0 : i32
      %dma_wait3A_1063 = tpu.memref_slice %arg2[%dma_wait3A_1061, %dma_wait3A_1062] : memref<10000x128xf32, #tpu.memory_space<hbm>> -> memref<10000x128xf32, #tpu.memory_space<hbm>>
      tpu.wait_indirect_dma semaphore(%arg12 : memref<!tpu.dma_semaphore, #tpu.memory_space<semaphore_mem>>) src(%dma_wait3A_1063 : memref<10000x128xf32, #tpu.memory_space<hbm>>) dst(%arg8 : memref<125x128xf32, #tpu.memory_space<vmem>>)
      %gt3A = arith.constant 0 : i32
      %gt3A_1064 = arith.cmpi sgt, %scan3A_1053, %gt3A : i32
      %convert_element_type3A = arith.extui %gt3A_1064 : i1 to i32
      %cond3A = arith.constant 0 : i32
      %cond3A_1065 = arith.cmpi ne, %convert_element_type3A, %cond3A : i32
      scf.if %cond3A_1065 {
        %dma_wait3A_1802 = arith.constant 0 : i32
        %dma_wait3A_1803 = arith.constant 0 : i32
        %dma_wait3A_1804 = tpu.memref_slice %arg7[%dma_wait3A_1802, %dma_wait3A_1803] : memref<16x125xi32, #tpu.memory_space<vmem>> -> memref<1x125xi32, #tpu.memory_space<vmem>>
        %dma_wait3A_1805 = tpu.memref_squeeze %dma_wait3A_1804 : memref<1x125xi32, #tpu.memory_space<vmem>> -> memref<125xi32, #tpu.memory_space<vmem>>
        %dma_wait3A_1806 = arith.constant 0 : i32
        %dma_wait3A_1807 = arith.constant 0 : i32
        %dma_wait3A_1808 = tpu.memref_slice %arg11[%dma_wait3A_1806, %dma_wait3A_1807] : memref<10240x128xf32, #tpu.memory_space<vmem_shared>> -> memref<10240x128xf32, #tpu.memory_space<vmem_shared>>
        tpu.wait_indirect_dma semaphore(%arg15 : memref<!tpu.dma_semaphore, #tpu.memory_space<semaphore_mem>>) src(%arg9 : memref<125x128xf32, #tpu.memory_space<vmem>>) dst(%dma_wait3A_1808 : memref<10240x128xf32, #tpu.memory_space<vmem_shared>>)
        %add3A_1809 = arith.constant 8 : i32
        %add3A_1810 = arith.addi %mul3A_1056, %add3A_1809 : i32
        %multiple_of3A = tpu.assume_multiple %add3A_1810, 8 : i32
        %dma_start3A_1811 = arith.constant 8 : i32
        %dma_start3A_1812 = arith.constant 0 : i32
        %dma_start3A_1813 = tpu.memref_slice %arg6[%dma_start3A_1811, %dma_start3A_1812] : memref<16x125xi32, #tpu.memory_space<vmem>> -> memref<8x125xi32, #tpu.memory_space<vmem>>
        %dma_start3A_1814 = arith.constant 0 : i32
        %dma_start3A_1815 = tpu.memref_slice %arg3[%add3A, %multiple_of3A, %dma_start3A_1814] : memref<32x80x125xi32, #tpu.memory_space<hbm>> -> memref<1x8x125xi32, #tpu.memory_space<hbm>>
        %dma_start3A_1816 = tpu.memref_squeeze %dma_start3A_1815 : memref<1x8x125xi32, #tpu.memory_space<hbm>> -> memref<8x125xi32, #tpu.memory_space<hbm>>
        %dma_start3A_1817 = arith.constant 8 : i32
        %dma_start3A_1818 = arith.constant 0 : i32
        %dma_start3A_1819 = tpu.memref_slice %arg6[%dma_start3A_1817, %dma_start3A_1818] : memref<16x125xi32, #tpu.memory_space<vmem>> -> memref<8x125xi32, #tpu.memory_space<vmem>>
        %dma_start3A_1820 = arith.constant 0 : i32
        %dma_start3A_1821 = tpu.memref_slice %arg3[%add3A, %multiple_of3A, %dma_start3A_1820] : memref<32x80x125xi32, #tpu.memory_space<hbm>> -> memref<1x8x125xi32, #tpu.memory_space<hbm>>
        %dma_start3A_1822 = tpu.memref_squeeze %dma_start3A_1821 : memref<1x8x125xi32, #tpu.memory_space<hbm>> -> memref<8x125xi32, #tpu.memory_space<hbm>>
        tpu.enqueue_dma source(%dma_start3A_1822 : memref<8x125xi32, #tpu.memory_space<hbm>>) target(%dma_start3A_1819 : memref<8x125xi32, #tpu.memory_space<vmem>>) target_semaphore(%arg17 : memref<!tpu.dma_semaphore, #tpu.memory_space<semaphore_mem>>)
        %add3A_1823 = arith.constant 8 : i32
        %add3A_1824 = arith.addi %mul3A_1056, %add3A_1823 : i32
        %multiple_of3A_1825 = tpu.assume_multiple %add3A_1824, 8 : i32
        %dma_start3A_1826 = arith.constant 8 : i32
        %dma_start3A_1827 = arith.constant 0 : i32
        %dma_start3A_1828 = tpu.memref_slice %arg7[%dma_start3A_1826, %dma_start3A_1827] : memref<16x125xi32, #tpu.memory_space<vmem>> -> memref<8x125xi32, #tpu.memory_space<vmem>>
        %dma_start3A_1829 = arith.constant 0 : i32
        %dma_start3A_1830 = tpu.memref_slice %arg4[%add3A, %multiple_of3A_1825, %dma_start3A_1829] : memref<32x80x125xi32, #tpu.memory_space<hbm>> -> memref<1x8x125xi32, #tpu.memory_space<hbm>>
        %dma_start3A_1831 = tpu.memref_squeeze %dma_start3A_1830 : memref<1x8x125xi32, #tpu.memory_space<hbm>> -> memref<8x125xi32, #tpu.memory_space<hbm>>
        %dma_start3A_1832 = arith.constant 8 : i32
        %dma_start3A_1833 = arith.constant 0 : i32
        %dma_start3A_1834 = tpu.memref_slice %arg7[%dma_start3A_1832, %dma_start3A_1833] : memref<16x125xi32, #tpu.memory_space<vmem>> -> memref<8x125xi32, #tpu.memory_space<vmem>>
        %dma_start3A_1835 = arith.constant 0 : i32
        %dma_start3A_1836 = tpu.memref_slice %arg4[%add3A, %multiple_of3A_1825, %dma_start3A_1835] : memref<32x80x125xi32, #tpu.memory_space<hbm>> -> memref<1x8x125xi32, #tpu.memory_space<hbm>>
        %dma_start3A_1837 = tpu.memref_squeeze %dma_start3A_1836 : memref<1x8x125xi32, #tpu.memory_space<hbm>> -> memref<8x125xi32, #tpu.memory_space<hbm>>
        tpu.enqueue_dma source(%dma_start3A_1837 : memref<8x125xi32, #tpu.memory_space<hbm>>) target(%dma_start3A_1834 : memref<8x125xi32, #tpu.memory_space<vmem>>) target_semaphore(%arg19 : memref<!tpu.dma_semaphore, #tpu.memory_space<semaphore_mem>>)
      } else {
      }
      %add3A_1066 = arith.constant 0 : i32
      %add3A_1067 = arith.addi %mul3A_1056, %add3A_1066 : i32
      %add3A_1068 = arith.constant 1 : i32
      %add3A_1069 = arith.addi %add3A_1067, %add3A_1068 : i32
      %jit3A = arith.constant 16 : i32
      %eq3A = arith.constant 0 : i32
      %eq3A_1070 = arith.cmpi eq, %jit3A, %eq3A : i32
      %jit3A_1071 = arith.constant 1 : i32
      %select_n3A = arith.select %eq3A_1070, %jit3A_1071, %jit3A : i32
      %rem3A = arith.remsi %add3A_1069, %select_n3A : i32
      %ne3A = arith.constant 0 : i32
      %ne3A_1072 = arith.cmpi ne, %rem3A, %ne3A : i32
      %lt3A = arith.constant 0 : i32
      %lt3A_1073 = arith.cmpi slt, %rem3A, %lt3A : i32
      %lt3A_1074 = arith.constant 0 : i32
      %lt3A_1075 = arith.cmpi slt, %select_n3A, %lt3A_1074 : i32
      %ne3A_1076 = arith.xori %lt3A_1073, %lt3A_1075 : i1
      %and3A = arith.andi %ne3A_1076, %ne3A_1072 : i1
      %add3A_1077 = arith.addi %rem3A, %select_n3A : i32
      %select_n3A_1078 = arith.select %and3A, %add3A_1077, %rem3A : i32
      %dma_start3A_1079 = arith.constant 0 : i32
      %dma_start3A_1080 = tpu.memref_slice %arg6[%select_n3A_1078, %dma_start3A_1079] : memref<16x125xi32, #tpu.memory_space<vmem>> -> memref<1x125xi32, #tpu.memory_space<vmem>>
      %dma_start3A_1081 = tpu.memref_squeeze %dma_start3A_1080 : memref<1x125xi32, #tpu.memory_space<vmem>> -> memref<125xi32, #tpu.memory_space<vmem>>
      %dma_start3A_1082 = arith.constant 0 : i32
      %dma_start3A_1083 = arith.constant 0 : i32
      %dma_start3A_1084 = tpu.memref_slice %arg2[%dma_start3A_1082, %dma_start3A_1083] : memref<10000x128xf32, #tpu.memory_space<hbm>> -> memref<10000x128xf32, #tpu.memory_space<hbm>>
      tpu.enqueue_indirect_dma source(%dma_start3A_1084 : memref<10000x128xf32, #tpu.memory_space<hbm>>) target(%arg9 : memref<125x128xf32, #tpu.memory_space<vmem>>) offsets(%dma_start3A_1081 : memref<125xi32, #tpu.memory_space<vmem>>) semaphore(%arg13 : memref<!tpu.dma_semaphore, #tpu.memory_space<semaphore_mem>>)
      %dma_start3A_1085 = arith.constant 0 : i32
      %dma_start3A_1086 = arith.constant 0 : i32
      %dma_start3A_1087 = tpu.memref_slice %arg7[%dma_start3A_1085, %dma_start3A_1086] : memref<16x125xi32, #tpu.memory_space<vmem>> -> memref<1x125xi32, #tpu.memory_space<vmem>>
      %dma_start3A_1088 = tpu.memref_squeeze %dma_start3A_1087 : memref<1x125xi32, #tpu.memory_space<vmem>> -> memref<125xi32, #tpu.memory_space<vmem>>
      %dma_start3A_1089 = arith.constant 0 : i32
      %dma_start3A_1090 = arith.constant 0 : i32
      %dma_start3A_1091 = tpu.memref_slice %arg11[%dma_start3A_1089, %dma_start3A_1090] : memref<10240x128xf32, #tpu.memory_space<vmem_shared>> -> memref<10240x128xf32, #tpu.memory_space<vmem_shared>>
      tpu.enqueue_indirect_dma source(%arg8 : memref<125x128xf32, #tpu.memory_space<vmem>>) target(%dma_start3A_1091 : memref<10240x128xf32, #tpu.memory_space<vmem_shared>>) offsets(%dma_start3A_1088 : memref<125xi32, #tpu.memory_space<vmem>>) semaphore(%arg14 : memref<!tpu.dma_semaphore, #tpu.memory_space<semaphore_mem>>) {add = true}
      %dma_wait3A_1092 = arith.constant 0 : i32
      %dma_wait3A_1093 = arith.constant 0 : i32
      %dma_wait3A_1094 = tpu.memref_slice %arg6[%dma_wait3A_1092, %dma_wait3A_1093] : memref<16x125xi32, #tpu.memory_space<vmem>> -> memref<1x125xi32, #tpu.memory_space<vmem>>
      %dma_wait3A_1095 = tpu.memref_squeeze %dma_wait3A_1094 : memref<1x125xi32, #tpu.memory_space<vmem>> -> memref<125xi32, #tpu.memory_space<vmem>>
      %dma_wait3A_1096 = arith.constant 0 : i32
      %dma_wait3A_1097 = arith.constant 0 : i32
      %dma_wait3A_1098 = tpu.memref_slice %arg2[%dma_wait3A_1096, %dma_wait3A_1097] : memref<10000x128xf32, #tpu.memory_space<hbm>> -> memref<10000x128xf32, #tpu.memory_space<hbm>>
      tpu.wait_indirect_dma semaphore(%arg13 : memref<!tpu.dma_semaphore, #tpu.memory_space<semaphore_mem>>) src(%dma_wait3A_1098 : memref<10000x128xf32, #tpu.memory_space<hbm>>) dst(%arg9 : memref<125x128xf32, #tpu.memory_space<vmem>>)
      %dma_wait3A_1099 = arith.constant 0 : i32
      %dma_wait3A_1100 = arith.constant 0 : i32
      %dma_wait3A_1101 = tpu.memref_slice %arg7[%dma_wait3A_1099, %dma_wait3A_1100] : memref<16x125xi32, #tpu.memory_space<vmem>> -> memref<1x125xi32, #tpu.memory_space<vmem>>
      %dma_wait3A_1102 = tpu.memref_squeeze %dma_wait3A_1101 : memref<1x125xi32, #tpu.memory_space<vmem>> -> memref<125xi32, #tpu.memory_space<vmem>>
      %dma_wait3A_1103 = arith.constant 0 : i32
      %dma_wait3A_1104 = arith.constant 0 : i32
      %dma_wait3A_1105 = tpu.memref_slice %arg11[%dma_wait3A_1103, %dma_wait3A_1104] : memref<10240x128xf32, #tpu.memory_space<vmem_shared>> -> memref<10240x128xf32, #tpu.memory_space<vmem_shared>>
      tpu.wait_indirect_dma semaphore(%arg14 : memref<!tpu.dma_semaphore, #tpu.memory_space<semaphore_mem>>) src(%arg8 : memref<125x128xf32, #tpu.memory_space<vmem>>) dst(%dma_wait3A_1105 : memref<10240x128xf32, #tpu.memory_space<vmem_shared>>)
      %add3A_1106 = arith.constant 1 : i32
      %add3A_1107 = arith.addi %mul3A_1056, %add3A_1106 : i32
      %add3A_1108 = arith.constant 1 : i32
      %add3A_1109 = arith.addi %add3A_1107, %add3A_1108 : i32
      %jit3A_1110 = arith.constant 16 : i32
      %eq3A_1111 = arith.constant 0 : i32
      %eq3A_1112 = arith.cmpi eq, %jit3A_1110, %eq3A_1111 : i32
      %jit3A_1113 = arith.constant 1 : i32
      %select_n3A_1114 = arith.select %eq3A_1112, %jit3A_1113, %jit3A_1110 : i32
      %rem3A_1115 = arith.remsi %add3A_1109, %select_n3A_1114 : i32
      %ne3A_1116 = arith.constant 0 : i32
      %ne3A_1117 = arith.cmpi ne, %rem3A_1115, %ne3A_1116 : i32
      %lt3A_1118 = arith.constant 0 : i32
      %lt3A_1119 = arith.cmpi slt, %rem3A_1115, %lt3A_1118 : i32
      %lt3A_1120 = arith.constant 0 : i32
      %lt3A_1121 = arith.cmpi slt, %select_n3A_1114, %lt3A_1120 : i32
      %ne3A_1122 = arith.xori %lt3A_1119, %lt3A_1121 : i1
      %and3A_1123 = arith.andi %ne3A_1122, %ne3A_1117 : i1
      %add3A_1124 = arith.addi %rem3A_1115, %select_n3A_1114 : i32
      %select_n3A_1125 = arith.select %and3A_1123, %add3A_1124, %rem3A_1115 : i32
      %dma_start3A_1126 = arith.constant 0 : i32
      %dma_start3A_1127 = tpu.memref_slice %arg6[%select_n3A_1125, %dma_start3A_1126] : memref<16x125xi32, #tpu.memory_space<vmem>> -> memref<1x125xi32, #tpu.memory_space<vmem>>
      %dma_start3A_1128 = tpu.memref_squeeze %dma_start3A_1127 : memref<1x125xi32, #tpu.memory_space<vmem>> -> memref<125xi32, #tpu.memory_space<vmem>>
      %dma_start3A_1129 = arith.constant 0 : i32
      %dma_start3A_1130 = arith.constant 0 : i32
      %dma_start3A_1131 = tpu.memref_slice %arg2[%dma_start3A_1129, %dma_start3A_1130] : memref<10000x128xf32, #tpu.memory_space<hbm>> -> memref<10000x128xf32, #tpu.memory_space<hbm>>
      tpu.enqueue_indirect_dma source(%dma_start3A_1131 : memref<10000x128xf32, #tpu.memory_space<hbm>>) target(%arg8 : memref<125x128xf32, #tpu.memory_space<vmem>>) offsets(%dma_start3A_1128 : memref<125xi32, #tpu.memory_space<vmem>>) semaphore(%arg12 : memref<!tpu.dma_semaphore, #tpu.memory_space<semaphore_mem>>)
      %dma_start3A_1132 = arith.constant 1 : i32
      %dma_start3A_1133 = arith.constant 0 : i32
      %dma_start3A_1134 = tpu.memref_slice %arg7[%dma_start3A_1132, %dma_start3A_1133] : memref<16x125xi32, #tpu.memory_space<vmem>> -> memref<1x125xi32, #tpu.memory_space<vmem>>
      %dma_start3A_1135 = tpu.memref_squeeze %dma_start3A_1134 : memref<1x125xi32, #tpu.memory_space<vmem>> -> memref<125xi32, #tpu.memory_space<vmem>>
      %dma_start3A_1136 = arith.constant 0 : i32
      %dma_start3A_1137 = arith.constant 0 : i32
      %dma_start3A_1138 = tpu.memref_slice %arg11[%dma_start3A_1136, %dma_start3A_1137] : memref<10240x128xf32, #tpu.memory_space<vmem_shared>> -> memref<10240x128xf32, #tpu.memory_space<vmem_shared>>
      tpu.enqueue_indirect_dma source(%arg9 : memref<125x128xf32, #tpu.memory_space<vmem>>) target(%dma_start3A_1138 : memref<10240x128xf32, #tpu.memory_space<vmem_shared>>) offsets(%dma_start3A_1135 : memref<125xi32, #tpu.memory_space<vmem>>) semaphore(%arg15 : memref<!tpu.dma_semaphore, #tpu.memory_space<semaphore_mem>>) {add = true}
      %dma_wait3A_1139 = arith.constant 0 : i32
      %dma_wait3A_1140 = arith.constant 0 : i32
      %dma_wait3A_1141 = tpu.memref_slice %arg6[%dma_wait3A_1139, %dma_wait3A_1140] : memref<16x125xi32, #tpu.memory_space<vmem>> -> memref<1x125xi32, #tpu.memory_space<vmem>>
      %dma_wait3A_1142 = tpu.memref_squeeze %dma_wait3A_1141 : memref<1x125xi32, #tpu.memory_space<vmem>> -> memref<125xi32, #tpu.memory_space<vmem>>
      %dma_wait3A_1143 = arith.constant 0 : i32
      %dma_wait3A_1144 = arith.constant 0 : i32
      %dma_wait3A_1145 = tpu.memref_slice %arg2[%dma_wait3A_1143, %dma_wait3A_1144] : memref<10000x128xf32, #tpu.memory_space<hbm>> -> memref<10000x128xf32, #tpu.memory_space<hbm>>
      tpu.wait_indirect_dma semaphore(%arg12 : memref<!tpu.dma_semaphore, #tpu.memory_space<semaphore_mem>>) src(%dma_wait3A_1145 : memref<10000x128xf32, #tpu.memory_space<hbm>>) dst(%arg8 : memref<125x128xf32, #tpu.memory_space<vmem>>)
      %dma_wait3A_1146 = arith.constant 0 : i32
      %dma_wait3A_1147 = arith.constant 0 : i32
      %dma_wait3A_1148 = tpu.memref_slice %arg7[%dma_wait3A_1146, %dma_wait3A_1147] : memref<16x125xi32, #tpu.memory_space<vmem>> -> memref<1x125xi32, #tpu.memory_space<vmem>>
      %dma_wait3A_1149 = tpu.memref_squeeze %dma_wait3A_1148 : memref<1x125xi32, #tpu.memory_space<vmem>> -> memref<125xi32, #tpu.memory_space<vmem>>
      %dma_wait3A_1150 = arith.constant 0 : i32
      %dma_wait3A_1151 = arith.constant 0 : i32
      %dma_wait3A_1152 = tpu.memref_slice %arg11[%dma_wait3A_1150, %dma_wait3A_1151] : memref<10240x128xf32, #tpu.memory_space<vmem_shared>> -> memref<10240x128xf32, #tpu.memory_space<vmem_shared>>
      tpu.wait_indirect_dma semaphore(%arg15 : memref<!tpu.dma_semaphore, #tpu.memory_space<semaphore_mem>>) src(%arg9 : memref<125x128xf32, #tpu.memory_space<vmem>>) dst(%dma_wait3A_1152 : memref<10240x128xf32, #tpu.memory_space<vmem_shared>>)
      %add3A_1153 = arith.constant 2 : i32
      %add3A_1154 = arith.addi %mul3A_1056, %add3A_1153 : i32
      %add3A_1155 = arith.constant 1 : i32
      %add3A_1156 = arith.addi %add3A_1154, %add3A_1155 : i32
      %jit3A_1157 = arith.constant 16 : i32
      %eq3A_1158 = arith.constant 0 : i32
      %eq3A_1159 = arith.cmpi eq, %jit3A_1157, %eq3A_1158 : i32
      %jit3A_1160 = arith.constant 1 : i32
      %select_n3A_1161 = arith.select %eq3A_1159, %jit3A_1160, %jit3A_1157 : i32
      %rem3A_1162 = arith.remsi %add3A_1156, %select_n3A_1161 : i32
      %ne3A_1163 = arith.constant 0 : i32
      %ne3A_1164 = arith.cmpi ne, %rem3A_1162, %ne3A_1163 : i32
      %lt3A_1165 = arith.constant 0 : i32
      %lt3A_1166 = arith.cmpi slt, %rem3A_1162, %lt3A_1165 : i32
      %lt3A_1167 = arith.constant 0 : i32
      %lt3A_1168 = arith.cmpi slt, %select_n3A_1161, %lt3A_1167 : i32
      %ne3A_1169 = arith.xori %lt3A_1166, %lt3A_1168 : i1
      %and3A_1170 = arith.andi %ne3A_1169, %ne3A_1164 : i1
      %add3A_1171 = arith.addi %rem3A_1162, %select_n3A_1161 : i32
      %select_n3A_1172 = arith.select %and3A_1170, %add3A_1171, %rem3A_1162 : i32
      %dma_start3A_1173 = arith.constant 0 : i32
      %dma_start3A_1174 = tpu.memref_slice %arg6[%select_n3A_1172, %dma_start3A_1173] : memref<16x125xi32, #tpu.memory_space<vmem>> -> memref<1x125xi32, #tpu.memory_space<vmem>>
      %dma_start3A_1175 = tpu.memref_squeeze %dma_start3A_1174 : memref<1x125xi32, #tpu.memory_space<vmem>> -> memref<125xi32, #tpu.memory_space<vmem>>
      %dma_start3A_1176 = arith.constant 0 : i32
      %dma_start3A_1177 = arith.constant 0 : i32
      %dma_start3A_1178 = tpu.memref_slice %arg2[%dma_start3A_1176, %dma_start3A_1177] : memref<10000x128xf32, #tpu.memory_space<hbm>> -> memref<10000x128xf32, #tpu.memory_space<hbm>>
      tpu.enqueue_indirect_dma source(%dma_start3A_1178 : memref<10000x128xf32, #tpu.memory_space<hbm>>) target(%arg9 : memref<125x128xf32, #tpu.memory_space<vmem>>) offsets(%dma_start3A_1175 : memref<125xi32, #tpu.memory_space<vmem>>) semaphore(%arg13 : memref<!tpu.dma_semaphore, #tpu.memory_space<semaphore_mem>>)
      %dma_start3A_1179 = arith.constant 2 : i32
      %dma_start3A_1180 = arith.constant 0 : i32
      %dma_start3A_1181 = tpu.memref_slice %arg7[%dma_start3A_1179, %dma_start3A_1180] : memref<16x125xi32, #tpu.memory_space<vmem>> -> memref<1x125xi32, #tpu.memory_space<vmem>>
      %dma_start3A_1182 = tpu.memref_squeeze %dma_start3A_1181 : memref<1x125xi32, #tpu.memory_space<vmem>> -> memref<125xi32, #tpu.memory_space<vmem>>
      %dma_start3A_1183 = arith.constant 0 : i32
      %dma_start3A_1184 = arith.constant 0 : i32
      %dma_start3A_1185 = tpu.memref_slice %arg11[%dma_start3A_1183, %dma_start3A_1184] : memref<10240x128xf32, #tpu.memory_space<vmem_shared>> -> memref<10240x128xf32, #tpu.memory_space<vmem_shared>>
      tpu.enqueue_indirect_dma source(%arg8 : memref<125x128xf32, #tpu.memory_space<vmem>>) target(%dma_start3A_1185 : memref<10240x128xf32, #tpu.memory_space<vmem_shared>>) offsets(%dma_start3A_1182 : memref<125xi32, #tpu.memory_space<vmem>>) semaphore(%arg14 : memref<!tpu.dma_semaphore, #tpu.memory_space<semaphore_mem>>) {add = true}
      %dma_wait3A_1186 = arith.constant 0 : i32
      %dma_wait3A_1187 = arith.constant 0 : i32
      %dma_wait3A_1188 = tpu.memref_slice %arg6[%dma_wait3A_1186, %dma_wait3A_1187] : memref<16x125xi32, #tpu.memory_space<vmem>> -> memref<1x125xi32, #tpu.memory_space<vmem>>
      %dma_wait3A_1189 = tpu.memref_squeeze %dma_wait3A_1188 : memref<1x125xi32, #tpu.memory_space<vmem>> -> memref<125xi32, #tpu.memory_space<vmem>>
      %dma_wait3A_1190 = arith.constant 0 : i32
      %dma_wait3A_1191 = arith.constant 0 : i32
      %dma_wait3A_1192 = tpu.memref_slice %arg2[%dma_wait3A_1190, %dma_wait3A_1191] : memref<10000x128xf32, #tpu.memory_space<hbm>> -> memref<10000x128xf32, #tpu.memory_space<hbm>>
      tpu.wait_indirect_dma semaphore(%arg13 : memref<!tpu.dma_semaphore, #tpu.memory_space<semaphore_mem>>) src(%dma_wait3A_1192 : memref<10000x128xf32, #tpu.memory_space<hbm>>) dst(%arg9 : memref<125x128xf32, #tpu.memory_space<vmem>>)
      %dma_wait3A_1193 = arith.constant 0 : i32
      %dma_wait3A_1194 = arith.constant 0 : i32
      %dma_wait3A_1195 = tpu.memref_slice %arg7[%dma_wait3A_1193, %dma_wait3A_1194] : memref<16x125xi32, #tpu.memory_space<vmem>> -> memref<1x125xi32, #tpu.memory_space<vmem>>
      %dma_wait3A_1196 = tpu.memref_squeeze %dma_wait3A_1195 : memref<1x125xi32, #tpu.memory_space<vmem>> -> memref<125xi32, #tpu.memory_space<vmem>>
      %dma_wait3A_1197 = arith.constant 0 : i32
      %dma_wait3A_1198 = arith.constant 0 : i32
      %dma_wait3A_1199 = tpu.memref_slice %arg11[%dma_wait3A_1197, %dma_wait3A_1198] : memref<10240x128xf32, #tpu.memory_space<vmem_shared>> -> memref<10240x128xf32, #tpu.memory_space<vmem_shared>>
      tpu.wait_indirect_dma semaphore(%arg14 : memref<!tpu.dma_semaphore, #tpu.memory_space<semaphore_mem>>) src(%arg8 : memref<125x128xf32, #tpu.memory_space<vmem>>) dst(%dma_wait3A_1199 : memref<10240x128xf32, #tpu.memory_space<vmem_shared>>)
      %add3A_1200 = arith.constant 3 : i32
      %add3A_1201 = arith.addi %mul3A_1056, %add3A_1200 : i32
      %add3A_1202 = arith.constant 1 : i32
      %add3A_1203 = arith.addi %add3A_1201, %add3A_1202 : i32
      %jit3A_1204 = arith.constant 16 : i32
      %eq3A_1205 = arith.constant 0 : i32
      %eq3A_1206 = arith.cmpi eq, %jit3A_1204, %eq3A_1205 : i32
      %jit3A_1207 = arith.constant 1 : i32
      %select_n3A_1208 = arith.select %eq3A_1206, %jit3A_1207, %jit3A_1204 : i32
      %rem3A_1209 = arith.remsi %add3A_1203, %select_n3A_1208 : i32
      %ne3A_1210 = arith.constant 0 : i32
      %ne3A_1211 = arith.cmpi ne, %rem3A_1209, %ne3A_1210 : i32
      %lt3A_1212 = arith.constant 0 : i32
      %lt3A_1213 = arith.cmpi slt, %rem3A_1209, %lt3A_1212 : i32
      %lt3A_1214 = arith.constant 0 : i32
      %lt3A_1215 = arith.cmpi slt, %select_n3A_1208, %lt3A_1214 : i32
      %ne3A_1216 = arith.xori %lt3A_1213, %lt3A_1215 : i1
      %and3A_1217 = arith.andi %ne3A_1216, %ne3A_1211 : i1
      %add3A_1218 = arith.addi %rem3A_1209, %select_n3A_1208 : i32
      %select_n3A_1219 = arith.select %and3A_1217, %add3A_1218, %rem3A_1209 : i32
      %dma_start3A_1220 = arith.constant 0 : i32
      %dma_start3A_1221 = tpu.memref_slice %arg6[%select_n3A_1219, %dma_start3A_1220] : memref<16x125xi32, #tpu.memory_space<vmem>> -> memref<1x125xi32, #tpu.memory_space<vmem>>
      %dma_start3A_1222 = tpu.memref_squeeze %dma_start3A_1221 : memref<1x125xi32, #tpu.memory_space<vmem>> -> memref<125xi32, #tpu.memory_space<vmem>>
      %dma_start3A_1223 = arith.constant 0 : i32
      %dma_start3A_1224 = arith.constant 0 : i32
      %dma_start3A_1225 = tpu.memref_slice %arg2[%dma_start3A_1223, %dma_start3A_1224] : memref<10000x128xf32, #tpu.memory_space<hbm>> -> memref<10000x128xf32, #tpu.memory_space<hbm>>
      tpu.enqueue_indirect_dma source(%dma_start3A_1225 : memref<10000x128xf32, #tpu.memory_space<hbm>>) target(%arg8 : memref<125x128xf32, #tpu.memory_space<vmem>>) offsets(%dma_start3A_1222 : memref<125xi32, #tpu.memory_space<vmem>>) semaphore(%arg12 : memref<!tpu.dma_semaphore, #tpu.memory_space<semaphore_mem>>)
      %dma_start3A_1226 = arith.constant 3 : i32
      %dma_start3A_1227 = arith.constant 0 : i32
      %dma_start3A_1228 = tpu.memref_slice %arg7[%dma_start3A_1226, %dma_start3A_1227] : memref<16x125xi32, #tpu.memory_space<vmem>> -> memref<1x125xi32, #tpu.memory_space<vmem>>
      %dma_start3A_1229 = tpu.memref_squeeze %dma_start3A_1228 : memref<1x125xi32, #tpu.memory_space<vmem>> -> memref<125xi32, #tpu.memory_space<vmem>>
      %dma_start3A_1230 = arith.constant 0 : i32
      %dma_start3A_1231 = arith.constant 0 : i32
      %dma_start3A_1232 = tpu.memref_slice %arg11[%dma_start3A_1230, %dma_start3A_1231] : memref<10240x128xf32, #tpu.memory_space<vmem_shared>> -> memref<10240x128xf32, #tpu.memory_space<vmem_shared>>
      tpu.enqueue_indirect_dma source(%arg9 : memref<125x128xf32, #tpu.memory_space<vmem>>) target(%dma_start3A_1232 : memref<10240x128xf32, #tpu.memory_space<vmem_shared>>) offsets(%dma_start3A_1229 : memref<125xi32, #tpu.memory_space<vmem>>) semaphore(%arg15 : memref<!tpu.dma_semaphore, #tpu.memory_space<semaphore_mem>>) {add = true}
      %dma_wait3A_1233 = arith.constant 0 : i32
      %dma_wait3A_1234 = arith.constant 0 : i32
      %dma_wait3A_1235 = tpu.memref_slice %arg6[%dma_wait3A_1233, %dma_wait3A_1234] : memref<16x125xi32, #tpu.memory_space<vmem>> -> memref<1x125xi32, #tpu.memory_space<vmem>>
      %dma_wait3A_1236 = tpu.memref_squeeze %dma_wait3A_1235 : memref<1x125xi32, #tpu.memory_space<vmem>> -> memref<125xi32, #tpu.memory_space<vmem>>
      %dma_wait3A_1237 = arith.constant 0 : i32
      %dma_wait3A_1238 = arith.constant 0 : i32
      %dma_wait3A_1239 = tpu.memref_slice %arg2[%dma_wait3A_1237, %dma_wait3A_1238] : memref<10000x128xf32, #tpu.memory_space<hbm>> -> memref<10000x128xf32, #tpu.memory_space<hbm>>
      tpu.wait_indirect_dma semaphore(%arg12 : memref<!tpu.dma_semaphore, #tpu.memory_space<semaphore_mem>>) src(%dma_wait3A_1239 : memref<10000x128xf32, #tpu.memory_space<hbm>>) dst(%arg8 : memref<125x128xf32, #tpu.memory_space<vmem>>)
      %dma_wait3A_1240 = arith.constant 0 : i32
      %dma_wait3A_1241 = arith.constant 0 : i32
      %dma_wait3A_1242 = tpu.memref_slice %arg7[%dma_wait3A_1240, %dma_wait3A_1241] : memref<16x125xi32, #tpu.memory_space<vmem>> -> memref<1x125xi32, #tpu.memory_space<vmem>>
      %dma_wait3A_1243 = tpu.memref_squeeze %dma_wait3A_1242 : memref<1x125xi32, #tpu.memory_space<vmem>> -> memref<125xi32, #tpu.memory_space<vmem>>
      %dma_wait3A_1244 = arith.constant 0 : i32
      %dma_wait3A_1245 = arith.constant 0 : i32
      %dma_wait3A_1246 = tpu.memref_slice %arg11[%dma_wait3A_1244, %dma_wait3A_1245] : memref<10240x128xf32, #tpu.memory_space<vmem_shared>> -> memref<10240x128xf32, #tpu.memory_space<vmem_shared>>
      tpu.wait_indirect_dma semaphore(%arg15 : memref<!tpu.dma_semaphore, #tpu.memory_space<semaphore_mem>>) src(%arg9 : memref<125x128xf32, #tpu.memory_space<vmem>>) dst(%dma_wait3A_1246 : memref<10240x128xf32, #tpu.memory_space<vmem_shared>>)
      %add3A_1247 = arith.constant 4 : i32
      %add3A_1248 = arith.addi %mul3A_1056, %add3A_1247 : i32
      %add3A_1249 = arith.constant 1 : i32
      %add3A_1250 = arith.addi %add3A_1248, %add3A_1249 : i32
      %jit3A_1251 = arith.constant 16 : i32
      %eq3A_1252 = arith.constant 0 : i32
      %eq3A_1253 = arith.cmpi eq, %jit3A_1251, %eq3A_1252 : i32
      %jit3A_1254 = arith.constant 1 : i32
      %select_n3A_1255 = arith.select %eq3A_1253, %jit3A_1254, %jit3A_1251 : i32
      %rem3A_1256 = arith.remsi %add3A_1250, %select_n3A_1255 : i32
      %ne3A_1257 = arith.constant 0 : i32
      %ne3A_1258 = arith.cmpi ne, %rem3A_1256, %ne3A_1257 : i32
      %lt3A_1259 = arith.constant 0 : i32
      %lt3A_1260 = arith.cmpi slt, %rem3A_1256, %lt3A_1259 : i32
      %lt3A_1261 = arith.constant 0 : i32
      %lt3A_1262 = arith.cmpi slt, %select_n3A_1255, %lt3A_1261 : i32
      %ne3A_1263 = arith.xori %lt3A_1260, %lt3A_1262 : i1
      %and3A_1264 = arith.andi %ne3A_1263, %ne3A_1258 : i1
      %add3A_1265 = arith.addi %rem3A_1256, %select_n3A_1255 : i32
      %select_n3A_1266 = arith.select %and3A_1264, %add3A_1265, %rem3A_1256 : i32
      %dma_start3A_1267 = arith.constant 0 : i32
      %dma_start3A_1268 = tpu.memref_slice %arg6[%select_n3A_1266, %dma_start3A_1267] : memref<16x125xi32, #tpu.memory_space<vmem>> -> memref<1x125xi32, #tpu.memory_space<vmem>>
      %dma_start3A_1269 = tpu.memref_squeeze %dma_start3A_1268 : memref<1x125xi32, #tpu.memory_space<vmem>> -> memref<125xi32, #tpu.memory_space<vmem>>
      %dma_start3A_1270 = arith.constant 0 : i32
      %dma_start3A_1271 = arith.constant 0 : i32
      %dma_start3A_1272 = tpu.memref_slice %arg2[%dma_start3A_1270, %dma_start3A_1271] : memref<10000x128xf32, #tpu.memory_space<hbm>> -> memref<10000x128xf32, #tpu.memory_space<hbm>>
      tpu.enqueue_indirect_dma source(%dma_start3A_1272 : memref<10000x128xf32, #tpu.memory_space<hbm>>) target(%arg9 : memref<125x128xf32, #tpu.memory_space<vmem>>) offsets(%dma_start3A_1269 : memref<125xi32, #tpu.memory_space<vmem>>) semaphore(%arg13 : memref<!tpu.dma_semaphore, #tpu.memory_space<semaphore_mem>>)
      %dma_start3A_1273 = arith.constant 4 : i32
      %dma_start3A_1274 = arith.constant 0 : i32
      %dma_start3A_1275 = tpu.memref_slice %arg7[%dma_start3A_1273, %dma_start3A_1274] : memref<16x125xi32, #tpu.memory_space<vmem>> -> memref<1x125xi32, #tpu.memory_space<vmem>>
      %dma_start3A_1276 = tpu.memref_squeeze %dma_start3A_1275 : memref<1x125xi32, #tpu.memory_space<vmem>> -> memref<125xi32, #tpu.memory_space<vmem>>
      %dma_start3A_1277 = arith.constant 0 : i32
      %dma_start3A_1278 = arith.constant 0 : i32
      %dma_start3A_1279 = tpu.memref_slice %arg11[%dma_start3A_1277, %dma_start3A_1278] : memref<10240x128xf32, #tpu.memory_space<vmem_shared>> -> memref<10240x128xf32, #tpu.memory_space<vmem_shared>>
      tpu.enqueue_indirect_dma source(%arg8 : memref<125x128xf32, #tpu.memory_space<vmem>>) target(%dma_start3A_1279 : memref<10240x128xf32, #tpu.memory_space<vmem_shared>>) offsets(%dma_start3A_1276 : memref<125xi32, #tpu.memory_space<vmem>>) semaphore(%arg14 : memref<!tpu.dma_semaphore, #tpu.memory_space<semaphore_mem>>) {add = true}
      %dma_wait3A_1280 = arith.constant 0 : i32
      %dma_wait3A_1281 = arith.constant 0 : i32
      %dma_wait3A_1282 = tpu.memref_slice %arg6[%dma_wait3A_1280, %dma_wait3A_1281] : memref<16x125xi32, #tpu.memory_space<vmem>> -> memref<1x125xi32, #tpu.memory_space<vmem>>
      %dma_wait3A_1283 = tpu.memref_squeeze %dma_wait3A_1282 : memref<1x125xi32, #tpu.memory_space<vmem>> -> memref<125xi32, #tpu.memory_space<vmem>>
      %dma_wait3A_1284 = arith.constant 0 : i32
      %dma_wait3A_1285 = arith.constant 0 : i32
      %dma_wait3A_1286 = tpu.memref_slice %arg2[%dma_wait3A_1284, %dma_wait3A_1285] : memref<10000x128xf32, #tpu.memory_space<hbm>> -> memref<10000x128xf32, #tpu.memory_space<hbm>>
      tpu.wait_indirect_dma semaphore(%arg13 : memref<!tpu.dma_semaphore, #tpu.memory_space<semaphore_mem>>) src(%dma_wait3A_1286 : memref<10000x128xf32, #tpu.memory_space<hbm>>) dst(%arg9 : memref<125x128xf32, #tpu.memory_space<vmem>>)
      %dma_wait3A_1287 = arith.constant 0 : i32
      %dma_wait3A_1288 = arith.constant 0 : i32
      %dma_wait3A_1289 = tpu.memref_slice %arg7[%dma_wait3A_1287, %dma_wait3A_1288] : memref<16x125xi32, #tpu.memory_space<vmem>> -> memref<1x125xi32, #tpu.memory_space<vmem>>
      %dma_wait3A_1290 = tpu.memref_squeeze %dma_wait3A_1289 : memref<1x125xi32, #tpu.memory_space<vmem>> -> memref<125xi32, #tpu.memory_space<vmem>>
      %dma_wait3A_1291 = arith.constant 0 : i32
      %dma_wait3A_1292 = arith.constant 0 : i32
      %dma_wait3A_1293 = tpu.memref_slice %arg11[%dma_wait3A_1291, %dma_wait3A_1292] : memref<10240x128xf32, #tpu.memory_space<vmem_shared>> -> memref<10240x128xf32, #tpu.memory_space<vmem_shared>>
      tpu.wait_indirect_dma semaphore(%arg14 : memref<!tpu.dma_semaphore, #tpu.memory_space<semaphore_mem>>) src(%arg8 : memref<125x128xf32, #tpu.memory_space<vmem>>) dst(%dma_wait3A_1293 : memref<10240x128xf32, #tpu.memory_space<vmem_shared>>)
      %add3A_1294 = arith.constant 5 : i32
      %add3A_1295 = arith.addi %mul3A_1056, %add3A_1294 : i32
      %add3A_1296 = arith.constant 1 : i32
      %add3A_1297 = arith.addi %add3A_1295, %add3A_1296 : i32
      %jit3A_1298 = arith.constant 16 : i32
      %eq3A_1299 = arith.constant 0 : i32
      %eq3A_1300 = arith.cmpi eq, %jit3A_1298, %eq3A_1299 : i32
      %jit3A_1301 = arith.constant 1 : i32
      %select_n3A_1302 = arith.select %eq3A_1300, %jit3A_1301, %jit3A_1298 : i32
      %rem3A_1303 = arith.remsi %add3A_1297, %select_n3A_1302 : i32
      %ne3A_1304 = arith.constant 0 : i32
      %ne3A_1305 = arith.cmpi ne, %rem3A_1303, %ne3A_1304 : i32
      %lt3A_1306 = arith.constant 0 : i32
      %lt3A_1307 = arith.cmpi slt, %rem3A_1303, %lt3A_1306 : i32
      %lt3A_1308 = arith.constant 0 : i32
      %lt3A_1309 = arith.cmpi slt, %select_n3A_1302, %lt3A_1308 : i32
      %ne3A_1310 = arith.xori %lt3A_1307, %lt3A_1309 : i1
      %and3A_1311 = arith.andi %ne3A_1310, %ne3A_1305 : i1
      %add3A_1312 = arith.addi %rem3A_1303, %select_n3A_1302 : i32
      %select_n3A_1313 = arith.select %and3A_1311, %add3A_1312, %rem3A_1303 : i32
      %dma_start3A_1314 = arith.constant 0 : i32
      %dma_start3A_1315 = tpu.memref_slice %arg6[%select_n3A_1313, %dma_start3A_1314] : memref<16x125xi32, #tpu.memory_space<vmem>> -> memref<1x125xi32, #tpu.memory_space<vmem>>
      %dma_start3A_1316 = tpu.memref_squeeze %dma_start3A_1315 : memref<1x125xi32, #tpu.memory_space<vmem>> -> memref<125xi32, #tpu.memory_space<vmem>>
      %dma_start3A_1317 = arith.constant 0 : i32
      %dma_start3A_1318 = arith.constant 0 : i32
      %dma_start3A_1319 = tpu.memref_slice %arg2[%dma_start3A_1317, %dma_start3A_1318] : memref<10000x128xf32, #tpu.memory_space<hbm>> -> memref<10000x128xf32, #tpu.memory_space<hbm>>
      tpu.enqueue_indirect_dma source(%dma_start3A_1319 : memref<10000x128xf32, #tpu.memory_space<hbm>>) target(%arg8 : memref<125x128xf32, #tpu.memory_space<vmem>>) offsets(%dma_start3A_1316 : memref<125xi32, #tpu.memory_space<vmem>>) semaphore(%arg12 : memref<!tpu.dma_semaphore, #tpu.memory_space<semaphore_mem>>)
      %dma_start3A_1320 = arith.constant 5 : i32
      %dma_start3A_1321 = arith.constant 0 : i32
      %dma_start3A_1322 = tpu.memref_slice %arg7[%dma_start3A_1320, %dma_start3A_1321] : memref<16x125xi32, #tpu.memory_space<vmem>> -> memref<1x125xi32, #tpu.memory_space<vmem>>
      %dma_start3A_1323 = tpu.memref_squeeze %dma_start3A_1322 : memref<1x125xi32, #tpu.memory_space<vmem>> -> memref<125xi32, #tpu.memory_space<vmem>>
      %dma_start3A_1324 = arith.constant 0 : i32
      %dma_start3A_1325 = arith.constant 0 : i32
      %dma_start3A_1326 = tpu.memref_slice %arg11[%dma_start3A_1324, %dma_start3A_1325] : memref<10240x128xf32, #tpu.memory_space<vmem_shared>> -> memref<10240x128xf32, #tpu.memory_space<vmem_shared>>
      tpu.enqueue_indirect_dma source(%arg9 : memref<125x128xf32, #tpu.memory_space<vmem>>) target(%dma_start3A_1326 : memref<10240x128xf32, #tpu.memory_space<vmem_shared>>) offsets(%dma_start3A_1323 : memref<125xi32, #tpu.memory_space<vmem>>) semaphore(%arg15 : memref<!tpu.dma_semaphore, #tpu.memory_space<semaphore_mem>>) {add = true}
      %dma_wait3A_1327 = arith.constant 0 : i32
      %dma_wait3A_1328 = arith.constant 0 : i32
      %dma_wait3A_1329 = tpu.memref_slice %arg6[%dma_wait3A_1327, %dma_wait3A_1328] : memref<16x125xi32, #tpu.memory_space<vmem>> -> memref<1x125xi32, #tpu.memory_space<vmem>>
      %dma_wait3A_1330 = tpu.memref_squeeze %dma_wait3A_1329 : memref<1x125xi32, #tpu.memory_space<vmem>> -> memref<125xi32, #tpu.memory_space<vmem>>
      %dma_wait3A_1331 = arith.constant 0 : i32
      %dma_wait3A_1332 = arith.constant 0 : i32
      %dma_wait3A_1333 = tpu.memref_slice %arg2[%dma_wait3A_1331, %dma_wait3A_1332] : memref<10000x128xf32, #tpu.memory_space<hbm>> -> memref<10000x128xf32, #tpu.memory_space<hbm>>
      tpu.wait_indirect_dma semaphore(%arg12 : memref<!tpu.dma_semaphore, #tpu.memory_space<semaphore_mem>>) src(%dma_wait3A_1333 : memref<10000x128xf32, #tpu.memory_space<hbm>>) dst(%arg8 : memref<125x128xf32, #tpu.memory_space<vmem>>)
      %dma_wait3A_1334 = arith.constant 0 : i32
      %dma_wait3A_1335 = arith.constant 0 : i32
      %dma_wait3A_1336 = tpu.memref_slice %arg7[%dma_wait3A_1334, %dma_wait3A_1335] : memref<16x125xi32, #tpu.memory_space<vmem>> -> memref<1x125xi32, #tpu.memory_space<vmem>>
      %dma_wait3A_1337 = tpu.memref_squeeze %dma_wait3A_1336 : memref<1x125xi32, #tpu.memory_space<vmem>> -> memref<125xi32, #tpu.memory_space<vmem>>
      %dma_wait3A_1338 = arith.constant 0 : i32
      %dma_wait3A_1339 = arith.constant 0 : i32
      %dma_wait3A_1340 = tpu.memref_slice %arg11[%dma_wait3A_1338, %dma_wait3A_1339] : memref<10240x128xf32, #tpu.memory_space<vmem_shared>> -> memref<10240x128xf32, #tpu.memory_space<vmem_shared>>
      tpu.wait_indirect_dma semaphore(%arg15 : memref<!tpu.dma_semaphore, #tpu.memory_space<semaphore_mem>>) src(%arg9 : memref<125x128xf32, #tpu.memory_space<vmem>>) dst(%dma_wait3A_1340 : memref<10240x128xf32, #tpu.memory_space<vmem_shared>>)
      %add3A_1341 = arith.constant 6 : i32
      %add3A_1342 = arith.addi %mul3A_1056, %add3A_1341 : i32
      %add3A_1343 = arith.constant 1 : i32
      %add3A_1344 = arith.addi %add3A_1342, %add3A_1343 : i32
      %jit3A_1345 = arith.constant 16 : i32
      %eq3A_1346 = arith.constant 0 : i32
      %eq3A_1347 = arith.cmpi eq, %jit3A_1345, %eq3A_1346 : i32
      %jit3A_1348 = arith.constant 1 : i32
      %select_n3A_1349 = arith.select %eq3A_1347, %jit3A_1348, %jit3A_1345 : i32
      %rem3A_1350 = arith.remsi %add3A_1344, %select_n3A_1349 : i32
      %ne3A_1351 = arith.constant 0 : i32
      %ne3A_1352 = arith.cmpi ne, %rem3A_1350, %ne3A_1351 : i32
      %lt3A_1353 = arith.constant 0 : i32
      %lt3A_1354 = arith.cmpi slt, %rem3A_1350, %lt3A_1353 : i32
      %lt3A_1355 = arith.constant 0 : i32
      %lt3A_1356 = arith.cmpi slt, %select_n3A_1349, %lt3A_1355 : i32
      %ne3A_1357 = arith.xori %lt3A_1354, %lt3A_1356 : i1
      %and3A_1358 = arith.andi %ne3A_1357, %ne3A_1352 : i1
      %add3A_1359 = arith.addi %rem3A_1350, %select_n3A_1349 : i32
      %select_n3A_1360 = arith.select %and3A_1358, %add3A_1359, %rem3A_1350 : i32
      %dma_start3A_1361 = arith.constant 0 : i32
      %dma_start3A_1362 = tpu.memref_slice %arg6[%select_n3A_1360, %dma_start3A_1361] : memref<16x125xi32, #tpu.memory_space<vmem>> -> memref<1x125xi32, #tpu.memory_space<vmem>>
      %dma_start3A_1363 = tpu.memref_squeeze %dma_start3A_1362 : memref<1x125xi32, #tpu.memory_space<vmem>> -> memref<125xi32, #tpu.memory_space<vmem>>
      %dma_start3A_1364 = arith.constant 0 : i32
      %dma_start3A_1365 = arith.constant 0 : i32
      %dma_start3A_1366 = tpu.memref_slice %arg2[%dma_start3A_1364, %dma_start3A_1365] : memref<10000x128xf32, #tpu.memory_space<hbm>> -> memref<10000x128xf32, #tpu.memory_space<hbm>>
      tpu.enqueue_indirect_dma source(%dma_start3A_1366 : memref<10000x128xf32, #tpu.memory_space<hbm>>) target(%arg9 : memref<125x128xf32, #tpu.memory_space<vmem>>) offsets(%dma_start3A_1363 : memref<125xi32, #tpu.memory_space<vmem>>) semaphore(%arg13 : memref<!tpu.dma_semaphore, #tpu.memory_space<semaphore_mem>>)
      %dma_start3A_1367 = arith.constant 6 : i32
      %dma_start3A_1368 = arith.constant 0 : i32
      %dma_start3A_1369 = tpu.memref_slice %arg7[%dma_start3A_1367, %dma_start3A_1368] : memref<16x125xi32, #tpu.memory_space<vmem>> -> memref<1x125xi32, #tpu.memory_space<vmem>>
      %dma_start3A_1370 = tpu.memref_squeeze %dma_start3A_1369 : memref<1x125xi32, #tpu.memory_space<vmem>> -> memref<125xi32, #tpu.memory_space<vmem>>
      %dma_start3A_1371 = arith.constant 0 : i32
      %dma_start3A_1372 = arith.constant 0 : i32
      %dma_start3A_1373 = tpu.memref_slice %arg11[%dma_start3A_1371, %dma_start3A_1372] : memref<10240x128xf32, #tpu.memory_space<vmem_shared>> -> memref<10240x128xf32, #tpu.memory_space<vmem_shared>>
      tpu.enqueue_indirect_dma source(%arg8 : memref<125x128xf32, #tpu.memory_space<vmem>>) target(%dma_start3A_1373 : memref<10240x128xf32, #tpu.memory_space<vmem_shared>>) offsets(%dma_start3A_1370 : memref<125xi32, #tpu.memory_space<vmem>>) semaphore(%arg14 : memref<!tpu.dma_semaphore, #tpu.memory_space<semaphore_mem>>) {add = true}
      %dma_wait3A_1374 = arith.constant 0 : i32
      %dma_wait3A_1375 = arith.constant 0 : i32
      %dma_wait3A_1376 = tpu.memref_slice %arg6[%dma_wait3A_1374, %dma_wait3A_1375] : memref<16x125xi32, #tpu.memory_space<vmem>> -> memref<1x125xi32, #tpu.memory_space<vmem>>
      %dma_wait3A_1377 = tpu.memref_squeeze %dma_wait3A_1376 : memref<1x125xi32, #tpu.memory_space<vmem>> -> memref<125xi32, #tpu.memory_space<vmem>>
      %dma_wait3A_1378 = arith.constant 0 : i32
      %dma_wait3A_1379 = arith.constant 0 : i32
      %dma_wait3A_1380 = tpu.memref_slice %arg2[%dma_wait3A_1378, %dma_wait3A_1379] : memref<10000x128xf32, #tpu.memory_space<hbm>> -> memref<10000x128xf32, #tpu.memory_space<hbm>>
      tpu.wait_indirect_dma semaphore(%arg13 : memref<!tpu.dma_semaphore, #tpu.memory_space<semaphore_mem>>) src(%dma_wait3A_1380 : memref<10000x128xf32, #tpu.memory_space<hbm>>) dst(%arg9 : memref<125x128xf32, #tpu.memory_space<vmem>>)
      %dma_wait3A_1381 = arith.constant 0 : i32
      %dma_wait3A_1382 = arith.constant 0 : i32
      %dma_wait3A_1383 = tpu.memref_slice %arg7[%dma_wait3A_1381, %dma_wait3A_1382] : memref<16x125xi32, #tpu.memory_space<vmem>> -> memref<1x125xi32, #tpu.memory_space<vmem>>
      %dma_wait3A_1384 = tpu.memref_squeeze %dma_wait3A_1383 : memref<1x125xi32, #tpu.memory_space<vmem>> -> memref<125xi32, #tpu.memory_space<vmem>>
      %dma_wait3A_1385 = arith.constant 0 : i32
      %dma_wait3A_1386 = arith.constant 0 : i32
      %dma_wait3A_1387 = tpu.memref_slice %arg11[%dma_wait3A_1385, %dma_wait3A_1386] : memref<10240x128xf32, #tpu.memory_space<vmem_shared>> -> memref<10240x128xf32, #tpu.memory_space<vmem_shared>>
      tpu.wait_indirect_dma semaphore(%arg14 : memref<!tpu.dma_semaphore, #tpu.memory_space<semaphore_mem>>) src(%arg8 : memref<125x128xf32, #tpu.memory_space<vmem>>) dst(%dma_wait3A_1387 : memref<10240x128xf32, #tpu.memory_space<vmem_shared>>)
      %gt3A_1388 = arith.constant 0 : i32
      %gt3A_1389 = arith.cmpi sgt, %scan3A_1053, %gt3A_1388 : i32
      %convert_element_type3A_1390 = arith.extui %gt3A_1389 : i1 to i32
      %cond3A_1391 = arith.constant 0 : i32
      %cond3A_1392 = arith.cmpi ne, %convert_element_type3A_1390, %cond3A_1391 : i32
      scf.if %cond3A_1392 {
        %dma_wait3A_1802 = arith.constant 8 : i32
        %dma_wait3A_1803 = arith.constant 0 : i32
        %dma_wait3A_1804 = tpu.memref_slice %arg6[%dma_wait3A_1802, %dma_wait3A_1803] : memref<16x125xi32, #tpu.memory_space<vmem>> -> memref<8x125xi32, #tpu.memory_space<vmem>>
        %dma_wait3A_1805 = arith.constant 0 : i32
        %dma_wait3A_1806 = arith.constant 0 : i32
        %dma_wait3A_1807 = tpu.memref_slice %arg3[%add3A, %dma_wait3A_1805, %dma_wait3A_1806] : memref<32x80x125xi32, #tpu.memory_space<hbm>> -> memref<1x8x125xi32, #tpu.memory_space<hbm>>
        %dma_wait3A_1808 = tpu.memref_squeeze %dma_wait3A_1807 : memref<1x8x125xi32, #tpu.memory_space<hbm>> -> memref<8x125xi32, #tpu.memory_space<hbm>>
        %dma_wait3A_1809 = arith.constant 8 : i32
        %dma_wait3A_1810 = arith.constant 0 : i32
        %dma_wait3A_1811 = tpu.memref_slice %arg6[%dma_wait3A_1809, %dma_wait3A_1810] : memref<16x125xi32, #tpu.memory_space<vmem>> -> memref<8x125xi32, #tpu.memory_space<vmem>>
        %dma_wait3A_1812 = arith.constant 0 : i32
        %dma_wait3A_1813 = arith.constant 0 : i32
        %dma_wait3A_1814 = tpu.memref_slice %arg3[%add3A, %dma_wait3A_1812, %dma_wait3A_1813] : memref<32x80x125xi32, #tpu.memory_space<hbm>> -> memref<1x8x125xi32, #tpu.memory_space<hbm>>
        %dma_wait3A_1815 = tpu.memref_squeeze %dma_wait3A_1814 : memref<1x8x125xi32, #tpu.memory_space<hbm>> -> memref<8x125xi32, #tpu.memory_space<hbm>>
        tpu.wait_dma2 semaphore(%arg17 : memref<!tpu.dma_semaphore, #tpu.memory_space<semaphore_mem>>) src(%dma_wait3A_1815 : memref<8x125xi32, #tpu.memory_space<hbm>>) dst(%dma_wait3A_1811 : memref<8x125xi32, #tpu.memory_space<vmem>>)
      } else {
      }
      %add3A_1393 = arith.constant 7 : i32
      %add3A_1394 = arith.addi %mul3A_1056, %add3A_1393 : i32
      %add3A_1395 = arith.constant 1 : i32
      %add3A_1396 = arith.addi %add3A_1394, %add3A_1395 : i32
      %jit3A_1397 = arith.constant 16 : i32
      %eq3A_1398 = arith.constant 0 : i32
      %eq3A_1399 = arith.cmpi eq, %jit3A_1397, %eq3A_1398 : i32
      %jit3A_1400 = arith.constant 1 : i32
      %select_n3A_1401 = arith.select %eq3A_1399, %jit3A_1400, %jit3A_1397 : i32
      %rem3A_1402 = arith.remsi %add3A_1396, %select_n3A_1401 : i32
      %ne3A_1403 = arith.constant 0 : i32
      %ne3A_1404 = arith.cmpi ne, %rem3A_1402, %ne3A_1403 : i32
      %lt3A_1405 = arith.constant 0 : i32
      %lt3A_1406 = arith.cmpi slt, %rem3A_1402, %lt3A_1405 : i32
      %lt3A_1407 = arith.constant 0 : i32
      %lt3A_1408 = arith.cmpi slt, %select_n3A_1401, %lt3A_1407 : i32
      %ne3A_1409 = arith.xori %lt3A_1406, %lt3A_1408 : i1
      %and3A_1410 = arith.andi %ne3A_1409, %ne3A_1404 : i1
      %add3A_1411 = arith.addi %rem3A_1402, %select_n3A_1401 : i32
      %select_n3A_1412 = arith.select %and3A_1410, %add3A_1411, %rem3A_1402 : i32
      %dma_start3A_1413 = arith.constant 0 : i32
      %dma_start3A_1414 = tpu.memref_slice %arg6[%select_n3A_1412, %dma_start3A_1413] : memref<16x125xi32, #tpu.memory_space<vmem>> -> memref<1x125xi32, #tpu.memory_space<vmem>>
      %dma_start3A_1415 = tpu.memref_squeeze %dma_start3A_1414 : memref<1x125xi32, #tpu.memory_space<vmem>> -> memref<125xi32, #tpu.memory_space<vmem>>
      %dma_start3A_1416 = arith.constant 0 : i32
      %dma_start3A_1417 = arith.constant 0 : i32
      %dma_start3A_1418 = tpu.memref_slice %arg2[%dma_start3A_1416, %dma_start3A_1417] : memref<10000x128xf32, #tpu.memory_space<hbm>> -> memref<10000x128xf32, #tpu.memory_space<hbm>>
      tpu.enqueue_indirect_dma source(%dma_start3A_1418 : memref<10000x128xf32, #tpu.memory_space<hbm>>) target(%arg8 : memref<125x128xf32, #tpu.memory_space<vmem>>) offsets(%dma_start3A_1415 : memref<125xi32, #tpu.memory_space<vmem>>) semaphore(%arg12 : memref<!tpu.dma_semaphore, #tpu.memory_space<semaphore_mem>>)
      %dma_start3A_1419 = arith.constant 7 : i32
      %dma_start3A_1420 = arith.constant 0 : i32
      %dma_start3A_1421 = tpu.memref_slice %arg7[%dma_start3A_1419, %dma_start3A_1420] : memref<16x125xi32, #tpu.memory_space<vmem>> -> memref<1x125xi32, #tpu.memory_space<vmem>>
      %dma_start3A_1422 = tpu.memref_squeeze %dma_start3A_1421 : memref<1x125xi32, #tpu.memory_space<vmem>> -> memref<125xi32, #tpu.memory_space<vmem>>
      %dma_start3A_1423 = arith.constant 0 : i32
      %dma_start3A_1424 = arith.constant 0 : i32
      %dma_start3A_1425 = tpu.memref_slice %arg11[%dma_start3A_1423, %dma_start3A_1424] : memref<10240x128xf32, #tpu.memory_space<vmem_shared>> -> memref<10240x128xf32, #tpu.memory_space<vmem_shared>>
      tpu.enqueue_indirect_dma source(%arg9 : memref<125x128xf32, #tpu.memory_space<vmem>>) target(%dma_start3A_1425 : memref<10240x128xf32, #tpu.memory_space<vmem_shared>>) offsets(%dma_start3A_1422 : memref<125xi32, #tpu.memory_space<vmem>>) semaphore(%arg15 : memref<!tpu.dma_semaphore, #tpu.memory_space<semaphore_mem>>) {add = true}
      %dma_wait3A_1426 = arith.constant 0 : i32
      %dma_wait3A_1427 = arith.constant 0 : i32
      %dma_wait3A_1428 = tpu.memref_slice %arg6[%dma_wait3A_1426, %dma_wait3A_1427] : memref<16x125xi32, #tpu.memory_space<vmem>> -> memref<1x125xi32, #tpu.memory_space<vmem>>
      %dma_wait3A_1429 = tpu.memref_squeeze %dma_wait3A_1428 : memref<1x125xi32, #tpu.memory_space<vmem>> -> memref<125xi32, #tpu.memory_space<vmem>>
      %dma_wait3A_1430 = arith.constant 0 : i32
      %dma_wait3A_1431 = arith.constant 0 : i32
      %dma_wait3A_1432 = tpu.memref_slice %arg2[%dma_wait3A_1430, %dma_wait3A_1431] : memref<10000x128xf32, #tpu.memory_space<hbm>> -> memref<10000x128xf32, #tpu.memory_space<hbm>>
      tpu.wait_indirect_dma semaphore(%arg12 : memref<!tpu.dma_semaphore, #tpu.memory_space<semaphore_mem>>) src(%dma_wait3A_1432 : memref<10000x128xf32, #tpu.memory_space<hbm>>) dst(%arg8 : memref<125x128xf32, #tpu.memory_space<vmem>>)
      %dma_wait3A_1433 = arith.constant 0 : i32
      %dma_wait3A_1434 = arith.constant 0 : i32
      %dma_wait3A_1435 = tpu.memref_slice %arg7[%dma_wait3A_1433, %dma_wait3A_1434] : memref<16x125xi32, #tpu.memory_space<vmem>> -> memref<1x125xi32, #tpu.memory_space<vmem>>
      %dma_wait3A_1436 = tpu.memref_squeeze %dma_wait3A_1435 : memref<1x125xi32, #tpu.memory_space<vmem>> -> memref<125xi32, #tpu.memory_space<vmem>>
      %dma_wait3A_1437 = arith.constant 0 : i32
      %dma_wait3A_1438 = arith.constant 0 : i32
      %dma_wait3A_1439 = tpu.memref_slice %arg11[%dma_wait3A_1437, %dma_wait3A_1438] : memref<10240x128xf32, #tpu.memory_space<vmem_shared>> -> memref<10240x128xf32, #tpu.memory_space<vmem_shared>>
      tpu.wait_indirect_dma semaphore(%arg15 : memref<!tpu.dma_semaphore, #tpu.memory_space<semaphore_mem>>) src(%arg9 : memref<125x128xf32, #tpu.memory_space<vmem>>) dst(%dma_wait3A_1439 : memref<10240x128xf32, #tpu.memory_space<vmem_shared>>)
      %gt3A_1440 = arith.constant 0 : i32
      %gt3A_1441 = arith.cmpi sgt, %scan3A_1053, %gt3A_1440 : i32
      %convert_element_type3A_1442 = arith.extui %gt3A_1441 : i1 to i32
      %cond3A_1443 = arith.constant 0 : i32
      %cond3A_1444 = arith.cmpi ne, %convert_element_type3A_1442, %cond3A_1443 : i32
      scf.if %cond3A_1444 {
        %dma_wait3A_1802 = arith.constant 8 : i32
        %dma_wait3A_1803 = arith.constant 0 : i32
        %dma_wait3A_1804 = tpu.memref_slice %arg7[%dma_wait3A_1802, %dma_wait3A_1803] : memref<16x125xi32, #tpu.memory_space<vmem>> -> memref<8x125xi32, #tpu.memory_space<vmem>>
        %dma_wait3A_1805 = arith.constant 0 : i32
        %dma_wait3A_1806 = arith.constant 0 : i32
        %dma_wait3A_1807 = tpu.memref_slice %arg4[%add3A, %dma_wait3A_1805, %dma_wait3A_1806] : memref<32x80x125xi32, #tpu.memory_space<hbm>> -> memref<1x8x125xi32, #tpu.memory_space<hbm>>
        %dma_wait3A_1808 = tpu.memref_squeeze %dma_wait3A_1807 : memref<1x8x125xi32, #tpu.memory_space<hbm>> -> memref<8x125xi32, #tpu.memory_space<hbm>>
        %dma_wait3A_1809 = arith.constant 8 : i32
        %dma_wait3A_1810 = arith.constant 0 : i32
        %dma_wait3A_1811 = tpu.memref_slice %arg7[%dma_wait3A_1809, %dma_wait3A_1810] : memref<16x125xi32, #tpu.memory_space<vmem>> -> memref<8x125xi32, #tpu.memory_space<vmem>>
        %dma_wait3A_1812 = arith.constant 0 : i32
        %dma_wait3A_1813 = arith.constant 0 : i32
        %dma_wait3A_1814 = tpu.memref_slice %arg4[%add3A, %dma_wait3A_1812, %dma_wait3A_1813] : memref<32x80x125xi32, #tpu.memory_space<hbm>> -> memref<1x8x125xi32, #tpu.memory_space<hbm>>
        %dma_wait3A_1815 = tpu.memref_squeeze %dma_wait3A_1814 : memref<1x8x125xi32, #tpu.memory_space<hbm>> -> memref<8x125xi32, #tpu.memory_space<hbm>>
        tpu.wait_dma2 semaphore(%arg19 : memref<!tpu.dma_semaphore, #tpu.memory_space<semaphore_mem>>) src(%dma_wait3A_1815 : memref<8x125xi32, #tpu.memory_space<hbm>>) dst(%dma_wait3A_1811 : memref<8x125xi32, #tpu.memory_space<vmem>>)
      } else {
      }
      %lt3A_1445 = arith.constant 4 : i32
      %lt3A_1446 = arith.cmpi slt, %scan3A_1053, %lt3A_1445 : i32
      %convert_element_type3A_1447 = arith.extui %lt3A_1446 : i1 to i32
      %cond3A_1448 = arith.constant 0 : i32
      %cond3A_1449 = arith.cmpi ne, %convert_element_type3A_1447, %cond3A_1448 : i32
      scf.if %cond3A_1449 {
        %add3A_1802 = arith.constant 16 : i32
        %add3A_1803 = arith.addi %mul3A_1056, %add3A_1802 : i32
        %multiple_of3A = tpu.assume_multiple %add3A_1803, 8 : i32
        %dma_start3A_1804 = arith.constant 0 : i32
        %dma_start3A_1805 = arith.constant 0 : i32
        %dma_start3A_1806 = tpu.memref_slice %arg6[%dma_start3A_1804, %dma_start3A_1805] : memref<16x125xi32, #tpu.memory_space<vmem>> -> memref<8x125xi32, #tpu.memory_space<vmem>>
        %dma_start3A_1807 = arith.constant 0 : i32
        %dma_start3A_1808 = tpu.memref_slice %arg3[%add3A, %multiple_of3A, %dma_start3A_1807] : memref<32x80x125xi32, #tpu.memory_space<hbm>> -> memref<1x8x125xi32, #tpu.memory_space<hbm>>
        %dma_start3A_1809 = tpu.memref_squeeze %dma_start3A_1808 : memref<1x8x125xi32, #tpu.memory_space<hbm>> -> memref<8x125xi32, #tpu.memory_space<hbm>>
        %dma_start3A_1810 = arith.constant 0 : i32
        %dma_start3A_1811 = arith.constant 0 : i32
        %dma_start3A_1812 = tpu.memref_slice %arg6[%dma_start3A_1810, %dma_start3A_1811] : memref<16x125xi32, #tpu.memory_space<vmem>> -> memref<8x125xi32, #tpu.memory_space<vmem>>
        %dma_start3A_1813 = arith.constant 0 : i32
        %dma_start3A_1814 = tpu.memref_slice %arg3[%add3A, %multiple_of3A, %dma_start3A_1813] : memref<32x80x125xi32, #tpu.memory_space<hbm>> -> memref<1x8x125xi32, #tpu.memory_space<hbm>>
        %dma_start3A_1815 = tpu.memref_squeeze %dma_start3A_1814 : memref<1x8x125xi32, #tpu.memory_space<hbm>> -> memref<8x125xi32, #tpu.memory_space<hbm>>
        tpu.enqueue_dma source(%dma_start3A_1815 : memref<8x125xi32, #tpu.memory_space<hbm>>) target(%dma_start3A_1812 : memref<8x125xi32, #tpu.memory_space<vmem>>) target_semaphore(%arg16 : memref<!tpu.dma_semaphore, #tpu.memory_space<semaphore_mem>>)
      } else {
      }
      %add3A_1450 = arith.constant 8 : i32
      %add3A_1451 = arith.addi %mul3A_1056, %add3A_1450 : i32
      %add3A_1452 = arith.constant 1 : i32
      %add3A_1453 = arith.addi %add3A_1451, %add3A_1452 : i32
      %jit3A_1454 = arith.constant 16 : i32
      %eq3A_1455 = arith.constant 0 : i32
      %eq3A_1456 = arith.cmpi eq, %jit3A_1454, %eq3A_1455 : i32
      %jit3A_1457 = arith.constant 1 : i32
      %select_n3A_1458 = arith.select %eq3A_1456, %jit3A_1457, %jit3A_1454 : i32
      %rem3A_1459 = arith.remsi %add3A_1453, %select_n3A_1458 : i32
      %ne3A_1460 = arith.constant 0 : i32
      %ne3A_1461 = arith.cmpi ne, %rem3A_1459, %ne3A_1460 : i32
      %lt3A_1462 = arith.constant 0 : i32
      %lt3A_1463 = arith.cmpi slt, %rem3A_1459, %lt3A_1462 : i32
      %lt3A_1464 = arith.constant 0 : i32
      %lt3A_1465 = arith.cmpi slt, %select_n3A_1458, %lt3A_1464 : i32
      %ne3A_1466 = arith.xori %lt3A_1463, %lt3A_1465 : i1
      %and3A_1467 = arith.andi %ne3A_1466, %ne3A_1461 : i1
      %add3A_1468 = arith.addi %rem3A_1459, %select_n3A_1458 : i32
      %select_n3A_1469 = arith.select %and3A_1467, %add3A_1468, %rem3A_1459 : i32
      %dma_start3A_1470 = arith.constant 0 : i32
      %dma_start3A_1471 = tpu.memref_slice %arg6[%select_n3A_1469, %dma_start3A_1470] : memref<16x125xi32, #tpu.memory_space<vmem>> -> memref<1x125xi32, #tpu.memory_space<vmem>>
      %dma_start3A_1472 = tpu.memref_squeeze %dma_start3A_1471 : memref<1x125xi32, #tpu.memory_space<vmem>> -> memref<125xi32, #tpu.memory_space<vmem>>
      %dma_start3A_1473 = arith.constant 0 : i32
      %dma_start3A_1474 = arith.constant 0 : i32
      %dma_start3A_1475 = tpu.memref_slice %arg2[%dma_start3A_1473, %dma_start3A_1474] : memref<10000x128xf32, #tpu.memory_space<hbm>> -> memref<10000x128xf32, #tpu.memory_space<hbm>>
      tpu.enqueue_indirect_dma source(%dma_start3A_1475 : memref<10000x128xf32, #tpu.memory_space<hbm>>) target(%arg9 : memref<125x128xf32, #tpu.memory_space<vmem>>) offsets(%dma_start3A_1472 : memref<125xi32, #tpu.memory_space<vmem>>) semaphore(%arg13 : memref<!tpu.dma_semaphore, #tpu.memory_space<semaphore_mem>>)
      %dma_start3A_1476 = arith.constant 8 : i32
      %dma_start3A_1477 = arith.constant 0 : i32
      %dma_start3A_1478 = tpu.memref_slice %arg7[%dma_start3A_1476, %dma_start3A_1477] : memref<16x125xi32, #tpu.memory_space<vmem>> -> memref<1x125xi32, #tpu.memory_space<vmem>>
      %dma_start3A_1479 = tpu.memref_squeeze %dma_start3A_1478 : memref<1x125xi32, #tpu.memory_space<vmem>> -> memref<125xi32, #tpu.memory_space<vmem>>
      %dma_start3A_1480 = arith.constant 0 : i32
      %dma_start3A_1481 = arith.constant 0 : i32
      %dma_start3A_1482 = tpu.memref_slice %arg11[%dma_start3A_1480, %dma_start3A_1481] : memref<10240x128xf32, #tpu.memory_space<vmem_shared>> -> memref<10240x128xf32, #tpu.memory_space<vmem_shared>>
      tpu.enqueue_indirect_dma source(%arg8 : memref<125x128xf32, #tpu.memory_space<vmem>>) target(%dma_start3A_1482 : memref<10240x128xf32, #tpu.memory_space<vmem_shared>>) offsets(%dma_start3A_1479 : memref<125xi32, #tpu.memory_space<vmem>>) semaphore(%arg14 : memref<!tpu.dma_semaphore, #tpu.memory_space<semaphore_mem>>) {add = true}
      %dma_wait3A_1483 = arith.constant 0 : i32
      %dma_wait3A_1484 = arith.constant 0 : i32
      %dma_wait3A_1485 = tpu.memref_slice %arg6[%dma_wait3A_1483, %dma_wait3A_1484] : memref<16x125xi32, #tpu.memory_space<vmem>> -> memref<1x125xi32, #tpu.memory_space<vmem>>
      %dma_wait3A_1486 = tpu.memref_squeeze %dma_wait3A_1485 : memref<1x125xi32, #tpu.memory_space<vmem>> -> memref<125xi32, #tpu.memory_space<vmem>>
      %dma_wait3A_1487 = arith.constant 0 : i32
      %dma_wait3A_1488 = arith.constant 0 : i32
      %dma_wait3A_1489 = tpu.memref_slice %arg2[%dma_wait3A_1487, %dma_wait3A_1488] : memref<10000x128xf32, #tpu.memory_space<hbm>> -> memref<10000x128xf32, #tpu.memory_space<hbm>>
      tpu.wait_indirect_dma semaphore(%arg13 : memref<!tpu.dma_semaphore, #tpu.memory_space<semaphore_mem>>) src(%dma_wait3A_1489 : memref<10000x128xf32, #tpu.memory_space<hbm>>) dst(%arg9 : memref<125x128xf32, #tpu.memory_space<vmem>>)
      %dma_wait3A_1490 = arith.constant 0 : i32
      %dma_wait3A_1491 = arith.constant 0 : i32
      %dma_wait3A_1492 = tpu.memref_slice %arg7[%dma_wait3A_1490, %dma_wait3A_1491] : memref<16x125xi32, #tpu.memory_space<vmem>> -> memref<1x125xi32, #tpu.memory_space<vmem>>
      %dma_wait3A_1493 = tpu.memref_squeeze %dma_wait3A_1492 : memref<1x125xi32, #tpu.memory_space<vmem>> -> memref<125xi32, #tpu.memory_space<vmem>>
      %dma_wait3A_1494 = arith.constant 0 : i32
      %dma_wait3A_1495 = arith.constant 0 : i32
      %dma_wait3A_1496 = tpu.memref_slice %arg11[%dma_wait3A_1494, %dma_wait3A_1495] : memref<10240x128xf32, #tpu.memory_space<vmem_shared>> -> memref<10240x128xf32, #tpu.memory_space<vmem_shared>>
      tpu.wait_indirect_dma semaphore(%arg14 : memref<!tpu.dma_semaphore, #tpu.memory_space<semaphore_mem>>) src(%arg8 : memref<125x128xf32, #tpu.memory_space<vmem>>) dst(%dma_wait3A_1496 : memref<10240x128xf32, #tpu.memory_space<vmem_shared>>)
      %lt3A_1497 = arith.constant 4 : i32
      %lt3A_1498 = arith.cmpi slt, %scan3A_1053, %lt3A_1497 : i32
      %convert_element_type3A_1499 = arith.extui %lt3A_1498 : i1 to i32
      %cond3A_1500 = arith.constant 0 : i32
      %cond3A_1501 = arith.cmpi ne, %convert_element_type3A_1499, %cond3A_1500 : i32
      scf.if %cond3A_1501 {
        %add3A_1802 = arith.constant 16 : i32
        %add3A_1803 = arith.addi %mul3A_1056, %add3A_1802 : i32
        %multiple_of3A = tpu.assume_multiple %add3A_1803, 8 : i32
        %dma_start3A_1804 = arith.constant 0 : i32
        %dma_start3A_1805 = arith.constant 0 : i32
        %dma_start3A_1806 = tpu.memref_slice %arg7[%dma_start3A_1804, %dma_start3A_1805] : memref<16x125xi32, #tpu.memory_space<vmem>> -> memref<8x125xi32, #tpu.memory_space<vmem>>
        %dma_start3A_1807 = arith.constant 0 : i32
        %dma_start3A_1808 = tpu.memref_slice %arg4[%add3A, %multiple_of3A, %dma_start3A_1807] : memref<32x80x125xi32, #tpu.memory_space<hbm>> -> memref<1x8x125xi32, #tpu.memory_space<hbm>>
        %dma_start3A_1809 = tpu.memref_squeeze %dma_start3A_1808 : memref<1x8x125xi32, #tpu.memory_space<hbm>> -> memref<8x125xi32, #tpu.memory_space<hbm>>
        %dma_start3A_1810 = arith.constant 0 : i32
        %dma_start3A_1811 = arith.constant 0 : i32
        %dma_start3A_1812 = tpu.memref_slice %arg7[%dma_start3A_1810, %dma_start3A_1811] : memref<16x125xi32, #tpu.memory_space<vmem>> -> memref<8x125xi32, #tpu.memory_space<vmem>>
        %dma_start3A_1813 = arith.constant 0 : i32
        %dma_start3A_1814 = tpu.memref_slice %arg4[%add3A, %multiple_of3A, %dma_start3A_1813] : memref<32x80x125xi32, #tpu.memory_space<hbm>> -> memref<1x8x125xi32, #tpu.memory_space<hbm>>
        %dma_start3A_1815 = tpu.memref_squeeze %dma_start3A_1814 : memref<1x8x125xi32, #tpu.memory_space<hbm>> -> memref<8x125xi32, #tpu.memory_space<hbm>>
        tpu.enqueue_dma source(%dma_start3A_1815 : memref<8x125xi32, #tpu.memory_space<hbm>>) target(%dma_start3A_1812 : memref<8x125xi32, #tpu.memory_space<vmem>>) target_semaphore(%arg18 : memref<!tpu.dma_semaphore, #tpu.memory_space<semaphore_mem>>)
      } else {
      }
      %add3A_1502 = arith.constant 9 : i32
      %add3A_1503 = arith.addi %mul3A_1056, %add3A_1502 : i32
      %add3A_1504 = arith.constant 1 : i32
      %add3A_1505 = arith.addi %add3A_1503, %add3A_1504 : i32
      %jit3A_1506 = arith.constant 16 : i32
      %eq3A_1507 = arith.constant 0 : i32
      %eq3A_1508 = arith.cmpi eq, %jit3A_1506, %eq3A_1507 : i32
      %jit3A_1509 = arith.constant 1 : i32
      %select_n3A_1510 = arith.select %eq3A_1508, %jit3A_1509, %jit3A_1506 : i32
      %rem3A_1511 = arith.remsi %add3A_1505, %select_n3A_1510 : i32
      %ne3A_1512 = arith.constant 0 : i32
      %ne3A_1513 = arith.cmpi ne, %rem3A_1511, %ne3A_1512 : i32
      %lt3A_1514 = arith.constant 0 : i32
      %lt3A_1515 = arith.cmpi slt, %rem3A_1511, %lt3A_1514 : i32
      %lt3A_1516 = arith.constant 0 : i32
      %lt3A_1517 = arith.cmpi slt, %select_n3A_1510, %lt3A_1516 : i32
      %ne3A_1518 = arith.xori %lt3A_1515, %lt3A_1517 : i1
      %and3A_1519 = arith.andi %ne3A_1518, %ne3A_1513 : i1
      %add3A_1520 = arith.addi %rem3A_1511, %select_n3A_1510 : i32
      %select_n3A_1521 = arith.select %and3A_1519, %add3A_1520, %rem3A_1511 : i32
      %dma_start3A_1522 = arith.constant 0 : i32
      %dma_start3A_1523 = tpu.memref_slice %arg6[%select_n3A_1521, %dma_start3A_1522] : memref<16x125xi32, #tpu.memory_space<vmem>> -> memref<1x125xi32, #tpu.memory_space<vmem>>
      %dma_start3A_1524 = tpu.memref_squeeze %dma_start3A_1523 : memref<1x125xi32, #tpu.memory_space<vmem>> -> memref<125xi32, #tpu.memory_space<vmem>>
      %dma_start3A_1525 = arith.constant 0 : i32
      %dma_start3A_1526 = arith.constant 0 : i32
      %dma_start3A_1527 = tpu.memref_slice %arg2[%dma_start3A_1525, %dma_start3A_1526] : memref<10000x128xf32, #tpu.memory_space<hbm>> -> memref<10000x128xf32, #tpu.memory_space<hbm>>
      tpu.enqueue_indirect_dma source(%dma_start3A_1527 : memref<10000x128xf32, #tpu.memory_space<hbm>>) target(%arg8 : memref<125x128xf32, #tpu.memory_space<vmem>>) offsets(%dma_start3A_1524 : memref<125xi32, #tpu.memory_space<vmem>>) semaphore(%arg12 : memref<!tpu.dma_semaphore, #tpu.memory_space<semaphore_mem>>)
      %dma_start3A_1528 = arith.constant 9 : i32
      %dma_start3A_1529 = arith.constant 0 : i32
      %dma_start3A_1530 = tpu.memref_slice %arg7[%dma_start3A_1528, %dma_start3A_1529] : memref<16x125xi32, #tpu.memory_space<vmem>> -> memref<1x125xi32, #tpu.memory_space<vmem>>
      %dma_start3A_1531 = tpu.memref_squeeze %dma_start3A_1530 : memref<1x125xi32, #tpu.memory_space<vmem>> -> memref<125xi32, #tpu.memory_space<vmem>>
      %dma_start3A_1532 = arith.constant 0 : i32
      %dma_start3A_1533 = arith.constant 0 : i32
      %dma_start3A_1534 = tpu.memref_slice %arg11[%dma_start3A_1532, %dma_start3A_1533] : memref<10240x128xf32, #tpu.memory_space<vmem_shared>> -> memref<10240x128xf32, #tpu.memory_space<vmem_shared>>
      tpu.enqueue_indirect_dma source(%arg9 : memref<125x128xf32, #tpu.memory_space<vmem>>) target(%dma_start3A_1534 : memref<10240x128xf32, #tpu.memory_space<vmem_shared>>) offsets(%dma_start3A_1531 : memref<125xi32, #tpu.memory_space<vmem>>) semaphore(%arg15 : memref<!tpu.dma_semaphore, #tpu.memory_space<semaphore_mem>>) {add = true}
      %dma_wait3A_1535 = arith.constant 0 : i32
      %dma_wait3A_1536 = arith.constant 0 : i32
      %dma_wait3A_1537 = tpu.memref_slice %arg6[%dma_wait3A_1535, %dma_wait3A_1536] : memref<16x125xi32, #tpu.memory_space<vmem>> -> memref<1x125xi32, #tpu.memory_space<vmem>>
      %dma_wait3A_1538 = tpu.memref_squeeze %dma_wait3A_1537 : memref<1x125xi32, #tpu.memory_space<vmem>> -> memref<125xi32, #tpu.memory_space<vmem>>
      %dma_wait3A_1539 = arith.constant 0 : i32
      %dma_wait3A_1540 = arith.constant 0 : i32
      %dma_wait3A_1541 = tpu.memref_slice %arg2[%dma_wait3A_1539, %dma_wait3A_1540] : memref<10000x128xf32, #tpu.memory_space<hbm>> -> memref<10000x128xf32, #tpu.memory_space<hbm>>
      tpu.wait_indirect_dma semaphore(%arg12 : memref<!tpu.dma_semaphore, #tpu.memory_space<semaphore_mem>>) src(%dma_wait3A_1541 : memref<10000x128xf32, #tpu.memory_space<hbm>>) dst(%arg8 : memref<125x128xf32, #tpu.memory_space<vmem>>)
      %dma_wait3A_1542 = arith.constant 0 : i32
      %dma_wait3A_1543 = arith.constant 0 : i32
      %dma_wait3A_1544 = tpu.memref_slice %arg7[%dma_wait3A_1542, %dma_wait3A_1543] : memref<16x125xi32, #tpu.memory_space<vmem>> -> memref<1x125xi32, #tpu.memory_space<vmem>>
      %dma_wait3A_1545 = tpu.memref_squeeze %dma_wait3A_1544 : memref<1x125xi32, #tpu.memory_space<vmem>> -> memref<125xi32, #tpu.memory_space<vmem>>
      %dma_wait3A_1546 = arith.constant 0 : i32
      %dma_wait3A_1547 = arith.constant 0 : i32
      %dma_wait3A_1548 = tpu.memref_slice %arg11[%dma_wait3A_1546, %dma_wait3A_1547] : memref<10240x128xf32, #tpu.memory_space<vmem_shared>> -> memref<10240x128xf32, #tpu.memory_space<vmem_shared>>
      tpu.wait_indirect_dma semaphore(%arg15 : memref<!tpu.dma_semaphore, #tpu.memory_space<semaphore_mem>>) src(%arg9 : memref<125x128xf32, #tpu.memory_space<vmem>>) dst(%dma_wait3A_1548 : memref<10240x128xf32, #tpu.memory_space<vmem_shared>>)
      %add3A_1549 = arith.constant 10 : i32
      %add3A_1550 = arith.addi %mul3A_1056, %add3A_1549 : i32
      %add3A_1551 = arith.constant 1 : i32
      %add3A_1552 = arith.addi %add3A_1550, %add3A_1551 : i32
      %jit3A_1553 = arith.constant 16 : i32
      %eq3A_1554 = arith.constant 0 : i32
      %eq3A_1555 = arith.cmpi eq, %jit3A_1553, %eq3A_1554 : i32
      %jit3A_1556 = arith.constant 1 : i32
      %select_n3A_1557 = arith.select %eq3A_1555, %jit3A_1556, %jit3A_1553 : i32
      %rem3A_1558 = arith.remsi %add3A_1552, %select_n3A_1557 : i32
      %ne3A_1559 = arith.constant 0 : i32
      %ne3A_1560 = arith.cmpi ne, %rem3A_1558, %ne3A_1559 : i32
      %lt3A_1561 = arith.constant 0 : i32
      %lt3A_1562 = arith.cmpi slt, %rem3A_1558, %lt3A_1561 : i32
      %lt3A_1563 = arith.constant 0 : i32
      %lt3A_1564 = arith.cmpi slt, %select_n3A_1557, %lt3A_1563 : i32
      %ne3A_1565 = arith.xori %lt3A_1562, %lt3A_1564 : i1
      %and3A_1566 = arith.andi %ne3A_1565, %ne3A_1560 : i1
      %add3A_1567 = arith.addi %rem3A_1558, %select_n3A_1557 : i32
      %select_n3A_1568 = arith.select %and3A_1566, %add3A_1567, %rem3A_1558 : i32
      %dma_start3A_1569 = arith.constant 0 : i32
      %dma_start3A_1570 = tpu.memref_slice %arg6[%select_n3A_1568, %dma_start3A_1569] : memref<16x125xi32, #tpu.memory_space<vmem>> -> memref<1x125xi32, #tpu.memory_space<vmem>>
      %dma_start3A_1571 = tpu.memref_squeeze %dma_start3A_1570 : memref<1x125xi32, #tpu.memory_space<vmem>> -> memref<125xi32, #tpu.memory_space<vmem>>
      %dma_start3A_1572 = arith.constant 0 : i32
      %dma_start3A_1573 = arith.constant 0 : i32
      %dma_start3A_1574 = tpu.memref_slice %arg2[%dma_start3A_1572, %dma_start3A_1573] : memref<10000x128xf32, #tpu.memory_space<hbm>> -> memref<10000x128xf32, #tpu.memory_space<hbm>>
      tpu.enqueue_indirect_dma source(%dma_start3A_1574 : memref<10000x128xf32, #tpu.memory_space<hbm>>) target(%arg9 : memref<125x128xf32, #tpu.memory_space<vmem>>) offsets(%dma_start3A_1571 : memref<125xi32, #tpu.memory_space<vmem>>) semaphore(%arg13 : memref<!tpu.dma_semaphore, #tpu.memory_space<semaphore_mem>>)
      %dma_start3A_1575 = arith.constant 10 : i32
      %dma_start3A_1576 = arith.constant 0 : i32
      %dma_start3A_1577 = tpu.memref_slice %arg7[%dma_start3A_1575, %dma_start3A_1576] : memref<16x125xi32, #tpu.memory_space<vmem>> -> memref<1x125xi32, #tpu.memory_space<vmem>>
      %dma_start3A_1578 = tpu.memref_squeeze %dma_start3A_1577 : memref<1x125xi32, #tpu.memory_space<vmem>> -> memref<125xi32, #tpu.memory_space<vmem>>
      %dma_start3A_1579 = arith.constant 0 : i32
      %dma_start3A_1580 = arith.constant 0 : i32
      %dma_start3A_1581 = tpu.memref_slice %arg11[%dma_start3A_1579, %dma_start3A_1580] : memref<10240x128xf32, #tpu.memory_space<vmem_shared>> -> memref<10240x128xf32, #tpu.memory_space<vmem_shared>>
      tpu.enqueue_indirect_dma source(%arg8 : memref<125x128xf32, #tpu.memory_space<vmem>>) target(%dma_start3A_1581 : memref<10240x128xf32, #tpu.memory_space<vmem_shared>>) offsets(%dma_start3A_1578 : memref<125xi32, #tpu.memory_space<vmem>>) semaphore(%arg14 : memref<!tpu.dma_semaphore, #tpu.memory_space<semaphore_mem>>) {add = true}
      %dma_wait3A_1582 = arith.constant 0 : i32
      %dma_wait3A_1583 = arith.constant 0 : i32
      %dma_wait3A_1584 = tpu.memref_slice %arg6[%dma_wait3A_1582, %dma_wait3A_1583] : memref<16x125xi32, #tpu.memory_space<vmem>> -> memref<1x125xi32, #tpu.memory_space<vmem>>
      %dma_wait3A_1585 = tpu.memref_squeeze %dma_wait3A_1584 : memref<1x125xi32, #tpu.memory_space<vmem>> -> memref<125xi32, #tpu.memory_space<vmem>>
      %dma_wait3A_1586 = arith.constant 0 : i32
      %dma_wait3A_1587 = arith.constant 0 : i32
      %dma_wait3A_1588 = tpu.memref_slice %arg2[%dma_wait3A_1586, %dma_wait3A_1587] : memref<10000x128xf32, #tpu.memory_space<hbm>> -> memref<10000x128xf32, #tpu.memory_space<hbm>>
      tpu.wait_indirect_dma semaphore(%arg13 : memref<!tpu.dma_semaphore, #tpu.memory_space<semaphore_mem>>) src(%dma_wait3A_1588 : memref<10000x128xf32, #tpu.memory_space<hbm>>) dst(%arg9 : memref<125x128xf32, #tpu.memory_space<vmem>>)
      %dma_wait3A_1589 = arith.constant 0 : i32
      %dma_wait3A_1590 = arith.constant 0 : i32
      %dma_wait3A_1591 = tpu.memref_slice %arg7[%dma_wait3A_1589, %dma_wait3A_1590] : memref<16x125xi32, #tpu.memory_space<vmem>> -> memref<1x125xi32, #tpu.memory_space<vmem>>
      %dma_wait3A_1592 = tpu.memref_squeeze %dma_wait3A_1591 : memref<1x125xi32, #tpu.memory_space<vmem>> -> memref<125xi32, #tpu.memory_space<vmem>>
      %dma_wait3A_1593 = arith.constant 0 : i32
      %dma_wait3A_1594 = arith.constant 0 : i32
      %dma_wait3A_1595 = tpu.memref_slice %arg11[%dma_wait3A_1593, %dma_wait3A_1594] : memref<10240x128xf32, #tpu.memory_space<vmem_shared>> -> memref<10240x128xf32, #tpu.memory_space<vmem_shared>>
      tpu.wait_indirect_dma semaphore(%arg14 : memref<!tpu.dma_semaphore, #tpu.memory_space<semaphore_mem>>) src(%arg8 : memref<125x128xf32, #tpu.memory_space<vmem>>) dst(%dma_wait3A_1595 : memref<10240x128xf32, #tpu.memory_space<vmem_shared>>)
      %add3A_1596 = arith.constant 11 : i32
      %add3A_1597 = arith.addi %mul3A_1056, %add3A_1596 : i32
      %add3A_1598 = arith.constant 1 : i32
      %add3A_1599 = arith.addi %add3A_1597, %add3A_1598 : i32
      %jit3A_1600 = arith.constant 16 : i32
      %eq3A_1601 = arith.constant 0 : i32
      %eq3A_1602 = arith.cmpi eq, %jit3A_1600, %eq3A_1601 : i32
      %jit3A_1603 = arith.constant 1 : i32
      %select_n3A_1604 = arith.select %eq3A_1602, %jit3A_1603, %jit3A_1600 : i32
      %rem3A_1605 = arith.remsi %add3A_1599, %select_n3A_1604 : i32
      %ne3A_1606 = arith.constant 0 : i32
      %ne3A_1607 = arith.cmpi ne, %rem3A_1605, %ne3A_1606 : i32
      %lt3A_1608 = arith.constant 0 : i32
      %lt3A_1609 = arith.cmpi slt, %rem3A_1605, %lt3A_1608 : i32
      %lt3A_1610 = arith.constant 0 : i32
      %lt3A_1611 = arith.cmpi slt, %select_n3A_1604, %lt3A_1610 : i32
      %ne3A_1612 = arith.xori %lt3A_1609, %lt3A_1611 : i1
      %and3A_1613 = arith.andi %ne3A_1612, %ne3A_1607 : i1
      %add3A_1614 = arith.addi %rem3A_1605, %select_n3A_1604 : i32
      %select_n3A_1615 = arith.select %and3A_1613, %add3A_1614, %rem3A_1605 : i32
      %dma_start3A_1616 = arith.constant 0 : i32
      %dma_start3A_1617 = tpu.memref_slice %arg6[%select_n3A_1615, %dma_start3A_1616] : memref<16x125xi32, #tpu.memory_space<vmem>> -> memref<1x125xi32, #tpu.memory_space<vmem>>
      %dma_start3A_1618 = tpu.memref_squeeze %dma_start3A_1617 : memref<1x125xi32, #tpu.memory_space<vmem>> -> memref<125xi32, #tpu.memory_space<vmem>>
      %dma_start3A_1619 = arith.constant 0 : i32
      %dma_start3A_1620 = arith.constant 0 : i32
      %dma_start3A_1621 = tpu.memref_slice %arg2[%dma_start3A_1619, %dma_start3A_1620] : memref<10000x128xf32, #tpu.memory_space<hbm>> -> memref<10000x128xf32, #tpu.memory_space<hbm>>
      tpu.enqueue_indirect_dma source(%dma_start3A_1621 : memref<10000x128xf32, #tpu.memory_space<hbm>>) target(%arg8 : memref<125x128xf32, #tpu.memory_space<vmem>>) offsets(%dma_start3A_1618 : memref<125xi32, #tpu.memory_space<vmem>>) semaphore(%arg12 : memref<!tpu.dma_semaphore, #tpu.memory_space<semaphore_mem>>)
      %dma_start3A_1622 = arith.constant 11 : i32
      %dma_start3A_1623 = arith.constant 0 : i32
      %dma_start3A_1624 = tpu.memref_slice %arg7[%dma_start3A_1622, %dma_start3A_1623] : memref<16x125xi32, #tpu.memory_space<vmem>> -> memref<1x125xi32, #tpu.memory_space<vmem>>
      %dma_start3A_1625 = tpu.memref_squeeze %dma_start3A_1624 : memref<1x125xi32, #tpu.memory_space<vmem>> -> memref<125xi32, #tpu.memory_space<vmem>>
      %dma_start3A_1626 = arith.constant 0 : i32
      %dma_start3A_1627 = arith.constant 0 : i32
      %dma_start3A_1628 = tpu.memref_slice %arg11[%dma_start3A_1626, %dma_start3A_1627] : memref<10240x128xf32, #tpu.memory_space<vmem_shared>> -> memref<10240x128xf32, #tpu.memory_space<vmem_shared>>
      tpu.enqueue_indirect_dma source(%arg9 : memref<125x128xf32, #tpu.memory_space<vmem>>) target(%dma_start3A_1628 : memref<10240x128xf32, #tpu.memory_space<vmem_shared>>) offsets(%dma_start3A_1625 : memref<125xi32, #tpu.memory_space<vmem>>) semaphore(%arg15 : memref<!tpu.dma_semaphore, #tpu.memory_space<semaphore_mem>>) {add = true}
      %dma_wait3A_1629 = arith.constant 0 : i32
      %dma_wait3A_1630 = arith.constant 0 : i32
      %dma_wait3A_1631 = tpu.memref_slice %arg6[%dma_wait3A_1629, %dma_wait3A_1630] : memref<16x125xi32, #tpu.memory_space<vmem>> -> memref<1x125xi32, #tpu.memory_space<vmem>>
      %dma_wait3A_1632 = tpu.memref_squeeze %dma_wait3A_1631 : memref<1x125xi32, #tpu.memory_space<vmem>> -> memref<125xi32, #tpu.memory_space<vmem>>
      %dma_wait3A_1633 = arith.constant 0 : i32
      %dma_wait3A_1634 = arith.constant 0 : i32
      %dma_wait3A_1635 = tpu.memref_slice %arg2[%dma_wait3A_1633, %dma_wait3A_1634] : memref<10000x128xf32, #tpu.memory_space<hbm>> -> memref<10000x128xf32, #tpu.memory_space<hbm>>
      tpu.wait_indirect_dma semaphore(%arg12 : memref<!tpu.dma_semaphore, #tpu.memory_space<semaphore_mem>>) src(%dma_wait3A_1635 : memref<10000x128xf32, #tpu.memory_space<hbm>>) dst(%arg8 : memref<125x128xf32, #tpu.memory_space<vmem>>)
      %dma_wait3A_1636 = arith.constant 0 : i32
      %dma_wait3A_1637 = arith.constant 0 : i32
      %dma_wait3A_1638 = tpu.memref_slice %arg7[%dma_wait3A_1636, %dma_wait3A_1637] : memref<16x125xi32, #tpu.memory_space<vmem>> -> memref<1x125xi32, #tpu.memory_space<vmem>>
      %dma_wait3A_1639 = tpu.memref_squeeze %dma_wait3A_1638 : memref<1x125xi32, #tpu.memory_space<vmem>> -> memref<125xi32, #tpu.memory_space<vmem>>
      %dma_wait3A_1640 = arith.constant 0 : i32
      %dma_wait3A_1641 = arith.constant 0 : i32
      %dma_wait3A_1642 = tpu.memref_slice %arg11[%dma_wait3A_1640, %dma_wait3A_1641] : memref<10240x128xf32, #tpu.memory_space<vmem_shared>> -> memref<10240x128xf32, #tpu.memory_space<vmem_shared>>
      tpu.wait_indirect_dma semaphore(%arg15 : memref<!tpu.dma_semaphore, #tpu.memory_space<semaphore_mem>>) src(%arg9 : memref<125x128xf32, #tpu.memory_space<vmem>>) dst(%dma_wait3A_1642 : memref<10240x128xf32, #tpu.memory_space<vmem_shared>>)
      %add3A_1643 = arith.constant 12 : i32
      %add3A_1644 = arith.addi %mul3A_1056, %add3A_1643 : i32
      %add3A_1645 = arith.constant 1 : i32
      %add3A_1646 = arith.addi %add3A_1644, %add3A_1645 : i32
      %jit3A_1647 = arith.constant 16 : i32
      %eq3A_1648 = arith.constant 0 : i32
      %eq3A_1649 = arith.cmpi eq, %jit3A_1647, %eq3A_1648 : i32
      %jit3A_1650 = arith.constant 1 : i32
      %select_n3A_1651 = arith.select %eq3A_1649, %jit3A_1650, %jit3A_1647 : i32
      %rem3A_1652 = arith.remsi %add3A_1646, %select_n3A_1651 : i32
      %ne3A_1653 = arith.constant 0 : i32
      %ne3A_1654 = arith.cmpi ne, %rem3A_1652, %ne3A_1653 : i32
      %lt3A_1655 = arith.constant 0 : i32
      %lt3A_1656 = arith.cmpi slt, %rem3A_1652, %lt3A_1655 : i32
      %lt3A_1657 = arith.constant 0 : i32
      %lt3A_1658 = arith.cmpi slt, %select_n3A_1651, %lt3A_1657 : i32
      %ne3A_1659 = arith.xori %lt3A_1656, %lt3A_1658 : i1
      %and3A_1660 = arith.andi %ne3A_1659, %ne3A_1654 : i1
      %add3A_1661 = arith.addi %rem3A_1652, %select_n3A_1651 : i32
      %select_n3A_1662 = arith.select %and3A_1660, %add3A_1661, %rem3A_1652 : i32
      %dma_start3A_1663 = arith.constant 0 : i32
      %dma_start3A_1664 = tpu.memref_slice %arg6[%select_n3A_1662, %dma_start3A_1663] : memref<16x125xi32, #tpu.memory_space<vmem>> -> memref<1x125xi32, #tpu.memory_space<vmem>>
      %dma_start3A_1665 = tpu.memref_squeeze %dma_start3A_1664 : memref<1x125xi32, #tpu.memory_space<vmem>> -> memref<125xi32, #tpu.memory_space<vmem>>
      %dma_start3A_1666 = arith.constant 0 : i32
      %dma_start3A_1667 = arith.constant 0 : i32
      %dma_start3A_1668 = tpu.memref_slice %arg2[%dma_start3A_1666, %dma_start3A_1667] : memref<10000x128xf32, #tpu.memory_space<hbm>> -> memref<10000x128xf32, #tpu.memory_space<hbm>>
      tpu.enqueue_indirect_dma source(%dma_start3A_1668 : memref<10000x128xf32, #tpu.memory_space<hbm>>) target(%arg9 : memref<125x128xf32, #tpu.memory_space<vmem>>) offsets(%dma_start3A_1665 : memref<125xi32, #tpu.memory_space<vmem>>) semaphore(%arg13 : memref<!tpu.dma_semaphore, #tpu.memory_space<semaphore_mem>>)
      %dma_start3A_1669 = arith.constant 12 : i32
      %dma_start3A_1670 = arith.constant 0 : i32
      %dma_start3A_1671 = tpu.memref_slice %arg7[%dma_start3A_1669, %dma_start3A_1670] : memref<16x125xi32, #tpu.memory_space<vmem>> -> memref<1x125xi32, #tpu.memory_space<vmem>>
      %dma_start3A_1672 = tpu.memref_squeeze %dma_start3A_1671 : memref<1x125xi32, #tpu.memory_space<vmem>> -> memref<125xi32, #tpu.memory_space<vmem>>
      %dma_start3A_1673 = arith.constant 0 : i32
      %dma_start3A_1674 = arith.constant 0 : i32
      %dma_start3A_1675 = tpu.memref_slice %arg11[%dma_start3A_1673, %dma_start3A_1674] : memref<10240x128xf32, #tpu.memory_space<vmem_shared>> -> memref<10240x128xf32, #tpu.memory_space<vmem_shared>>
      tpu.enqueue_indirect_dma source(%arg8 : memref<125x128xf32, #tpu.memory_space<vmem>>) target(%dma_start3A_1675 : memref<10240x128xf32, #tpu.memory_space<vmem_shared>>) offsets(%dma_start3A_1672 : memref<125xi32, #tpu.memory_space<vmem>>) semaphore(%arg14 : memref<!tpu.dma_semaphore, #tpu.memory_space<semaphore_mem>>) {add = true}
      %dma_wait3A_1676 = arith.constant 0 : i32
      %dma_wait3A_1677 = arith.constant 0 : i32
      %dma_wait3A_1678 = tpu.memref_slice %arg6[%dma_wait3A_1676, %dma_wait3A_1677] : memref<16x125xi32, #tpu.memory_space<vmem>> -> memref<1x125xi32, #tpu.memory_space<vmem>>
      %dma_wait3A_1679 = tpu.memref_squeeze %dma_wait3A_1678 : memref<1x125xi32, #tpu.memory_space<vmem>> -> memref<125xi32, #tpu.memory_space<vmem>>
      %dma_wait3A_1680 = arith.constant 0 : i32
      %dma_wait3A_1681 = arith.constant 0 : i32
      %dma_wait3A_1682 = tpu.memref_slice %arg2[%dma_wait3A_1680, %dma_wait3A_1681] : memref<10000x128xf32, #tpu.memory_space<hbm>> -> memref<10000x128xf32, #tpu.memory_space<hbm>>
      tpu.wait_indirect_dma semaphore(%arg13 : memref<!tpu.dma_semaphore, #tpu.memory_space<semaphore_mem>>) src(%dma_wait3A_1682 : memref<10000x128xf32, #tpu.memory_space<hbm>>) dst(%arg9 : memref<125x128xf32, #tpu.memory_space<vmem>>)
      %dma_wait3A_1683 = arith.constant 0 : i32
      %dma_wait3A_1684 = arith.constant 0 : i32
      %dma_wait3A_1685 = tpu.memref_slice %arg7[%dma_wait3A_1683, %dma_wait3A_1684] : memref<16x125xi32, #tpu.memory_space<vmem>> -> memref<1x125xi32, #tpu.memory_space<vmem>>
      %dma_wait3A_1686 = tpu.memref_squeeze %dma_wait3A_1685 : memref<1x125xi32, #tpu.memory_space<vmem>> -> memref<125xi32, #tpu.memory_space<vmem>>
      %dma_wait3A_1687 = arith.constant 0 : i32
      %dma_wait3A_1688 = arith.constant 0 : i32
      %dma_wait3A_1689 = tpu.memref_slice %arg11[%dma_wait3A_1687, %dma_wait3A_1688] : memref<10240x128xf32, #tpu.memory_space<vmem_shared>> -> memref<10240x128xf32, #tpu.memory_space<vmem_shared>>
      tpu.wait_indirect_dma semaphore(%arg14 : memref<!tpu.dma_semaphore, #tpu.memory_space<semaphore_mem>>) src(%arg8 : memref<125x128xf32, #tpu.memory_space<vmem>>) dst(%dma_wait3A_1689 : memref<10240x128xf32, #tpu.memory_space<vmem_shared>>)
      %add3A_1690 = arith.constant 13 : i32
      %add3A_1691 = arith.addi %mul3A_1056, %add3A_1690 : i32
      %add3A_1692 = arith.constant 1 : i32
      %add3A_1693 = arith.addi %add3A_1691, %add3A_1692 : i32
      %jit3A_1694 = arith.constant 16 : i32
      %eq3A_1695 = arith.constant 0 : i32
      %eq3A_1696 = arith.cmpi eq, %jit3A_1694, %eq3A_1695 : i32
      %jit3A_1697 = arith.constant 1 : i32
      %select_n3A_1698 = arith.select %eq3A_1696, %jit3A_1697, %jit3A_1694 : i32
      %rem3A_1699 = arith.remsi %add3A_1693, %select_n3A_1698 : i32
      %ne3A_1700 = arith.constant 0 : i32
      %ne3A_1701 = arith.cmpi ne, %rem3A_1699, %ne3A_1700 : i32
      %lt3A_1702 = arith.constant 0 : i32
      %lt3A_1703 = arith.cmpi slt, %rem3A_1699, %lt3A_1702 : i32
      %lt3A_1704 = arith.constant 0 : i32
      %lt3A_1705 = arith.cmpi slt, %select_n3A_1698, %lt3A_1704 : i32
      %ne3A_1706 = arith.xori %lt3A_1703, %lt3A_1705 : i1
      %and3A_1707 = arith.andi %ne3A_1706, %ne3A_1701 : i1
      %add3A_1708 = arith.addi %rem3A_1699, %select_n3A_1698 : i32
      %select_n3A_1709 = arith.select %and3A_1707, %add3A_1708, %rem3A_1699 : i32
      %dma_start3A_1710 = arith.constant 0 : i32
      %dma_start3A_1711 = tpu.memref_slice %arg6[%select_n3A_1709, %dma_start3A_1710] : memref<16x125xi32, #tpu.memory_space<vmem>> -> memref<1x125xi32, #tpu.memory_space<vmem>>
      %dma_start3A_1712 = tpu.memref_squeeze %dma_start3A_1711 : memref<1x125xi32, #tpu.memory_space<vmem>> -> memref<125xi32, #tpu.memory_space<vmem>>
      %dma_start3A_1713 = arith.constant 0 : i32
      %dma_start3A_1714 = arith.constant 0 : i32
      %dma_start3A_1715 = tpu.memref_slice %arg2[%dma_start3A_1713, %dma_start3A_1714] : memref<10000x128xf32, #tpu.memory_space<hbm>> -> memref<10000x128xf32, #tpu.memory_space<hbm>>
      tpu.enqueue_indirect_dma source(%dma_start3A_1715 : memref<10000x128xf32, #tpu.memory_space<hbm>>) target(%arg8 : memref<125x128xf32, #tpu.memory_space<vmem>>) offsets(%dma_start3A_1712 : memref<125xi32, #tpu.memory_space<vmem>>) semaphore(%arg12 : memref<!tpu.dma_semaphore, #tpu.memory_space<semaphore_mem>>)
      %dma_start3A_1716 = arith.constant 13 : i32
      %dma_start3A_1717 = arith.constant 0 : i32
      %dma_start3A_1718 = tpu.memref_slice %arg7[%dma_start3A_1716, %dma_start3A_1717] : memref<16x125xi32, #tpu.memory_space<vmem>> -> memref<1x125xi32, #tpu.memory_space<vmem>>
      %dma_start3A_1719 = tpu.memref_squeeze %dma_start3A_1718 : memref<1x125xi32, #tpu.memory_space<vmem>> -> memref<125xi32, #tpu.memory_space<vmem>>
      %dma_start3A_1720 = arith.constant 0 : i32
      %dma_start3A_1721 = arith.constant 0 : i32
      %dma_start3A_1722 = tpu.memref_slice %arg11[%dma_start3A_1720, %dma_start3A_1721] : memref<10240x128xf32, #tpu.memory_space<vmem_shared>> -> memref<10240x128xf32, #tpu.memory_space<vmem_shared>>
      tpu.enqueue_indirect_dma source(%arg9 : memref<125x128xf32, #tpu.memory_space<vmem>>) target(%dma_start3A_1722 : memref<10240x128xf32, #tpu.memory_space<vmem_shared>>) offsets(%dma_start3A_1719 : memref<125xi32, #tpu.memory_space<vmem>>) semaphore(%arg15 : memref<!tpu.dma_semaphore, #tpu.memory_space<semaphore_mem>>) {add = true}
      %dma_wait3A_1723 = arith.constant 0 : i32
      %dma_wait3A_1724 = arith.constant 0 : i32
      %dma_wait3A_1725 = tpu.memref_slice %arg6[%dma_wait3A_1723, %dma_wait3A_1724] : memref<16x125xi32, #tpu.memory_space<vmem>> -> memref<1x125xi32, #tpu.memory_space<vmem>>
      %dma_wait3A_1726 = tpu.memref_squeeze %dma_wait3A_1725 : memref<1x125xi32, #tpu.memory_space<vmem>> -> memref<125xi32, #tpu.memory_space<vmem>>
      %dma_wait3A_1727 = arith.constant 0 : i32
      %dma_wait3A_1728 = arith.constant 0 : i32
      %dma_wait3A_1729 = tpu.memref_slice %arg2[%dma_wait3A_1727, %dma_wait3A_1728] : memref<10000x128xf32, #tpu.memory_space<hbm>> -> memref<10000x128xf32, #tpu.memory_space<hbm>>
      tpu.wait_indirect_dma semaphore(%arg12 : memref<!tpu.dma_semaphore, #tpu.memory_space<semaphore_mem>>) src(%dma_wait3A_1729 : memref<10000x128xf32, #tpu.memory_space<hbm>>) dst(%arg8 : memref<125x128xf32, #tpu.memory_space<vmem>>)
      %dma_wait3A_1730 = arith.constant 0 : i32
      %dma_wait3A_1731 = arith.constant 0 : i32
      %dma_wait3A_1732 = tpu.memref_slice %arg7[%dma_wait3A_1730, %dma_wait3A_1731] : memref<16x125xi32, #tpu.memory_space<vmem>> -> memref<1x125xi32, #tpu.memory_space<vmem>>
      %dma_wait3A_1733 = tpu.memref_squeeze %dma_wait3A_1732 : memref<1x125xi32, #tpu.memory_space<vmem>> -> memref<125xi32, #tpu.memory_space<vmem>>
      %dma_wait3A_1734 = arith.constant 0 : i32
      %dma_wait3A_1735 = arith.constant 0 : i32
      %dma_wait3A_1736 = tpu.memref_slice %arg11[%dma_wait3A_1734, %dma_wait3A_1735] : memref<10240x128xf32, #tpu.memory_space<vmem_shared>> -> memref<10240x128xf32, #tpu.memory_space<vmem_shared>>
      tpu.wait_indirect_dma semaphore(%arg15 : memref<!tpu.dma_semaphore, #tpu.memory_space<semaphore_mem>>) src(%arg9 : memref<125x128xf32, #tpu.memory_space<vmem>>) dst(%dma_wait3A_1736 : memref<10240x128xf32, #tpu.memory_space<vmem_shared>>)
      %lt3A_1737 = arith.constant 4 : i32
      %lt3A_1738 = arith.cmpi slt, %scan3A_1053, %lt3A_1737 : i32
      %convert_element_type3A_1739 = arith.extui %lt3A_1738 : i1 to i32
      %cond3A_1740 = arith.constant 0 : i32
      %cond3A_1741 = arith.cmpi ne, %convert_element_type3A_1739, %cond3A_1740 : i32
      scf.if %cond3A_1741 {
        %dma_wait3A_1802 = arith.constant 0 : i32
        %dma_wait3A_1803 = arith.constant 0 : i32
        %dma_wait3A_1804 = tpu.memref_slice %arg6[%dma_wait3A_1802, %dma_wait3A_1803] : memref<16x125xi32, #tpu.memory_space<vmem>> -> memref<8x125xi32, #tpu.memory_space<vmem>>
        %dma_wait3A_1805 = arith.constant 0 : i32
        %dma_wait3A_1806 = arith.constant 0 : i32
        %dma_wait3A_1807 = tpu.memref_slice %arg3[%add3A, %dma_wait3A_1805, %dma_wait3A_1806] : memref<32x80x125xi32, #tpu.memory_space<hbm>> -> memref<1x8x125xi32, #tpu.memory_space<hbm>>
        %dma_wait3A_1808 = tpu.memref_squeeze %dma_wait3A_1807 : memref<1x8x125xi32, #tpu.memory_space<hbm>> -> memref<8x125xi32, #tpu.memory_space<hbm>>
        %dma_wait3A_1809 = arith.constant 0 : i32
        %dma_wait3A_1810 = arith.constant 0 : i32
        %dma_wait3A_1811 = tpu.memref_slice %arg6[%dma_wait3A_1809, %dma_wait3A_1810] : memref<16x125xi32, #tpu.memory_space<vmem>> -> memref<8x125xi32, #tpu.memory_space<vmem>>
        %dma_wait3A_1812 = arith.constant 0 : i32
        %dma_wait3A_1813 = arith.constant 0 : i32
        %dma_wait3A_1814 = tpu.memref_slice %arg3[%add3A, %dma_wait3A_1812, %dma_wait3A_1813] : memref<32x80x125xi32, #tpu.memory_space<hbm>> -> memref<1x8x125xi32, #tpu.memory_space<hbm>>
        %dma_wait3A_1815 = tpu.memref_squeeze %dma_wait3A_1814 : memref<1x8x125xi32, #tpu.memory_space<hbm>> -> memref<8x125xi32, #tpu.memory_space<hbm>>
        tpu.wait_dma2 semaphore(%arg16 : memref<!tpu.dma_semaphore, #tpu.memory_space<semaphore_mem>>) src(%dma_wait3A_1815 : memref<8x125xi32, #tpu.memory_space<hbm>>) dst(%dma_wait3A_1811 : memref<8x125xi32, #tpu.memory_space<vmem>>)
        %dma_wait3A_1816 = arith.constant 0 : i32
        %dma_wait3A_1817 = arith.constant 0 : i32
        %dma_wait3A_1818 = tpu.memref_slice %arg7[%dma_wait3A_1816, %dma_wait3A_1817] : memref<16x125xi32, #tpu.memory_space<vmem>> -> memref<8x125xi32, #tpu.memory_space<vmem>>
        %dma_wait3A_1819 = arith.constant 0 : i32
        %dma_wait3A_1820 = arith.constant 0 : i32
        %dma_wait3A_1821 = tpu.memref_slice %arg4[%add3A, %dma_wait3A_1819, %dma_wait3A_1820] : memref<32x80x125xi32, #tpu.memory_space<hbm>> -> memref<1x8x125xi32, #tpu.memory_space<hbm>>
        %dma_wait3A_1822 = tpu.memref_squeeze %dma_wait3A_1821 : memref<1x8x125xi32, #tpu.memory_space<hbm>> -> memref<8x125xi32, #tpu.memory_space<hbm>>
        %dma_wait3A_1823 = arith.constant 0 : i32
        %dma_wait3A_1824 = arith.constant 0 : i32
        %dma_wait3A_1825 = tpu.memref_slice %arg7[%dma_wait3A_1823, %dma_wait3A_1824] : memref<16x125xi32, #tpu.memory_space<vmem>> -> memref<8x125xi32, #tpu.memory_space<vmem>>
        %dma_wait3A_1826 = arith.constant 0 : i32
        %dma_wait3A_1827 = arith.constant 0 : i32
        %dma_wait3A_1828 = tpu.memref_slice %arg4[%add3A, %dma_wait3A_1826, %dma_wait3A_1827] : memref<32x80x125xi32, #tpu.memory_space<hbm>> -> memref<1x8x125xi32, #tpu.memory_space<hbm>>
        %dma_wait3A_1829 = tpu.memref_squeeze %dma_wait3A_1828 : memref<1x8x125xi32, #tpu.memory_space<hbm>> -> memref<8x125xi32, #tpu.memory_space<hbm>>
        tpu.wait_dma2 semaphore(%arg18 : memref<!tpu.dma_semaphore, #tpu.memory_space<semaphore_mem>>) src(%dma_wait3A_1829 : memref<8x125xi32, #tpu.memory_space<hbm>>) dst(%dma_wait3A_1825 : memref<8x125xi32, #tpu.memory_space<vmem>>)
      } else {
      }
      %add3A_1742 = arith.constant 14 : i32
      %add3A_1743 = arith.addi %mul3A_1056, %add3A_1742 : i32
      %add3A_1744 = arith.constant 1 : i32
      %add3A_1745 = arith.addi %add3A_1743, %add3A_1744 : i32
      %jit3A_1746 = arith.constant 16 : i32
      %eq3A_1747 = arith.constant 0 : i32
      %eq3A_1748 = arith.cmpi eq, %jit3A_1746, %eq3A_1747 : i32
      %jit3A_1749 = arith.constant 1 : i32
      %select_n3A_1750 = arith.select %eq3A_1748, %jit3A_1749, %jit3A_1746 : i32
      %rem3A_1751 = arith.remsi %add3A_1745, %select_n3A_1750 : i32
      %ne3A_1752 = arith.constant 0 : i32
      %ne3A_1753 = arith.cmpi ne, %rem3A_1751, %ne3A_1752 : i32
      %lt3A_1754 = arith.constant 0 : i32
      %lt3A_1755 = arith.cmpi slt, %rem3A_1751, %lt3A_1754 : i32
      %lt3A_1756 = arith.constant 0 : i32
      %lt3A_1757 = arith.cmpi slt, %select_n3A_1750, %lt3A_1756 : i32
      %ne3A_1758 = arith.xori %lt3A_1755, %lt3A_1757 : i1
      %and3A_1759 = arith.andi %ne3A_1758, %ne3A_1753 : i1
      %add3A_1760 = arith.addi %rem3A_1751, %select_n3A_1750 : i32
      %select_n3A_1761 = arith.select %and3A_1759, %add3A_1760, %rem3A_1751 : i32
      %dma_start3A_1762 = arith.constant 0 : i32
      %dma_start3A_1763 = tpu.memref_slice %arg6[%select_n3A_1761, %dma_start3A_1762] : memref<16x125xi32, #tpu.memory_space<vmem>> -> memref<1x125xi32, #tpu.memory_space<vmem>>
      %dma_start3A_1764 = tpu.memref_squeeze %dma_start3A_1763 : memref<1x125xi32, #tpu.memory_space<vmem>> -> memref<125xi32, #tpu.memory_space<vmem>>
      %dma_start3A_1765 = arith.constant 0 : i32
      %dma_start3A_1766 = arith.constant 0 : i32
      %dma_start3A_1767 = tpu.memref_slice %arg2[%dma_start3A_1765, %dma_start3A_1766] : memref<10000x128xf32, #tpu.memory_space<hbm>> -> memref<10000x128xf32, #tpu.memory_space<hbm>>
      tpu.enqueue_indirect_dma source(%dma_start3A_1767 : memref<10000x128xf32, #tpu.memory_space<hbm>>) target(%arg9 : memref<125x128xf32, #tpu.memory_space<vmem>>) offsets(%dma_start3A_1764 : memref<125xi32, #tpu.memory_space<vmem>>) semaphore(%arg13 : memref<!tpu.dma_semaphore, #tpu.memory_space<semaphore_mem>>)
      %dma_start3A_1768 = arith.constant 14 : i32
      %dma_start3A_1769 = arith.constant 0 : i32
      %dma_start3A_1770 = tpu.memref_slice %arg7[%dma_start3A_1768, %dma_start3A_1769] : memref<16x125xi32, #tpu.memory_space<vmem>> -> memref<1x125xi32, #tpu.memory_space<vmem>>
      %dma_start3A_1771 = tpu.memref_squeeze %dma_start3A_1770 : memref<1x125xi32, #tpu.memory_space<vmem>> -> memref<125xi32, #tpu.memory_space<vmem>>
      %dma_start3A_1772 = arith.constant 0 : i32
      %dma_start3A_1773 = arith.constant 0 : i32
      %dma_start3A_1774 = tpu.memref_slice %arg11[%dma_start3A_1772, %dma_start3A_1773] : memref<10240x128xf32, #tpu.memory_space<vmem_shared>> -> memref<10240x128xf32, #tpu.memory_space<vmem_shared>>
      tpu.enqueue_indirect_dma source(%arg8 : memref<125x128xf32, #tpu.memory_space<vmem>>) target(%dma_start3A_1774 : memref<10240x128xf32, #tpu.memory_space<vmem_shared>>) offsets(%dma_start3A_1771 : memref<125xi32, #tpu.memory_space<vmem>>) semaphore(%arg14 : memref<!tpu.dma_semaphore, #tpu.memory_space<semaphore_mem>>) {add = true}
      %dma_wait3A_1775 = arith.constant 0 : i32
      %dma_wait3A_1776 = arith.constant 0 : i32
      %dma_wait3A_1777 = tpu.memref_slice %arg6[%dma_wait3A_1775, %dma_wait3A_1776] : memref<16x125xi32, #tpu.memory_space<vmem>> -> memref<1x125xi32, #tpu.memory_space<vmem>>
      %dma_wait3A_1778 = tpu.memref_squeeze %dma_wait3A_1777 : memref<1x125xi32, #tpu.memory_space<vmem>> -> memref<125xi32, #tpu.memory_space<vmem>>
      %dma_wait3A_1779 = arith.constant 0 : i32
      %dma_wait3A_1780 = arith.constant 0 : i32
      %dma_wait3A_1781 = tpu.memref_slice %arg2[%dma_wait3A_1779, %dma_wait3A_1780] : memref<10000x128xf32, #tpu.memory_space<hbm>> -> memref<10000x128xf32, #tpu.memory_space<hbm>>
      tpu.wait_indirect_dma semaphore(%arg13 : memref<!tpu.dma_semaphore, #tpu.memory_space<semaphore_mem>>) src(%dma_wait3A_1781 : memref<10000x128xf32, #tpu.memory_space<hbm>>) dst(%arg9 : memref<125x128xf32, #tpu.memory_space<vmem>>)
      %dma_wait3A_1782 = arith.constant 0 : i32
      %dma_wait3A_1783 = arith.constant 0 : i32
      %dma_wait3A_1784 = tpu.memref_slice %arg7[%dma_wait3A_1782, %dma_wait3A_1783] : memref<16x125xi32, #tpu.memory_space<vmem>> -> memref<1x125xi32, #tpu.memory_space<vmem>>
      %dma_wait3A_1785 = tpu.memref_squeeze %dma_wait3A_1784 : memref<1x125xi32, #tpu.memory_space<vmem>> -> memref<125xi32, #tpu.memory_space<vmem>>
      %dma_wait3A_1786 = arith.constant 0 : i32
      %dma_wait3A_1787 = arith.constant 0 : i32
      %dma_wait3A_1788 = tpu.memref_slice %arg11[%dma_wait3A_1786, %dma_wait3A_1787] : memref<10240x128xf32, #tpu.memory_space<vmem_shared>> -> memref<10240x128xf32, #tpu.memory_space<vmem_shared>>
      tpu.wait_indirect_dma semaphore(%arg14 : memref<!tpu.dma_semaphore, #tpu.memory_space<semaphore_mem>>) src(%arg8 : memref<125x128xf32, #tpu.memory_space<vmem>>) dst(%dma_wait3A_1788 : memref<10240x128xf32, #tpu.memory_space<vmem_shared>>)
      %lt3A_1789 = arith.constant 4 : i32
      %lt3A_1790 = arith.cmpi slt, %scan3A_1053, %lt3A_1789 : i32
      %convert_element_type3A_1791 = arith.extui %lt3A_1790 : i1 to i32
      %cond3A_1792 = arith.constant 0 : i32
      %cond3A_1793 = arith.cmpi ne, %convert_element_type3A_1791, %cond3A_1792 : i32
      scf.if %cond3A_1793 {
        %add3A_1802 = arith.constant 15 : i32
        %add3A_1803 = arith.addi %mul3A_1056, %add3A_1802 : i32
        %add3A_1804 = arith.constant 1 : i32
        %add3A_1805 = arith.addi %add3A_1803, %add3A_1804 : i32
        %jit3A_1806 = arith.constant 16 : i32
        %eq3A_1807 = arith.constant 0 : i32
        %eq3A_1808 = arith.cmpi eq, %jit3A_1806, %eq3A_1807 : i32
        %jit3A_1809 = arith.constant 1 : i32
        %select_n3A_1810 = arith.select %eq3A_1808, %jit3A_1809, %jit3A_1806 : i32
        %rem3A_1811 = arith.remsi %add3A_1805, %select_n3A_1810 : i32
        %ne3A_1812 = arith.constant 0 : i32
        %ne3A_1813 = arith.cmpi ne, %rem3A_1811, %ne3A_1812 : i32
        %lt3A_1814 = arith.constant 0 : i32
        %lt3A_1815 = arith.cmpi slt, %rem3A_1811, %lt3A_1814 : i32
        %lt3A_1816 = arith.constant 0 : i32
        %lt3A_1817 = arith.cmpi slt, %select_n3A_1810, %lt3A_1816 : i32
        %ne3A_1818 = arith.xori %lt3A_1815, %lt3A_1817 : i1
        %and3A_1819 = arith.andi %ne3A_1818, %ne3A_1813 : i1
        %add3A_1820 = arith.addi %rem3A_1811, %select_n3A_1810 : i32
        %select_n3A_1821 = arith.select %and3A_1819, %add3A_1820, %rem3A_1811 : i32
        %dma_start3A_1822 = arith.constant 0 : i32
        %dma_start3A_1823 = tpu.memref_slice %arg6[%select_n3A_1821, %dma_start3A_1822] : memref<16x125xi32, #tpu.memory_space<vmem>> -> memref<1x125xi32, #tpu.memory_space<vmem>>
        %dma_start3A_1824 = tpu.memref_squeeze %dma_start3A_1823 : memref<1x125xi32, #tpu.memory_space<vmem>> -> memref<125xi32, #tpu.memory_space<vmem>>
        %dma_start3A_1825 = arith.constant 0 : i32
        %dma_start3A_1826 = arith.constant 0 : i32
        %dma_start3A_1827 = tpu.memref_slice %arg2[%dma_start3A_1825, %dma_start3A_1826] : memref<10000x128xf32, #tpu.memory_space<hbm>> -> memref<10000x128xf32, #tpu.memory_space<hbm>>
        tpu.enqueue_indirect_dma source(%dma_start3A_1827 : memref<10000x128xf32, #tpu.memory_space<hbm>>) target(%arg8 : memref<125x128xf32, #tpu.memory_space<vmem>>) offsets(%dma_start3A_1824 : memref<125xi32, #tpu.memory_space<vmem>>) semaphore(%arg12 : memref<!tpu.dma_semaphore, #tpu.memory_space<semaphore_mem>>)
      } else {
      }
      %dma_start3A_1794 = arith.constant 15 : i32
      %dma_start3A_1795 = arith.constant 0 : i32
      %dma_start3A_1796 = tpu.memref_slice %arg7[%dma_start3A_1794, %dma_start3A_1795] : memref<16x125xi32, #tpu.memory_space<vmem>> -> memref<1x125xi32, #tpu.memory_space<vmem>>
      %dma_start3A_1797 = tpu.memref_squeeze %dma_start3A_1796 : memref<1x125xi32, #tpu.memory_space<vmem>> -> memref<125xi32, #tpu.memory_space<vmem>>
      %dma_start3A_1798 = arith.constant 0 : i32
      %dma_start3A_1799 = arith.constant 0 : i32
      %dma_start3A_1800 = tpu.memref_slice %arg11[%dma_start3A_1798, %dma_start3A_1799] : memref<10240x128xf32, #tpu.memory_space<vmem_shared>> -> memref<10240x128xf32, #tpu.memory_space<vmem_shared>>
      tpu.enqueue_indirect_dma source(%arg9 : memref<125x128xf32, #tpu.memory_space<vmem>>) target(%dma_start3A_1800 : memref<10240x128xf32, #tpu.memory_space<vmem_shared>>) offsets(%dma_start3A_1797 : memref<125xi32, #tpu.memory_space<vmem>>) semaphore(%arg15 : memref<!tpu.dma_semaphore, #tpu.memory_space<semaphore_mem>>) {add = true}
      %scan3A_1801 = arith.constant 0 : i32
      scf.yield %scan3A_1801 : i32
    }
    %scan3A_1041 = arith.constant 5 : i32
    %dma_wait3A = arith.constant 0 : i32
    %dma_wait3A_1042 = arith.constant 0 : i32
    %dma_wait3A_1043 = tpu.memref_slice %arg7[%dma_wait3A, %dma_wait3A_1042] : memref<16x125xi32, #tpu.memory_space<vmem>> -> memref<1x125xi32, #tpu.memory_space<vmem>>
    %dma_wait3A_1044 = tpu.memref_squeeze %dma_wait3A_1043 : memref<1x125xi32, #tpu.memory_space<vmem>> -> memref<125xi32, #tpu.memory_space<vmem>>
    %dma_wait3A_1045 = arith.constant 0 : i32
    %dma_wait3A_1046 = arith.constant 0 : i32
    %dma_wait3A_1047 = tpu.memref_slice %arg11[%dma_wait3A_1045, %dma_wait3A_1046] : memref<10240x128xf32, #tpu.memory_space<vmem_shared>> -> memref<10240x128xf32, #tpu.memory_space<vmem_shared>>
    tpu.wait_indirect_dma semaphore(%arg15 : memref<!tpu.dma_semaphore, #tpu.memory_space<semaphore_mem>>) src(%arg9 : memref<125x128xf32, #tpu.memory_space<vmem>>) dst(%dma_wait3A_1047 : memref<10240x128xf32, #tpu.memory_space<vmem_shared>>)
    %barrier3A_1048 = arith.constant 0 : index
    tpu.barrier barrier_id(%barrier3A_1048)
    %mul3A_1049 = arith.constant 640 : i32
    %mul3A_1050 = arith.muli %arg1, %mul3A_1049 : i32
    %mul3A_1051 = arith.constant 640 : i32
    %mul3A_1052 = arith.muli %arg1, %mul3A_1051 : i32
    "tpu.region"() ({
      %run_scoped3A = tpu.sem_alloc : memref<!tpu.dma_semaphore, #tpu.memory_space<semaphore_mem>>
      %dma_start3A_1053 = arith.constant 0 : i32
      %dma_start3A_1054 = tpu.memref_slice %arg5[%arg0, %mul3A_1052, %dma_start3A_1053] : memref<2x10240x128xf32, #tpu.memory_space<hbm>> -> memref<1x640x128xf32, #tpu.memory_space<hbm>>
      %dma_start3A_1055 = tpu.memref_squeeze %dma_start3A_1054 : memref<1x640x128xf32, #tpu.memory_space<hbm>> -> memref<640x128xf32, #tpu.memory_space<hbm>>
      %dma_start3A_1056 = arith.constant 0 : i32
      %dma_start3A_1057 = tpu.memref_slice %arg11[%mul3A_1050, %dma_start3A_1056] : memref<10240x128xf32, #tpu.memory_space<vmem_shared>> -> memref<640x128xf32, #tpu.memory_space<vmem_shared>>
      tpu.enqueue_dma source(%dma_start3A_1057 : memref<640x128xf32, #tpu.memory_space<vmem_shared>>) target(%dma_start3A_1055 : memref<640x128xf32, #tpu.memory_space<hbm>>) target_semaphore(%run_scoped3A : memref<!tpu.dma_semaphore, #tpu.memory_space<semaphore_mem>>)
      %dma_wait3A_1058 = arith.constant 0 : i32
      %dma_wait3A_1059 = tpu.memref_slice %arg5[%arg0, %mul3A_1052, %dma_wait3A_1058] : memref<2x10240x128xf32, #tpu.memory_space<hbm>> -> memref<1x640x128xf32, #tpu.memory_space<hbm>>
      %dma_wait3A_1060 = tpu.memref_squeeze %dma_wait3A_1059 : memref<1x640x128xf32, #tpu.memory_space<hbm>> -> memref<640x128xf32, #tpu.memory_space<hbm>>
      %dma_wait3A_1061 = arith.constant 0 : i32
      %dma_wait3A_1062 = tpu.memref_slice %arg11[%mul3A_1050, %dma_wait3A_1061] : memref<10240x128xf32, #tpu.memory_space<vmem_shared>> -> memref<640x128xf32, #tpu.memory_space<vmem_shared>>
      tpu.wait_dma2 semaphore(%run_scoped3A : memref<!tpu.dma_semaphore, #tpu.memory_space<semaphore_mem>>) src(%dma_wait3A_1062 : memref<640x128xf32, #tpu.memory_space<vmem_shared>>) dst(%dma_wait3A_1060 : memref<640x128xf32, #tpu.memory_space<hbm>>)
      tpu.yield
    }) : () -> ()
    return
  }
}

#map = affine_map<(d0, d1) -> (0, 0, 0)>
module attributes {stable_mosaic.version = 14 : i64} {
  func.func @_p1_degree(%arg0: i32, %arg1: i32, %arg2: memref<32x1x10000xi32, #tpu.memory_space<hbm>>, %arg3: memref<32x1x10000xf32, #tpu.memory_space<hbm>>, %arg4: memref<1x10000xi32, #tpu.memory_space<vmem>>, %arg5: memref<10000xf32, #tpu.memory_space<vmem>>) attributes {dimension_semantics = [#tpu.dimension_semantics<core_parallel>, #tpu.dimension_semantics<subcore_parallel>], iteration_bounds = array<i64: 2, 16>, scalar_prefetch = 0 : i64, scratch_operands = 2 : i64, tpu.core_type = #tpu.core_type<sc_vector_subcore>, window_params = [{transform_indices = #map}, {transform_indices = #map}]} {
    %mul3A = arith.constant 16 : i32
    %mul3A_0 = arith.muli %arg0, %mul3A : i32
    %add3A = arith.addi %mul3A_0, %arg1 : i32
    "tpu.region"() ({
      %run_scoped3A_15 = tpu.sem_alloc : memref<!tpu.dma_semaphore, #tpu.memory_space<semaphore_mem>>
      %dma_start3A = arith.constant 0 : i32
      %dma_start3A_16 = arith.constant 0 : i32
      %dma_start3A_17 = tpu.memref_slice %arg2[%add3A, %dma_start3A, %dma_start3A_16] : memref<32x1x10000xi32, #tpu.memory_space<hbm>> -> memref<1x1x10000xi32, #tpu.memory_space<hbm>>
      %dma_start3A_18 = tpu.memref_squeeze %dma_start3A_17 : memref<1x1x10000xi32, #tpu.memory_space<hbm>> -> memref<1x10000xi32, #tpu.memory_space<hbm>>
      %dma_start3A_19 = arith.constant 0 : i32
      %dma_start3A_20 = arith.constant 0 : i32
      %dma_start3A_21 = tpu.memref_slice %arg2[%add3A, %dma_start3A_19, %dma_start3A_20] : memref<32x1x10000xi32, #tpu.memory_space<hbm>> -> memref<1x1x10000xi32, #tpu.memory_space<hbm>>
      %dma_start3A_22 = tpu.memref_squeeze %dma_start3A_21 : memref<1x1x10000xi32, #tpu.memory_space<hbm>> -> memref<1x10000xi32, #tpu.memory_space<hbm>>
      tpu.enqueue_dma source(%dma_start3A_22 : memref<1x10000xi32, #tpu.memory_space<hbm>>) target(%arg4 : memref<1x10000xi32, #tpu.memory_space<vmem>>) target_semaphore(%run_scoped3A_15 : memref<!tpu.dma_semaphore, #tpu.memory_space<semaphore_mem>>)
      %dma_wait3A = arith.constant 0 : i32
      %dma_wait3A_23 = arith.constant 0 : i32
      %dma_wait3A_24 = tpu.memref_slice %arg2[%add3A, %dma_wait3A, %dma_wait3A_23] : memref<32x1x10000xi32, #tpu.memory_space<hbm>> -> memref<1x1x10000xi32, #tpu.memory_space<hbm>>
      %dma_wait3A_25 = tpu.memref_squeeze %dma_wait3A_24 : memref<1x1x10000xi32, #tpu.memory_space<hbm>> -> memref<1x10000xi32, #tpu.memory_space<hbm>>
      %dma_wait3A_26 = arith.constant 0 : i32
      %dma_wait3A_27 = arith.constant 0 : i32
      %dma_wait3A_28 = tpu.memref_slice %arg2[%add3A, %dma_wait3A_26, %dma_wait3A_27] : memref<32x1x10000xi32, #tpu.memory_space<hbm>> -> memref<1x1x10000xi32, #tpu.memory_space<hbm>>
      %dma_wait3A_29 = tpu.memref_squeeze %dma_wait3A_28 : memref<1x1x10000xi32, #tpu.memory_space<hbm>> -> memref<1x10000xi32, #tpu.memory_space<hbm>>
      tpu.wait_dma2 semaphore(%run_scoped3A_15 : memref<!tpu.dma_semaphore, #tpu.memory_space<semaphore_mem>>) src(%dma_wait3A_29 : memref<1x10000xi32, #tpu.memory_space<hbm>>) dst(%arg4 : memref<1x10000xi32, #tpu.memory_space<vmem>>)
      tpu.yield
    }) : () -> ()
    %scan3A = arith.constant 0 : i32
    %scan3A_1 = arith.constant 0 : i32
    %scan3A_2 = arith.constant 625 : i32
    %scan3A_3 = arith.addi %scan3A_1, %scan3A_2 : i32
    %scan3A_4 = arith.constant 1 : i32
    %scan3A_5 = scf.for %scan3A_15 = %scan3A_1 to %scan3A_3 step %scan3A_4 iter_args(%scan3A_16 = %scan3A) -> (i32)  : i32 {
      %broadcast_in_dim3A_17 = arith.constant 0.000000e+00 : f32
      %broadcast_in_dim3A_18 = vector.broadcast %broadcast_in_dim3A_17 : f32 to vector<16xf32>
      %mul3A_19 = arith.constant 16 : i32
      %mul3A_20 = arith.muli %scan3A_15, %mul3A_19 : i32
      %swap3A = arith.index_cast %mul3A_20 : i32 to index
      %swap3A_21 = tpu.vector_load %arg5[%swap3A] {strides = array<i32>} : memref<10000xf32, #tpu.memory_space<vmem>>, vector<16xf32>,
      tpu.vector_store %arg5[%swap3A], %broadcast_in_dim3A_18 {strides = array<i32>} : memref<10000xf32, #tpu.memory_space<vmem>>, vector<16xf32>,
      %scan3A_22 = arith.constant 0 : i32
      scf.yield %scan3A_22 : i32
    }
    %scan3A_6 = arith.constant 625 : i32
    %broadcast_in_dim3A = arith.constant 1.000000e+00 : f32
    %broadcast_in_dim3A_7 = vector.broadcast %broadcast_in_dim3A : f32 to vector<16xf32>
    %scan3A_8 = arith.constant 0 : i32
    %scan3A_9 = arith.constant 0 : i32
    %scan3A_10 = arith.constant 625 : i32
    %scan3A_11 = arith.addi %scan3A_9, %scan3A_10 : i32
    %scan3A_12 = arith.constant 1 : i32
    %scan3A_13 = scf.for %scan3A_15 = %scan3A_9 to %scan3A_11 step %scan3A_12 iter_args(%scan3A_16 = %scan3A_8) -> (i32)  : i32 {
      %mul3A_17 = arith.constant 16 : i32
      %mul3A_18 = arith.muli %scan3A_15, %mul3A_17 : i32
      %get3A = arith.constant 0 : i32
      %get3A_19 = arith.index_cast %get3A : i32 to index
      %get3A_20 = arith.index_cast %mul3A_18 : i32 to index
      %get3A_21 = tpu.vector_load %arg4[%get3A_19, %get3A_20] {strides = array<i32>} : memref<1x10000xi32, #tpu.memory_space<vmem>>, vector<16xi32>,
      tpu.vector_store_idx %arg5[%get3A_21], %broadcast_in_dim3A_7 {add = true} : memref<10000xf32, #tpu.memory_space<vmem>>[vector<16xi32>], vector<16xf32>,
      %scan3A_22 = arith.constant 0 : i32
      scf.yield %scan3A_22 : i32
    }
    %scan3A_14 = arith.constant 625 : i32
    %run_scoped3A = arith.constant 0 : i32
    "tpu.region"() ({
      %run_scoped3A_15 = tpu.sem_alloc : memref<!tpu.dma_semaphore, #tpu.memory_space<semaphore_mem>>
      %dma_start3A = arith.constant 0 : i32
      %dma_start3A_16 = tpu.memref_slice %arg3[%add3A, %run_scoped3A, %dma_start3A] : memref<32x1x10000xf32, #tpu.memory_space<hbm>> -> memref<1x1x10000xf32, #tpu.memory_space<hbm>>
      %dma_start3A_17 = tpu.memref_squeeze %dma_start3A_16 : memref<1x1x10000xf32, #tpu.memory_space<hbm>> -> memref<10000xf32, #tpu.memory_space<hbm>>
      %dma_start3A_18 = arith.constant 0 : i32
      %dma_start3A_19 = tpu.memref_slice %arg3[%add3A, %run_scoped3A, %dma_start3A_18] : memref<32x1x10000xf32, #tpu.memory_space<hbm>> -> memref<1x1x10000xf32, #tpu.memory_space<hbm>>
      %dma_start3A_20 = tpu.memref_squeeze %dma_start3A_19 : memref<1x1x10000xf32, #tpu.memory_space<hbm>> -> memref<10000xf32, #tpu.memory_space<hbm>>
      tpu.enqueue_dma source(%arg5 : memref<10000xf32, #tpu.memory_space<vmem>>) target(%dma_start3A_20 : memref<10000xf32, #tpu.memory_space<hbm>>) target_semaphore(%run_scoped3A_15 : memref<!tpu.dma_semaphore, #tpu.memory_space<semaphore_mem>>)
      %dma_wait3A = arith.constant 0 : i32
      %dma_wait3A_21 = tpu.memref_slice %arg3[%add3A, %run_scoped3A, %dma_wait3A] : memref<32x1x10000xf32, #tpu.memory_space<hbm>> -> memref<1x1x10000xf32, #tpu.memory_space<hbm>>
      %dma_wait3A_22 = tpu.memref_squeeze %dma_wait3A_21 : memref<1x1x10000xf32, #tpu.memory_space<hbm>> -> memref<10000xf32, #tpu.memory_space<hbm>>
      %dma_wait3A_23 = arith.constant 0 : i32
      %dma_wait3A_24 = tpu.memref_slice %arg3[%add3A, %run_scoped3A, %dma_wait3A_23] : memref<32x1x10000xf32, #tpu.memory_space<hbm>> -> memref<1x1x10000xf32, #tpu.memory_space<hbm>>
      %dma_wait3A_25 = tpu.memref_squeeze %dma_wait3A_24 : memref<1x1x10000xf32, #tpu.memory_space<hbm>> -> memref<10000xf32, #tpu.memory_space<hbm>>
      tpu.wait_dma2 semaphore(%run_scoped3A_15 : memref<!tpu.dma_semaphore, #tpu.memory_space<semaphore_mem>>) src(%arg5 : memref<10000xf32, #tpu.memory_space<vmem>>) dst(%dma_wait3A_25 : memref<10000xf32, #tpu.memory_space<hbm>>)
      tpu.yield
    }) : () -> ()
    return
  }
}

module attributes {stable_mosaic.version = 14 : i64} {
  func.func @_p2_body(%arg0: i32, %arg1: memref<400x128xf32, #tpu.memory_space<vmem>>, %arg2: memref<32x1x1x400xf32, #tpu.memory_space<vmem>>, %arg3: memref<128x128xf32, #tpu.memory_space<vmem>>, %arg4: memref<400x128xf32, #tpu.memory_space<vmem>>) attributes {dimension_semantics = [#tpu.dimension_semantics<arbitrary>], iteration_bounds = array<i64: 25>, scalar_prefetch = 0 : i64, scratch_operands = 0 : i64, tpu.core_type = #tpu.core_type<tc>, window_params = [{transform_indices = @transform_0, window_bounds = array<i64: 400, 128>}, {transform_indices = @transform_1, window_bounds = array<i64: 32, 1, 1, 400>}, {pipeline_mode = #tpu.pipeline_mode<synchronous>, transform_indices = @transform_2, window_bounds = array<i64: 128, 128>}, {transform_indices = @transform_3, window_bounds = array<i64: 400, 128>}]} {
    %get3A = arith.constant 0 : index
    %get3A_0 = arith.constant 0 : index
    %get3A_1 = arith.constant 0 : index
    %get3A_2 = arith.constant 0 : index
    %get3A_3 = vector.load %arg2[%get3A, %get3A_0, %get3A_1, %get3A_2] : memref<32x1x1x400xf32, #tpu.memory_space<vmem>>, vector<32x1x1x400xf32>
    %reduce_sum3A = arith.constant dense<0.000000e+00> : vector<1x1x400xf32>
    %reduce_sum3A_4 = vector.multi_reduction <add>, %get3A_3, %reduce_sum3A [0] : vector<32x1x1x400xf32> to vector<1x1x400xf32>
    %reshape3A = vector.shape_cast %reduce_sum3A_4 : vector<1x1x400xf32> to vector<400x1xf32>
    %gt3A = arith.constant 0.000000e+00 : f32
    %gt3A_5 = vector.broadcast %gt3A : f32 to vector<400x1xf32>
    %gt3A_6 = arith.cmpf ogt, %reshape3A, %gt3A_5 : vector<400x1xf32>
    %jit3A = arith.constant 1.000000e+00 : f32
    %broadcast_in_dim3A = vector.broadcast %jit3A : f32 to vector<400x1xf32>
    %select_n3A = arith.select %gt3A_6, %reshape3A, %broadcast_in_dim3A : vector<400x1xi1>, vector<400x1xf32>
    %gt3A_7 = arith.constant 0.000000e+00 : f32
    %gt3A_8 = vector.broadcast %gt3A_7 : f32 to vector<400x1xf32>
    %gt3A_9 = arith.cmpf ogt, %reshape3A, %gt3A_8 : vector<400x1xf32>
    %rsqrt3A = math.rsqrt %select_n3A : vector<400x1xf32>
    %jit3A_10 = arith.constant 0.000000e+00 : f32
    %broadcast_in_dim3A_11 = vector.broadcast %jit3A_10 : f32 to vector<400x1xf32>
    %select_n3A_12 = arith.select %gt3A_9, %rsqrt3A, %broadcast_in_dim3A_11 : vector<400x1xi1>, vector<400x1xf32>
    %get3A_13 = arith.constant 0 : index
    %get3A_14 = arith.constant 0 : index
    %get3A_15 = vector.load %arg1[%get3A_13, %get3A_14] : memref<400x128xf32, #tpu.memory_space<vmem>>, vector<400x128xf32>
    %get3A_16 = arith.constant 0 : index
    %get3A_17 = arith.constant 0 : index
    %get3A_18 = vector.load %arg3[%get3A_16, %get3A_17] : memref<128x128xf32, #tpu.memory_space<vmem>>, vector<128x128xf32>
    %dot_general3A = arith.constant dense<0.000000e+00> : vector<400x128xf32>
    %dot_general3A_19 = tpu.matmul %get3A_15, %get3A_18, %dot_general3A {dimension_numbers = #tpu.dot_dimension_numbers<[1], [0], [0], [1], [0, 0, 1, 1], [], []>, transpose_lhs_hint = false} : vector<400x128xf32>, vector<128x128xf32>, vector<400x128xf32> -> vector<400x128xf32>
    %mul3A = vector.broadcast %select_n3A_12 : vector<400x1xf32> to vector<400x128xf32>
    %mul3A_20 = arith.mulf %dot_general3A_19, %mul3A : vector<400x128xf32>
    %swap3A = arith.constant 0 : index
    %swap3A_21 = arith.constant 0 : index
    %swap3A_22 = vector.load %arg4[%swap3A, %swap3A_21] : memref<400x128xf32, #tpu.memory_space<vmem>>, vector<400x128xf32>
    tpu.vector_store %arg4[%swap3A, %swap3A_21], %mul3A_20 {strides = array<i32>} : memref<400x128xf32, #tpu.memory_space<vmem>>, vector<400x128xf32>,
    return
  }
  func.func @transform_0(%arg0: i32) -> (i32, i32) {
    %c0_i32 = arith.constant 0 : i32
    %c0_i32_0 = arith.constant 0 : i32
    return %arg0, %c0_i32 : i32, i32
  }
  func.func @transform_1(%arg0: i32) -> (i32, i32, i32, i32) {
    %c0_i32 = arith.constant 0 : i32
    %c0_i32_0 = arith.constant 0 : i32
    %c0_i32_1 = arith.constant 0 : i32
    %c0_i32_2 = arith.constant 0 : i32
    return %c0_i32, %arg0, %c0_i32_0, %c0_i32_1 : i32, i32, i32, i32
  }
  func.func @transform_2(%arg0: i32) -> (i32, i32) {
    %c0_i32 = arith.constant 0 : i32
    %c0_i32_0 = arith.constant 0 : i32
    %c0_i32_1 = arith.constant 0 : i32
    return %c0_i32, %c0_i32_0 : i32, i32
  }
  func.func @transform_3(%arg0: i32) -> (i32, i32) {
    %c0_i32 = arith.constant 0 : i32
    %c0_i32_0 = arith.constant 0 : i32
    return %arg0, %c0_i32 : i32, i32
  }
}

module attributes {stable_mosaic.version = 14 : i64} {
  func.func @_p4_body(%arg0: i32, %arg1: memref<2x400x128xf32, #tpu.memory_space<vmem>>, %arg2: memref<32x1x1x400xf32, #tpu.memory_space<vmem>>, %arg3: memref<400x128xf32, #tpu.memory_space<vmem>>) attributes {dimension_semantics = [#tpu.dimension_semantics<arbitrary>], iteration_bounds = array<i64: 25>, scalar_prefetch = 0 : i64, scratch_operands = 0 : i64, tpu.core_type = #tpu.core_type<tc>, window_params = [{transform_indices = @transform_0, window_bounds = array<i64: 2, 400, 128>}, {transform_indices = @transform_1, window_bounds = array<i64: 32, 1, 1, 400>}, {transform_indices = @transform_2, window_bounds = array<i64: 400, 128>}]} {
    %get3A = arith.constant 0 : index
    %get3A_0 = arith.constant 0 : index
    %get3A_1 = arith.constant 0 : index
    %get3A_2 = arith.constant 0 : index
    %get3A_3 = vector.load %arg2[%get3A, %get3A_0, %get3A_1, %get3A_2] : memref<32x1x1x400xf32, #tpu.memory_space<vmem>>, vector<32x1x1x400xf32>
    %reduce_sum3A = arith.constant dense<0.000000e+00> : vector<1x1x400xf32>
    %reduce_sum3A_4 = vector.multi_reduction <add>, %get3A_3, %reduce_sum3A [0] : vector<32x1x1x400xf32> to vector<1x1x400xf32>
    %reshape3A = vector.shape_cast %reduce_sum3A_4 : vector<1x1x400xf32> to vector<400x1xf32>
    %gt3A = arith.constant 0.000000e+00 : f32
    %gt3A_5 = vector.broadcast %gt3A : f32 to vector<400x1xf32>
    %gt3A_6 = arith.cmpf ogt, %reshape3A, %gt3A_5 : vector<400x1xf32>
    %jit3A = arith.constant 1.000000e+00 : f32
    %broadcast_in_dim3A = vector.broadcast %jit3A : f32 to vector<400x1xf32>
    %select_n3A = arith.select %gt3A_6, %reshape3A, %broadcast_in_dim3A : vector<400x1xi1>, vector<400x1xf32>
    %gt3A_7 = arith.constant 0.000000e+00 : f32
    %gt3A_8 = vector.broadcast %gt3A_7 : f32 to vector<400x1xf32>
    %gt3A_9 = arith.cmpf ogt, %reshape3A, %gt3A_8 : vector<400x1xf32>
    %rsqrt3A = math.rsqrt %select_n3A : vector<400x1xf32>
    %jit3A_10 = arith.constant 0.000000e+00 : f32
    %broadcast_in_dim3A_11 = vector.broadcast %jit3A_10 : f32 to vector<400x1xf32>
    %select_n3A_12 = arith.select %gt3A_9, %rsqrt3A, %broadcast_in_dim3A_11 : vector<400x1xi1>, vector<400x1xf32>
    %get3A_13 = arith.constant 0 : index
    %get3A_14 = arith.constant 0 : index
    %get3A_15 = arith.constant 0 : index
    %get3A_16 = vector.load %arg1[%get3A_13, %get3A_14, %get3A_15] : memref<2x400x128xf32, #tpu.memory_space<vmem>>, vector<1x400x128xf32>
    %get3A_17 = vector.shape_cast %get3A_16 : vector<1x400x128xf32> to vector<400x128xf32>
    %get3A_18 = arith.constant 1 : index
    %get3A_19 = arith.constant 0 : index
    %get3A_20 = arith.constant 0 : index
    %get3A_21 = vector.load %arg1[%get3A_18, %get3A_19, %get3A_20] : memref<2x400x128xf32, #tpu.memory_space<vmem>>, vector<1x400x128xf32>
    %get3A_22 = vector.shape_cast %get3A_21 : vector<1x400x128xf32> to vector<400x128xf32>
    %add3A = arith.addf %get3A_17, %get3A_22 : vector<400x128xf32>
    %mul3A = vector.broadcast %select_n3A_12 : vector<400x1xf32> to vector<400x128xf32>
    %mul3A_23 = arith.mulf %add3A, %mul3A : vector<400x128xf32>
    %swap3A = arith.constant 0 : index
    %swap3A_24 = arith.constant 0 : index
    %swap3A_25 = vector.load %arg3[%swap3A, %swap3A_24] : memref<400x128xf32, #tpu.memory_space<vmem>>, vector<400x128xf32>
    tpu.vector_store %arg3[%swap3A, %swap3A_24], %mul3A_23 {strides = array<i32>} : memref<400x128xf32, #tpu.memory_space<vmem>>, vector<400x128xf32>,
    return
  }
  func.func @transform_0(%arg0: i32) -> (i32, i32, i32) {
    %c0_i32 = arith.constant 0 : i32
    %c0_i32_0 = arith.constant 0 : i32
    %c0_i32_1 = arith.constant 0 : i32
    return %c0_i32, %arg0, %c0_i32_0 : i32, i32, i32
  }
  func.func @transform_1(%arg0: i32) -> (i32, i32, i32, i32) {
    %c0_i32 = arith.constant 0 : i32
    %c0_i32_0 = arith.constant 0 : i32
    %c0_i32_1 = arith.constant 0 : i32
    %c0_i32_2 = arith.constant 0 : i32
    return %c0_i32, %arg0, %c0_i32_0, %c0_i32_1 : i32, i32, i32, i32
  }
  func.func @transform_2(%arg0: i32) -> (i32, i32) {
    %c0_i32 = arith.constant 0 : i32
    %c0_i32_0 = arith.constant 0 : i32
    return %arg0, %c0_i32 : i32, i32
  }
}

</mosaic_0001>

<sc_bundles>
// kernel: kernel.6.cloned.1.call-start
scs
__scs_entry_jumppad:
0x0: {  	(pc) =	sbr.rel $0x88, $3  }
0x1: {  	(tag) =	ssettag $0x0;
	lr =	simm.s32 $0x1  }
0x2: {  	[smem:$0x3F9E] =	sst lr;
	_ =	strace $0xD0000000  }
0x3: {  	_ = 	snop  }
0x4: {  	_ = 	snop  }
0x5: {  	_ = 	snop  }
0x6: {  	_ = 	snop  }
0x7: {  	_ = 	snop  }
__scs_overlays_trampoline_lowered:
0x8: {  	[smem:$0x3FAD] =	sst s0  }
0x9: {  	[smem:$0x3FAE] =	sst s1  }
0xa: {  	[smem:$0x3FAF] =	sst s2  }
0xb: {  	[smem:$0x3FB0] =	sst s3  }
0xc: {  	[smem:$0x3FB1] =	sst s4  }
0xd: {  	[smem:$0x3FB2] =	sst s5  }
0xe: {  	[smem:$0x3FB3] =	sst s6  }
0xf: {  	[smem:$0x3FB4] =	sst s7  }
0x10: {  	[smem:$0x3FB5] =	sst s8  }
0x11: {  	[smem:$0x3FB6] =	sst s9;
	s0 =	simm.s32 @!p0 $0x0  }
0x12: {  	s1 =	sld [smem:$0x3F9C];
	s0 =	simm.s32 @p0 $0x1  }
0x13: {  	[smem:$0x3FB7] =	sst s0;
	s0 =	simm.s32 @!p1 $0x0  }
0x14: {  	s2 =	sld [smem:$0x3F9B];
	s0 =	simm.s32 @p1 $0x1  }
0x15: {  	[smem:$0x3FB8] =	sst s0;
	s0 =	simm.s32 @!p2 $0x0  }
0x16: {  	s3 =	sld [smem:$0x3FDB];
	s0 =	simm.s32 @p2 $0x1  }
0x17: {  	s4 =	simm.s32 $0x1BF5;
	[smem:$0x3FBA] =	sst s0  }
0x18: {  	s0 =	sld [smem:$0x3F9D];
	_ =	swait.ge [sflag:s4], $0x0  }
0x19: {  	s7 =	sld [smem:$0x3F9E]  }
0x1a: {  	s8 =	sadd.s32 $0xFFFFE003, lr  }
0x1b: {  	s9 =	sadd.s32 $0xFFFFFEF7, lr;
	s5 =	simm.s32 $0xFFFFFFFF;
	p2 =	slt.u32 s8, $0xFFFFF086  }
0x1c: {  	p1 =	slt.u32 s9, $0xF7A;
	s5 =	simm.s32 @!p2 $0x0  }
0x1d: {  	s5 =	simm.s32 @p1 $0x1;
	p0 =	seq.s32 s7, s2  }
0x1e: {  	s7 =	smul.u32 @!p0 $0xF7A, s2;
	p2 =	seq.s32 @!p0 s5, $0x0  }
0x1f: {  	s9 =	smul.u32 $0xF7A, s1;
	s8 =	simm.s32 @!p0 $0x1BF5;
	p2 =	por !p2, p0  }
0x20: {  	[sflag:s8] =	ssyncset.s32 @!p0 $0xFFFFF086;
	s6 =	sadd.s32 @!p0 s3, s7;
	s7 =	simm.s32 @!p0 $0x108  }
0x21: {  	s3 =	sadd.s32 s3, s9;
	s6 =	sadd.s32 @!p0 $0x88, s6;
	s7 =	simm.s32 @p2 $0x1082  }
0x22: {  	[simem:s7], [sflag:s8] =	dma.local @!p0 [hbm:s6], $0xF7A  }
0x23: {  	s9 =	sor.u32 $0xD0000000, s2;
	s6 =	simm.s32 $0x108;
	_ =	swait.ge @!p0 [sflag:s8], $0x0  }
0x24: {  	s3 =	sadd.s32 $0x88, s3;
	s6 =	simm.s32 @!p1 $0x1082;
	[sflag:s4] =	ssyncset.s32 $0xFFFFF086  }
0x25: {  	[simem:s6], [sflag:s4] =	dma.local [hbm:s3], $0xF7A  }
0x26: {  	[smem:$0x3F9E] =	sst s1;
	(tag) =	ssettag s2;
	_ =	strace s9  }
0x27: {  	s1 =	sld [smem:$0x3FAE]  }
0x28: {  	s2 =	sld [smem:$0x3FAF]  }
0x29: {  	s4 =	sld [smem:$0x3FB1]  }
0x2a: {  	p0 =	seq.s32 s5, $0x0;
	s5 =	sld [smem:$0x3FB2]  }
0x2b: {  	s6 =	sld [smem:$0x3FB3]  }
0x2c: {  	s7 =	sld [smem:$0x3FB4]  }
0x2d: {  	s3 =	simm.s32 $0x108;
	s8 =	sld [smem:$0x3FB5]  }
0x2e: {  	s3 =	simm.s32 @!p0 $0x1082;
	s9 =	sld [smem:$0x3FB6]  }
0x2f: {  	lr =	sadd.s32 s0, s3;
	s0 =	sld [smem:$0x3FAD]  }
0x30: {  	s3 =	sld [smem:$0x3FB0]  }
0x31: {  	[smem:$0x3FB9] =	sst s10  }
0x32: {  	s10 =	sld [smem:$0x3FB7];
	_ =	sdelay $0x3  }
0x33: {  	p0 =	seq.s32 s10, $0x1;
	s10 =	sld [smem:$0x3FB9];
	_ =	sdelay $0x3  }
0x34: {  	[smem:$0x3FB9] =	sst s10  }
0x35: {  	s10 =	sld [smem:$0x3FB8];
	_ =	sdelay $0x3  }
0x36: {  	p1 =	seq.s32 s10, $0x1;
	s10 =	sld [smem:$0x3FB9];
	_ =	sdelay $0x3  }
0x37: {  	[smem:$0x3FB9] =	sst s10  }
0x38: {  	s10 =	sld [smem:$0x3FBA]  }
0x39: {  	_ = 	snop;
	(pc) =	sbr.ind lr, $3  }
0x3a: {  	_ = 	snop  }
0x3b: {  	_ = 	snop  }
0x3c: {  	p2 =	seq.s32 s10, $0x1;
	s10 =	sld [smem:$0x3FB9]  }
0x3d: {  	_ =	shalt  }
0x3e: {  	_ =	shalt  }
0x3f: {  	_ =	shalt  }
0x40: {  	_ =	shalt  }
0x41: {  	_ =	shalt  }
0x42: {  	_ =	shalt  }
0x43: {  	_ =	shalt  }
0x44: {  	_ =	shalt  }
0x45: {  	_ =	shalt  }
0x46: {  	_ =	shalt  }
0x47: {  	_ =	shalt  }
0x48: {  	_ =	shalt  }
0x49: {  	_ =	shalt  }
0x4a: {  	_ =	shalt  }
0x4b: {  	_ =	shalt  }
0x4c: {  	_ =	shalt  }
0x4d: {  	_ =	shalt  }
0x4e: {  	_ =	shalt  }
0x4f: {  	_ =	shalt  }
0x50: {  	_ =	shalt  }
0x51: {  	_ =	shalt  }
0x52: {  	_ =	shalt  }
0x53: {  	_ =	shalt  }
0x54: {  	_ =	shalt  }
0x55: {  	_ =	shalt  }
0x56: {  	_ =	shalt  }
0x57: {  	_ =	shalt  }
0x58: {  	_ =	shalt  }
0x59: {  	_ =	shalt  }
0x5a: {  	_ =	shalt  }
0x5b: {  	_ =	shalt  }
0x5c: {  	_ =	shalt  }
0x5d: {  	_ =	shalt  }
0x5e: {  	_ =	shalt  }
0x5f: {  	_ =	shalt  }
0x60: {  	_ =	shalt  }
0x61: {  	_ =	shalt  }
0x62: {  	_ =	shalt  }
0x63: {  	_ =	shalt  }
0x64: {  	_ =	shalt  }
0x65: {  	_ =	shalt  }
0x66: {  	_ =	shalt  }
0x67: {  	_ =	shalt  }
0x68: {  	_ =	shalt  }
0x69: {  	_ =	shalt  }
0x6a: {  	_ =	shalt  }
0x6b: {  	_ =	shalt  }
0x6c: {  	_ =	shalt  }
0x6d: {  	_ =	shalt  }
0x6e: {  	_ =	shalt  }
0x6f: {  	_ =	shalt  }
0x70: {  	_ =	shalt  }
0x71: {  	_ =	shalt  }
0x72: {  	_ =	shalt  }
0x73: {  	_ =	shalt  }
0x74: {  	_ =	shalt  }
0x75: {  	_ =	shalt  }
0x76: {  	_ =	shalt  }
0x77: {  	_ =	shalt  }
0x78: {  	_ =	shalt  }
0x79: {  	_ =	shalt  }
0x7a: {  	_ =	shalt  }
0x7b: {  	_ =	shalt  }
0x7c: {  	_ =	shalt  }
0x7d: {  	_ =	shalt  }
0x7e: {  	_ =	shalt  }
0x7f: {  	_ =	shalt  }
0x80: {  	_ =	shalt  }
0x81: {  	_ =	shalt  }
0x82: {  	_ =	shalt  }
0x83: {  	_ =	shalt  }
0x84: {  	_ =	shalt  }
0x85: {  	_ =	shalt  }
0x86: {  	_ =	shalt  }
0x87: {  	_ =	shalt  }
.Lfunc_end0:
.L_simem_size_0:
called_computation_lowered:
.L_overlay_start_0:
0x88: {  	s2 =	sld [smem:$0x3FD9]  }
0x89: {  	s3 =	sld [smem:$0x3FFE];
	_ =	sdelay $0x1  }
0x8a: {  	s1 =	srdreg.scid  }
0x8b: {  	s0 =	sand.u32 $0x1, s1  }
0x8c: {  	s17 =	sshll.u32 s0, $0xA;
	s2 =	sadd.s32 s3, s2  }
0x8d: {  	s2 =	sadd.s32 s2, s17  }
0x8e: {  	[smem:$0x3FC5] =	sst s2  }
0x8f: {  	_ = 	snop  }
0x90: {  	s2 =	sld [smem:$0x3FD0];
	(tm) =	ssettm $0x1  }
0x91: {  	s18 =	sld [smem:$0x3FFB];
	_ =	sdelay $0x3  }
0x92: {  	_ =	strace s18  }
0x93: {  	s3 =	sld [smem:$0x3FFC];
	_ =	sdelay $0x3  }
0x94: {  	_ =	strace s3  }
0x95: {  	s3 =	sld [smem:$0x3FFD];
	_ =	sdelay $0x3  }
0x96: {  	_ =	strace s3  }
0x97: {  	_ =	strace $0x8FFFFFFF  }
0x98: {  	s19 =	sld [smem:$0x3FDB];
	_ =	sdelay $0x1  }
0x99: {  	s4 =	simm.s32 $_scs_section_size  }
0x9a: {  	s5 =	simm.s32 $_size__tile_overlayer_lowered;
	s6 =	simm.s32 $_tile_overlayer_lowered  }
0x9b: {  	s22 =	simm.s32 $0x1BFF;
	s21 =	sshll.u32 s6, $0x1;
	s3 =	sadd.s32 s4, s19  }
0x9c: {  	s7 =	simm.s32 $0x0;
	s20 =	sshll.u32 s5, $0x1;
	s5 =	sadd.s32 s21, s3  }
0x9d: {  	[timem:s7], [sflag:s22] =	dma.local [hbm:s5], s20  }
0x9e: {  	_ =	swait.ge [sflag:s22], s20  }
0x9f: {  	s4 =	ssub.s32 $0x0, s20;
	[sflag:s22] =	ssyncset.done $0x0  }
0xa0: {  	[sflag:s22] =	ssyncadd.s32 s4;
	_ =	sdelay $0x1  }
0xa1: {  	s23 =	simm.s32 $0x1B8B  }
0xa2: {  	_ =	swait.ge [sflag:s23], $0x1  }
0xa3: {  	[sflag:s23] =	ssyncset.done $0x0  }
0xa4: {  	s25 =	simm.s32 $0x1B8E;
	s24 =	sld [smem:$0x3FFE];
	[sflag:s23] =	ssyncadd.s32 $0xFFFFFFFF  }
0xa5: {  	s26 =	simm.s32 $execute0_lowered;
	[smem:$0x3FD2] =	sst s25  }
0xa6: {  	s5 =	sshll.u32 s26, $0x1;
	_ =	strace $0x80000046;
	[dreg:$0x1] =	wrdreg $0xFFFFFFFF  }
0xa7: {  	s28 =	simm.s32 $_size_execute0_lowered;
	s3 =	sadd.s32 s3, s5;
	[dreg:$0x0] =	wrdreg $0x0  }
0xa8: {  	s5 =	sshll.u32 s28, $0x1;
	[dreg:$0x2] =	wrdreg s3  }
0xa9: {  	[dreg:$0x3] =	wrdreg s5  }
0xaa: {  	[dreg:$0x4] =	wrdreg $0xC0  }
0xab: {  	_ =	task [dreg:s7], $0x5FFFF  }
0xac: {  	[dreg:$0x1] =	wrdreg $0xFFFFFFFF  }
0xad: {  	[dreg:$0x0] =	wrdreg $0x60  }
0xae: {  	[dreg:$0x2] =	wrdreg s2  }
0xaf: {  	[dreg:$0x3] =	wrdreg s24  }
0xb0: {  	[dreg:$0x4] =	wrdreg $0x9  }
0xb1: {  	_ =	task.clear_ibuf [dreg:s7], $0x5FFFF;
	_ =	strace $0x90000046  }
0xb2: {  	s29 =	simm.s32 $0x9;
	_ =	strace $0x80000048  }
0xb3: {  	_ =	swait.ge [sflag:s29], $0x1  }
0xb4: {  	[sflag:s29] =	ssyncadd.s32 $0xFFFFFFFF  }
0xb5: {  	_ =	strace $0x90000048  }
0xb6: {  	_ =	sfence  }
0xb7: {  	s30 =	sld [smem:$0x0];
	_ =	sdelay $0x2  }
0xb8: {  	s31 =	sshll.u32 s1, $0xD;
	s1 =	sshrl.u32 s1, $0x2  }
0xb9: {  	s3 =	sand.u32 $0x4000, s31;
	s1 =	sadd.s32 s1, s30  }
0xba: {  	s0 =	sor.u32 s3, s0;
	s1 =	sshll.u32 s1, $0x11  }
0xbb: {  	s0 =	sor.u32 s1, s0  }
0xbc: {  	s0 =	sadd.s32 $0x8F2B, s0  }
0xbd: {  	[sflag:s0] =	ssyncadd.remote.s32 $0x1  }
0xbe: {  	_ =	sfence.sel $0xFFFF  }
0xbf: {  	[dreg:$0x0] =	wrdreg $0xFFFFFFFF;
	(pc) =	sbr.abs _section_cstart, $3  }
0xc0: {  	[dreg:$0x1] =	wrdreg $0xFFFFFFFF  }
0xc1: {  	_ =	task.clear_ibuf [dreg:s7], $0x2FFFF;
	_ =	strace $0x9FFFFFFF  }
0xc2: {  	(tm) =	ssettm $0x7FFFFFFF  }
0xc3: {  	_ =	shalt  }
tec
execute0_lowered:
.L_overlay_start_1:
0x0: {  	(tag) =	ssettag $0x1  }
0x1: {  	s0 =	srdreg.scid;
	s3 =	rddreg [dreg:$0x0]  }
0x2: {  	s5 =	rddreg [dreg:$0x1];
	s4 =	sand.u32 $0x1, s0  }
0x3: {  	s1 =	stileid.u32;
	s8 =	simm.s32 $0x0;
	s2 =	sshll.u32 s4, $0x4  }
0x4: {  	s4 =	ssub.s32 $0x2, s4;
	s6 =	sor.u32 s1, s2;
	s2 =	simm.s32 $0x0  }
0x5: {  	s7 =	sshrl.u32 s4, $0x1;
	s6 =	smul.u32 $0x4F0, s6;
	[smem:$0x7FF] =	sst s2  }
0x6: {  	s0 =	rddreg [dreg:$0x2];
	s7 =	ssub.s32 s4, s7;
	_ =	strace $0x80000047  }
0x7: {  	s5 =	sadd.s32 s6, s5;
	s3 =	sadd.s32 s3, s6;
	s6 =	simm.s32 $0x1  }
0x8: {  	v0 =	vimm.f32 $0.0e+00;
	v1 =	vimm.f32 $1.000000000e+00;
	s4 =	sadd.s32 $0x800, s5;
	s5 =	smax.u32 s7, $0x1;
	s7 =	simm.s32 $0x2780  }
.LBB2_1:
0x9: {  	[tilespmem:s2], [sflag:$0x1] =	stream.linear.gather [hbm4b:s3+s2], $0x2780, $0x38;
	[tilespmem:$0x4F00] =	vst v63  }
0xa: {  	_ =	swait.ge [sflag:s6], $0x2780  }
0xb: {  	[sflag:s6] =	ssyncset.done $0x0  }
0xc: {  	s9 =	simm.s32 $0x0;
	[sflag:s6] =	ssyncadd.s32 $0xFFFFD880  }
.LBB2_2:
0xd: {  	p0 =	sne.s32 s9, $0x9C00  }
.Ltmp0:
0xe: {  	_ = 	snop;
	(pc) =	sbr.rel @p0 .LBB2_2-.Ltmp0, $3  }
0xf: {  	_ =	sdelay $0x1  }
0x10: {  	s10 =	sshra.s32 s9, $0x2  }
0x11: {  	s9 =	sadd.s32 $0x40, s9;
	[tilespmem:s10+$0x2780] =	vst v0  }
0x12: {  	s10 =	simm.s32 $0x0;
	s9 =	simm.s32 $0x40  }
.LBB2_4:
0x13: {  	p0 =	sne.s32 s9, $0x9C00;
	v2 =	vld [tilespmem:s10+$0x0];
	_ =	sdelay $0x3  }
.Ltmp1:
0x14: {  	(pc) =	sbr.rel @p0 .LBB2_4-.Ltmp1, $2  }
0x15: {  	_ =	sdelay $0x2  }
0x16: {  	s10 =	sshra.s32 s9, $0x2;
	s9 =	sadd.s32 $0x40, s9;
	[tilespmem:v2+s7+$0x0] =	vst.idx.add.f32.msk $0xffff, v1  }
0x17: {  	v2 =	vld [tilespmem:s10+$0x0];
	_ =	sdelay $0x5  }
0x18: {  	s8 =	sadd.s32 $0x1, s8  }
0x19: {  	p0 =	sne.s32 s8, s5  }
.Ltmp2:
0x1a: {  	[tilespmem:v2+s7+$0x0] =	vst.idx.add.f32.msk $0xffff, v1;
	(pc) =	sbr.rel @p0 .LBB2_1-.Ltmp2, $4  }
0x1b: {  	[hbm4b:s4+s2] =	stream.linear.scatter [tilespmem:s7], [sflag:$0x1], $0x2780, $0x38;
	[tilespmem:$0x4F00] =	vst v63  }
0x1c: {  	_ =	swait.ge [sflag:s6], $0x2780  }
0x1d: {  	[sflag:s6] =	ssyncset.done $0x0  }
0x1e: {  	[sflag:s6] =	ssyncadd.s32 $0xFFFFD880  }
0x1f: {  	_ =	sfence.sel $0x180000  }
0x20: {  	[bflag:$0x0] =	sbarrier.arrive $0xFFFF  }
0x21: {  	p0 =	sne.s32 s1, $0x0;
	_ =	strace $0x90000047  }
0x22: {  	s0 =	sadd.s32 @!p0 $0x100000, s0;
	[bflag:$0x2] =	sbarrier.arrive $0xFFFF  }
0x23: {  	[sflag:s0] =	ssyncadd.tile.s32 @!p0 $0x1;
	_ =	shalt  }
.Lfunc_end2:
_tile_overlayer_lowered:
.L_overlay_start_2:
0x24: {  	(tag) =	ssettag $0x2  }
0x25: {  	s0 =	rddreg [dreg:$0x0];
	s2 =	stileid.u32  }
0x26: {  	s1 =	rddreg [dreg:$0x1];
	p0 =	sne.s32 s2, $0x0  }
0x27: {  	s3 =	rddreg [dreg:$0x2];
	[bflag:$0x3] =	sbarrier.arrive $0xFFFF;
	s2 =	simm.s32 @!p0 $0x1C01  }
0x28: {  	[timem:s3], [sflag:s2] =	dma.local @!p0 [hbm:s0], s1  }
0x29: {  	s0 =	simm.s32 @!p0 $0x1  }
0x2a: {  	_ =	swait.ge @!p0 [sflag:s0], s1  }
0x2b: {  	s1 =	ssub.s32 @!p0 $0x0, s1;
	[sflag:s0] =	ssyncset.done @!p0 $0x0  }
0x2c: {  	[sflag:s0] =	ssyncadd.s32 @!p0 s1  }
0x2d: {  	[bflag:$0x3] =	sbarrier.arrive $0xFFFF  }
0x2e: {  	_ =	shalt  }

// kernel: kernel.9.cloned.1.call-start
scs
__scs_entry_jumppad:
0x0: {  	(pc) =	sbr.rel $0x88, $3  }
0x1: {  	(tag) =	ssettag $0x0;
	lr =	simm.s32 $0x1  }
0x2: {  	[smem:$0x3F9E] =	sst lr;
	_ =	strace $0xD0000000  }
0x3: {  	_ = 	snop  }
0x4: {  	_ = 	snop  }
0x5: {  	_ = 	snop  }
0x6: {  	_ = 	snop  }
0x7: {  	_ = 	snop  }
__scs_overlays_trampoline_lowered:
0x8: {  	[smem:$0x3FAD] =	sst s0  }
0x9: {  	[smem:$0x3FAE] =	sst s1  }
0xa: {  	[smem:$0x3FAF] =	sst s2  }
0xb: {  	[smem:$0x3FB0] =	sst s3  }
0xc: {  	[smem:$0x3FB1] =	sst s4  }
0xd: {  	[smem:$0x3FB2] =	sst s5  }
0xe: {  	[smem:$0x3FB3] =	sst s6  }
0xf: {  	[smem:$0x3FB4] =	sst s7  }
0x10: {  	[smem:$0x3FB5] =	sst s8  }
0x11: {  	[smem:$0x3FB6] =	sst s9;
	s0 =	simm.s32 @!p0 $0x0  }
0x12: {  	s1 =	sld [smem:$0x3F9C];
	s0 =	simm.s32 @p0 $0x1  }
0x13: {  	[smem:$0x3FB7] =	sst s0;
	s0 =	simm.s32 @!p1 $0x0  }
0x14: {  	s2 =	sld [smem:$0x3F9B];
	s0 =	simm.s32 @p1 $0x1  }
0x15: {  	[smem:$0x3FB8] =	sst s0;
	s0 =	simm.s32 @!p2 $0x0  }
0x16: {  	s3 =	sld [smem:$0x3FDB];
	s0 =	simm.s32 @p2 $0x1  }
0x17: {  	s4 =	simm.s32 $0x1BF5;
	[smem:$0x3FBA] =	sst s0  }
0x18: {  	s0 =	sld [smem:$0x3F9D];
	_ =	swait.ge [sflag:s4], $0x0  }
0x19: {  	s7 =	sld [smem:$0x3F9E]  }
0x1a: {  	s8 =	sadd.s32 $0xFFFFE003, lr  }
0x1b: {  	s9 =	sadd.s32 $0xFFFFFEF7, lr;
	s5 =	simm.s32 $0xFFFFFFFF;
	p2 =	slt.u32 s8, $0xFFFFF086  }
0x1c: {  	p1 =	slt.u32 s9, $0xF7A;
	s5 =	simm.s32 @!p2 $0x0  }
0x1d: {  	s5 =	simm.s32 @p1 $0x1;
	p0 =	seq.s32 s7, s2  }
0x1e: {  	s7 =	smul.u32 @!p0 $0xF7A, s2;
	p2 =	seq.s32 @!p0 s5, $0x0  }
0x1f: {  	s9 =	smul.u32 $0xF7A, s1;
	s8 =	simm.s32 @!p0 $0x1BF5;
	p2 =	por !p2, p0  }
0x20: {  	[sflag:s8] =	ssyncset.s32 @!p0 $0xFFFFF086;
	s6 =	sadd.s32 @!p0 s3, s7;
	s7 =	simm.s32 @!p0 $0x108  }
0x21: {  	s3 =	sadd.s32 s3, s9;
	s6 =	sadd.s32 @!p0 $0x88, s6;
	s7 =	simm.s32 @p2 $0x1082  }
0x22: {  	[simem:s7], [sflag:s8] =	dma.local @!p0 [hbm:s6], $0xF7A  }
0x23: {  	s9 =	sor.u32 $0xD0000000, s2;
	s6 =	simm.s32 $0x108;
	_ =	swait.ge @!p0 [sflag:s8], $0x0  }
0x24: {  	s3 =	sadd.s32 $0x88, s3;
	s6 =	simm.s32 @!p1 $0x1082;
	[sflag:s4] =	ssyncset.s32 $0xFFFFF086  }
0x25: {  	[simem:s6], [sflag:s4] =	dma.local [hbm:s3], $0xF7A  }
0x26: {  	[smem:$0x3F9E] =	sst s1;
	(tag) =	ssettag s2;
	_ =	strace s9  }
0x27: {  	s1 =	sld [smem:$0x3FAE]  }
0x28: {  	s2 =	sld [smem:$0x3FAF]  }
0x29: {  	s4 =	sld [smem:$0x3FB1]  }
0x2a: {  	p0 =	seq.s32 s5, $0x0;
	s5 =	sld [smem:$0x3FB2]  }
0x2b: {  	s6 =	sld [smem:$0x3FB3]  }
0x2c: {  	s7 =	sld [smem:$0x3FB4]  }
0x2d: {  	s3 =	simm.s32 $0x108;
	s8 =	sld [smem:$0x3FB5]  }
0x2e: {  	s3 =	simm.s32 @!p0 $0x1082;
	s9 =	sld [smem:$0x3FB6]  }
0x2f: {  	lr =	sadd.s32 s0, s3;
	s0 =	sld [smem:$0x3FAD]  }
0x30: {  	s3 =	sld [smem:$0x3FB0]  }
0x31: {  	[smem:$0x3FB9] =	sst s10  }
0x32: {  	s10 =	sld [smem:$0x3FB7];
	_ =	sdelay $0x3  }
0x33: {  	p0 =	seq.s32 s10, $0x1;
	s10 =	sld [smem:$0x3FB9];
	_ =	sdelay $0x3  }
0x34: {  	[smem:$0x3FB9] =	sst s10  }
0x35: {  	s10 =	sld [smem:$0x3FB8];
	_ =	sdelay $0x3  }
0x36: {  	p1 =	seq.s32 s10, $0x1;
	s10 =	sld [smem:$0x3FB9];
	_ =	sdelay $0x3  }
0x37: {  	[smem:$0x3FB9] =	sst s10  }
0x38: {  	s10 =	sld [smem:$0x3FBA]  }
0x39: {  	_ = 	snop;
	(pc) =	sbr.ind lr, $3  }
0x3a: {  	_ = 	snop  }
0x3b: {  	_ = 	snop  }
0x3c: {  	p2 =	seq.s32 s10, $0x1;
	s10 =	sld [smem:$0x3FB9]  }
0x3d: {  	_ =	shalt  }
0x3e: {  	_ =	shalt  }
0x3f: {  	_ =	shalt  }
0x40: {  	_ =	shalt  }
0x41: {  	_ =	shalt  }
0x42: {  	_ =	shalt  }
0x43: {  	_ =	shalt  }
0x44: {  	_ =	shalt  }
0x45: {  	_ =	shalt  }
0x46: {  	_ =	shalt  }
0x47: {  	_ =	shalt  }
0x48: {  	_ =	shalt  }
0x49: {  	_ =	shalt  }
0x4a: {  	_ =	shalt  }
0x4b: {  	_ =	shalt  }
0x4c: {  	_ =	shalt  }
0x4d: {  	_ =	shalt  }
0x4e: {  	_ =	shalt  }
0x4f: {  	_ =	shalt  }
0x50: {  	_ =	shalt  }
0x51: {  	_ =	shalt  }
0x52: {  	_ =	shalt  }
0x53: {  	_ =	shalt  }
0x54: {  	_ =	shalt  }
0x55: {  	_ =	shalt  }
0x56: {  	_ =	shalt  }
0x57: {  	_ =	shalt  }
0x58: {  	_ =	shalt  }
0x59: {  	_ =	shalt  }
0x5a: {  	_ =	shalt  }
0x5b: {  	_ =	shalt  }
0x5c: {  	_ =	shalt  }
0x5d: {  	_ =	shalt  }
0x5e: {  	_ =	shalt  }
0x5f: {  	_ =	shalt  }
0x60: {  	_ =	shalt  }
0x61: {  	_ =	shalt  }
0x62: {  	_ =	shalt  }
0x63: {  	_ =	shalt  }
0x64: {  	_ =	shalt  }
0x65: {  	_ =	shalt  }
0x66: {  	_ =	shalt  }
0x67: {  	_ =	shalt  }
0x68: {  	_ =	shalt  }
0x69: {  	_ =	shalt  }
0x6a: {  	_ =	shalt  }
0x6b: {  	_ =	shalt  }
0x6c: {  	_ =	shalt  }
0x6d: {  	_ =	shalt  }
0x6e: {  	_ =	shalt  }
0x6f: {  	_ =	shalt  }
0x70: {  	_ =	shalt  }
0x71: {  	_ =	shalt  }
0x72: {  	_ =	shalt  }
0x73: {  	_ =	shalt  }
0x74: {  	_ =	shalt  }
0x75: {  	_ =	shalt  }
0x76: {  	_ =	shalt  }
0x77: {  	_ =	shalt  }
0x78: {  	_ =	shalt  }
0x79: {  	_ =	shalt  }
0x7a: {  	_ =	shalt  }
0x7b: {  	_ =	shalt  }
0x7c: {  	_ =	shalt  }
0x7d: {  	_ =	shalt  }
0x7e: {  	_ =	shalt  }
0x7f: {  	_ =	shalt  }
0x80: {  	_ =	shalt  }
0x81: {  	_ =	shalt  }
0x82: {  	_ =	shalt  }
0x83: {  	_ =	shalt  }
0x84: {  	_ =	shalt  }
0x85: {  	_ =	shalt  }
0x86: {  	_ =	shalt  }
0x87: {  	_ =	shalt  }
.Lfunc_end0:
.L_simem_size_0:
called_computation.1_lowered:
.L_overlay_start_0:
0x88: {  	s2 =	sld [smem:$0x3FD9]  }
0x89: {  	s3 =	sld [smem:$0x3FFE];
	_ =	sdelay $0x1  }
0x8a: {  	s1 =	srdreg.scid  }
0x8b: {  	s0 =	sand.u32 $0x1, s1  }
0x8c: {  	s17 =	sshll.u32 s0, $0xA;
	s2 =	sadd.s32 s3, s2  }
0x8d: {  	s2 =	sadd.s32 s2, s17  }
0x8e: {  	[smem:$0x3FC5] =	sst s2  }
0x8f: {  	_ = 	snop  }
0x90: {  	s2 =	sld [smem:$0x3FD0];
	(tm) =	ssettm $0x1  }
0x91: {  	s18 =	sld [smem:$0x3FFB];
	_ =	sdelay $0x3  }
0x92: {  	_ =	strace s18  }
0x93: {  	s3 =	sld [smem:$0x3FFC];
	_ =	sdelay $0x3  }
0x94: {  	_ =	strace s3  }
0x95: {  	s3 =	sld [smem:$0x3FFD];
	_ =	sdelay $0x3  }
0x96: {  	_ =	strace s3  }
0x97: {  	_ =	strace $0x8FFFFFFF  }
0x98: {  	s19 =	sld [smem:$0x3FDB];
	_ =	sdelay $0x1  }
0x99: {  	s4 =	simm.s32 $_scs_section_size  }
0x9a: {  	s5 =	simm.s32 $_size__tile_overlayer_lowered;
	s6 =	simm.s32 $_tile_overlayer_lowered  }
0x9b: {  	s22 =	simm.s32 $0x1BFF;
	s21 =	sshll.u32 s6, $0x1;
	s3 =	sadd.s32 s4, s19  }
0x9c: {  	s7 =	simm.s32 $0x0;
	s20 =	sshll.u32 s5, $0x1;
	s5 =	sadd.s32 s21, s3  }
0x9d: {  	[timem:s7], [sflag:s22] =	dma.local [hbm:s5], s20  }
0x9e: {  	_ =	swait.ge [sflag:s22], s20  }
0x9f: {  	s4 =	ssub.s32 $0x0, s20;
	[sflag:s22] =	ssyncset.done $0x0  }
0xa0: {  	[sflag:s22] =	ssyncadd.s32 s4;
	_ =	sdelay $0x1  }
0xa1: {  	s23 =	simm.s32 $0x1B8B  }
0xa2: {  	_ =	swait.ge [sflag:s23], $0x1  }
0xa3: {  	[sflag:s23] =	ssyncset.done $0x0  }
0xa4: {  	s25 =	simm.s32 $0x1B8E;
	s24 =	sld [smem:$0x3FFE];
	[sflag:s23] =	ssyncadd.s32 $0xFFFFFFFF  }
0xa5: {  	s26 =	simm.s32 $execute0_lowered;
	[smem:$0x3FD2] =	sst s25  }
0xa6: {  	s5 =	sshll.u32 s26, $0x1;
	_ =	strace $0x80000049;
	[dreg:$0x1] =	wrdreg $0xFFFFFFFF  }
0xa7: {  	s28 =	simm.s32 $_size_execute0_lowered;
	s3 =	sadd.s32 s3, s5;
	[dreg:$0x0] =	wrdreg $0x0  }
0xa8: {  	s5 =	sshll.u32 s28, $0x1;
	[dreg:$0x2] =	wrdreg s3  }
0xa9: {  	[dreg:$0x3] =	wrdreg s5  }
0xaa: {  	[dreg:$0x4] =	wrdreg $0xC0  }
0xab: {  	_ =	task [dreg:s7], $0x5FFFF  }
0xac: {  	[dreg:$0x1] =	wrdreg $0xFFFFFFFF  }
0xad: {  	[dreg:$0x0] =	wrdreg $0x60  }
0xae: {  	[dreg:$0x2] =	wrdreg s2  }
0xaf: {  	[dreg:$0x3] =	wrdreg s24  }
0xb0: {  	[dreg:$0x4] =	wrdreg $0x98000  }
0xb1: {  	[dreg:$0x5] =	wrdreg $0x9  }
0xb2: {  	_ =	task.clear_ibuf [dreg:s7], $0x6FFFF;
	_ =	strace $0x90000049  }
0xb3: {  	s29 =	simm.s32 $0x9;
	_ =	strace $0x8000004B  }
0xb4: {  	_ =	swait.ge [sflag:s29], $0x1  }
0xb5: {  	[sflag:s29] =	ssyncadd.s32 $0xFFFFFFFF  }
0xb6: {  	_ =	strace $0x9000004B  }
0xb7: {  	_ =	sfence  }
0xb8: {  	s30 =	sld [smem:$0x0];
	_ =	sdelay $0x2  }
0xb9: {  	s31 =	sshll.u32 s1, $0xD;
	s1 =	sshrl.u32 s1, $0x2  }
0xba: {  	s3 =	sand.u32 $0x4000, s31;
	s1 =	sadd.s32 s1, s30  }
0xbb: {  	s0 =	sor.u32 s3, s0;
	s1 =	sshll.u32 s1, $0x11  }
0xbc: {  	s0 =	sor.u32 s1, s0  }
0xbd: {  	s0 =	sadd.s32 $0x8F2B, s0  }
0xbe: {  	[sflag:s0] =	ssyncadd.remote.s32 $0x1  }
0xbf: {  	_ =	sfence.sel $0xFFFF  }
0xc0: {  	[dreg:$0x0] =	wrdreg $0xFFFFFFFF;
	(pc) =	sbr.abs _section_cstart, $3  }
0xc1: {  	[dreg:$0x1] =	wrdreg $0xFFFFFFFF  }
0xc2: {  	_ =	task.clear_ibuf [dreg:s7], $0x2FFFF;
	_ =	strace $0x9FFFFFFF  }
0xc3: {  	(tm) =	ssettm $0x7FFFFFFF  }
tec
execute0_lowered:
.L_overlay_start_1:
0x0: {  	(tag) =	ssettag $0x1  }
0x1: {  	s1 =	rddreg [dreg:$0x0]  }
0x2: {  	s0 =	rddreg [dreg:$0x1]  }
0x3: {  	s3 =	rddreg [dreg:$0x2]  }
0x4: {  	s2 =	srdreg.scid;
	s12 =	stileid.u32;
	s4 =	simm.s32 $0x0  }
0x5: {  	s15 =	simm.s32 $0x9000;
	s16 =	simm.s32 $0x9;
	s17 =	simm.s32 $0x800  }
0x6: {  	s18 =	simm.s32 $0x7D;
	s19 =	simm.s32 $0x1000;
	s20 =	simm.s32 $0x1  }
0x7: {  	s28 =	simm.s32 $0x4;
	s14 =	simm.s32 $0x700;
	s7 =	smul.u32 $0x14000, s12  }
0x8: {  	s29 =	simm.s32 $0x8;
	s2 =	sand.u32 $0x1, s2;
	s9 =	smul.u32 $0x50000, s12  }
0x9: {  	[smem:$0x7FF] =	sst s4;
	s6 =	smul.u32 $0x140000, s2;
	s5 =	sshll.u32 s2, $0x4  }
0xa: {  	_ =	strace $0x8000004A;
	s21 =	ssub.s32 $0x2, s2;
	s2 =	smul.u32 $0x28000, s2  }
0xb: {  	s8 =	sor.u32 s12, s5;
	s5 =	sadd.s32 $0x14600, s0;
	s11 =	sshrl.u32 s21, $0x1  }
0xc: {  	s12 =	smul.u32 $0x2800, s12;
	s23 =	sshrl.u32 s9, $0x2;
	s9 =	simm.s32 $0xD80  }
0xd: {  	s8 =	smul.u32 $0x2800, s8;
	s6 =	sadd.s32 s7, s6;
	s22 =	ssub.s32 s21, s11  }
0xe: {  	s7 =	sadd.s32 s23, s3;
	s23 =	simm.s32 $0x2;
	s11 =	simm.s32 $0xE00  }
0xf: {  	s21 =	simm.s32 $0xE80;
	s10 =	sshrl.u32 s6, $0x3;
	s6 =	sadd.s32 $0xA600, s0  }
0x10: {  	s2 =	sadd.s32 s12, s2;
	s30 =	smax.u32 s22, $0x1;
	s22 =	simm.s32 $0x5000  }
0x11: {  	s0 =	sadd.s32 s10, s0;
	s8 =	sshrl.u32 s8, $0x3;
	s25 =	sor.u32 $0x400, s2  }
0x12: {  	[dreg:$0x7] =	wrdreg s30;
	s31 =	sadd.s32 $0x800, s2;
	s10 =	simm.s32 $0x680  }
.Ltmp0:
0x13: {  	s24 =	sadd.s32 s5, s8;
	[dreg:$0x8] =	wrdreg s31;
	(pc) =	sbr.rel .LBB2_1-.Ltmp0, $4  }
0x14: {  	s2 =	simm.s32 $0x0;
	s8 =	sadd.s32 s6, s8;
	[dreg:$0x4] =	wrdreg s24  }
0x15: {  	s0 =	sadd.s32 $0x1E600, s0;
	s26 =	sshrl.u32 s25, $0x3;
	[dreg:$0x5] =	wrdreg s8  }
0x16: {  	s25 =	simm.s32 $0xF80;
	[dreg:$0x6] =	wrdreg s0;
	s12 =	sadd.s32 s26, s6  }
0x17: {  	v0 =	vimm.f32 $0.0e+00;
	s13 =	sadd.s32 s26, s5;
	s24 =	simm.s32 $0x3;
	s26 =	simm.s32 $0x6  }
.LBB2_10:
0x18: {  	_ =	swait.ge [sflag:s28], $0x3E80  }
0x19: {  	[sflag:s28] =	ssyncset.done $0x0  }
0x1a: {  	s0 =	stileid.u32;
	[sflag:s28] =	ssyncadd.s32 $0xFFFFC180  }
0x1b: {  	s0 =	sshll.u32 s0, $0x6;
	[bflag:$0x0] =	sbarrier.arrive $0xFFFF  }
0x1c: {  	s2 =	sshrl.u32 s7, $0x3;
	s0 =	sor.u32 $0x1C09, s0;
	s8 =	rddreg [dreg:$0x6]  }
0x1d: {  	[hbm:s8], [sflag:s0] =	dma.local [spmem:s2], $0x2800  }
0x1e: {  	_ =	swait.ge [sflag:s16], $0x2800  }
0x1f: {  	s30 =	rddreg [dreg:$0x9]  }
0x20: {  	s31 =	rddreg [dreg:$0x7];
	s2 =	sadd.s32 $0x1, s30  }
0x21: {  	p0 =	sne.s32 s2, s31  }
.Ltmp1:
0x22: {  	_ = 	snop;
	(pc) =	sbr.rel @!p0 .LBB2_11-.Ltmp1, $3  }
0x23: {  	_ =	sdelay $0x1  }
0x24: {  	[sflag:s16] =	ssyncset.done $0x0  }
0x25: {  	[sflag:s16] =	ssyncadd.s32 $0xFFFFD800  }
.LBB2_1:
0x26: {  	[tilespmem:$0x9000] =	vst v0  }
0x27: {  	[tilespmem:$0x9010] =	vst v0  }
0x28: {  	[tilespmem:$0x9020] =	vst v0  }
0x29: {  	[tilespmem:$0x9030] =	vst v0  }
0x2a: {  	[tilespmem:$0x9040] =	vst v0  }
0x2b: {  	[tilespmem:$0x9050] =	vst v0  }
0x2c: {  	[tilespmem:$0x9060] =	vst v0  }
0x2d: {  	[tilespmem:$0x9070] =	vst v0  }
0x2e: {  	[tilespmem:$0x9080] =	vst v0  }
0x2f: {  	[tilespmem:$0x9090] =	vst v0  }
0x30: {  	[tilespmem:$0x90A0] =	vst v0  }
0x31: {  	[tilespmem:$0x90B0] =	vst v0  }
0x32: {  	[tilespmem:$0x90C0] =	vst v0  }
0x33: {  	[tilespmem:$0x90D0] =	vst v0  }
0x34: {  	[tilespmem:$0x90E0] =	vst v0  }
0x35: {  	[tilespmem:$0x90F0] =	vst v0  }
0x36: {  	[tilespmem:$0x9100] =	vst v0  }
0x37: {  	[tilespmem:$0x9110] =	vst v0  }
0x38: {  	[tilespmem:$0x9120] =	vst v0  }
0x39: {  	[tilespmem:$0x9130] =	vst v0  }
0x3a: {  	[tilespmem:$0x9140] =	vst v0  }
0x3b: {  	[tilespmem:$0x9150] =	vst v0  }
0x3c: {  	[tilespmem:$0x9160] =	vst v0  }
0x3d: {  	[tilespmem:$0x9170] =	vst v0  }
0x3e: {  	[tilespmem:$0x9180] =	vst v0  }
0x3f: {  	[tilespmem:$0x9190] =	vst v0  }
0x40: {  	[tilespmem:$0x91A0] =	vst v0  }
0x41: {  	[tilespmem:$0x91B0] =	vst v0  }
0x42: {  	[tilespmem:$0x91C0] =	vst v0  }
0x43: {  	[tilespmem:$0x91D0] =	vst v0  }
0x44: {  	[tilespmem:$0x91E0] =	vst v0  }
0x45: {  	[tilespmem:$0x91F0] =	vst v0  }
0x46: {  	[tilespmem:$0x9200] =	vst v0  }
0x47: {  	[tilespmem:$0x9210] =	vst v0  }
0x48: {  	[tilespmem:$0x9220] =	vst v0  }
0x49: {  	[tilespmem:$0x9230] =	vst v0  }
0x4a: {  	[tilespmem:$0x9240] =	vst v0  }
0x4b: {  	[tilespmem:$0x9250] =	vst v0  }
0x4c: {  	[tilespmem:$0x9260] =	vst v0  }
0x4d: {  	[tilespmem:$0x9270] =	vst v0  }
0x4e: {  	[tilespmem:$0x9280] =	vst v0  }
0x4f: {  	[tilespmem:$0x9290] =	vst v0  }
0x50: {  	[tilespmem:$0x92A0] =	vst v0  }
0x51: {  	[tilespmem:$0x92B0] =	vst v0  }
0x52: {  	[tilespmem:$0x92C0] =	vst v0  }
0x53: {  	[tilespmem:$0x92D0] =	vst v0  }
0x54: {  	[tilespmem:$0x92E0] =	vst v0  }
0x55: {  	[tilespmem:$0x92F0] =	vst v0  }
0x56: {  	[tilespmem:$0x9300] =	vst v0  }
0x57: {  	[tilespmem:$0x9310] =	vst v0  }
0x58: {  	[tilespmem:$0x9320] =	vst v0  }
0x59: {  	[tilespmem:$0x9330] =	vst v0  }
0x5a: {  	[tilespmem:$0x9340] =	vst v0  }
0x5b: {  	[tilespmem:$0x9350] =	vst v0  }
0x5c: {  	[tilespmem:$0x9360] =	vst v0  }
0x5d: {  	[tilespmem:$0x9370] =	vst v0  }
0x5e: {  	[tilespmem:$0x9380] =	vst v0  }
0x5f: {  	[tilespmem:$0x9390] =	vst v0  }
0x60: {  	[tilespmem:$0x93A0] =	vst v0  }
0x61: {  	[tilespmem:$0x93B0] =	vst v0  }
0x62: {  	[tilespmem:$0x93C0] =	vst v0  }
0x63: {  	[tilespmem:$0x93D0] =	vst v0  }
0x64: {  	[tilespmem:$0x93E0] =	vst v0  }
0x65: {  	[tilespmem:$0x93F0] =	vst v0  }
0x66: {  	[tilespmem:$0x9400] =	vst v0  }
0x67: {  	[tilespmem:$0x9410] =	vst v0  }
0x68: {  	[tilespmem:$0x9420] =	vst v0  }
0x69: {  	[tilespmem:$0x9430] =	vst v0  }
0x6a: {  	[tilespmem:$0x9440] =	vst v0  }
0x6b: {  	[tilespmem:$0x9450] =	vst v0  }
0x6c: {  	[tilespmem:$0x9460] =	vst v0  }
0x6d: {  	[tilespmem:$0x9470] =	vst v0  }
0x6e: {  	[tilespmem:$0x9480] =	vst v0  }
0x6f: {  	[tilespmem:$0x9490] =	vst v0  }
0x70: {  	[tilespmem:$0x94A0] =	vst v0  }
0x71: {  	[tilespmem:$0x94B0] =	vst v0  }
0x72: {  	[tilespmem:$0x94C0] =	vst v0  }
0x73: {  	[tilespmem:$0x94D0] =	vst v0  }
0x74: {  	[tilespmem:$0x94E0] =	vst v0  }
0x75: {  	[tilespmem:$0x94F0] =	vst v0  }
0x76: {  	[tilespmem:$0x9500] =	vst v0  }
0x77: {  	[tilespmem:$0x9510] =	vst v0  }
0x78: {  	[tilespmem:$0x9520] =	vst v0  }
0x79: {  	[tilespmem:$0x9530] =	vst v0  }
0x7a: {  	[tilespmem:$0x9540] =	vst v0  }
0x7b: {  	[tilespmem:$0x9550] =	vst v0  }
0x7c: {  	[tilespmem:$0x9560] =	vst v0  }
0x7d: {  	[tilespmem:$0x9570] =	vst v0  }
0x7e: {  	[tilespmem:$0x9580] =	vst v0  }
0x7f: {  	[tilespmem:$0x9590] =	vst v0  }
0x80: {  	[tilespmem:$0x95A0] =	vst v0  }
0x81: {  	[tilespmem:$0x95B0] =	vst v0  }
0x82: {  	[tilespmem:$0x95C0] =	vst v0  }
0x83: {  	[tilespmem:$0x95D0] =	vst v0  }
0x84: {  	[tilespmem:$0x95E0] =	vst v0  }
0x85: {  	[tilespmem:$0x95F0] =	vst v0  }
0x86: {  	[tilespmem:$0x9600] =	vst v0  }
0x87: {  	[tilespmem:$0x9610] =	vst v0  }
0x88: {  	[tilespmem:$0x9620] =	vst v0  }
0x89: {  	[tilespmem:$0x9630] =	vst v0  }
0x8a: {  	[tilespmem:$0x9640] =	vst v0  }
0x8b: {  	[tilespmem:$0x9650] =	vst v0  }
0x8c: {  	[tilespmem:$0x9660] =	vst v0  }
0x8d: {  	[tilespmem:$0x9670] =	vst v0  }
0x8e: {  	[tilespmem:$0x9680] =	vst v0  }
0x8f: {  	[tilespmem:$0x9690] =	vst v0  }
0x90: {  	[tilespmem:$0x96A0] =	vst v0  }
0x91: {  	[tilespmem:$0x96B0] =	vst v0  }
0x92: {  	[tilespmem:$0x96C0] =	vst v0  }
0x93: {  	[tilespmem:$0x96D0] =	vst v0  }
0x94: {  	[tilespmem:$0x96E0] =	vst v0  }
0x95: {  	[tilespmem:$0x96F0] =	vst v0  }
0x96: {  	[tilespmem:$0x9700] =	vst v0  }
0x97: {  	[tilespmem:$0x9710] =	vst v0  }
0x98: {  	[tilespmem:$0x9720] =	vst v0  }
0x99: {  	[tilespmem:$0x9730] =	vst v0  }
0x9a: {  	[tilespmem:$0x9740] =	vst v0  }
0x9b: {  	[tilespmem:$0x9750] =	vst v0  }
0x9c: {  	[tilespmem:$0x9760] =	vst v0  }
0x9d: {  	[tilespmem:$0x9770] =	vst v0  }
0x9e: {  	[tilespmem:$0x9780] =	vst v0  }
0x9f: {  	[tilespmem:$0x9790] =	vst v0  }
0xa0: {  	[tilespmem:$0x97A0] =	vst v0  }
0xa1: {  	[tilespmem:$0x97B0] =	vst v0  }
0xa2: {  	[tilespmem:$0x97C0] =	vst v0  }
0xa3: {  	[tilespmem:$0x97D0] =	vst v0  }
0xa4: {  	[tilespmem:$0x97E0] =	vst v0  }
0xa5: {  	[tilespmem:$0x97F0] =	vst v0;
	s30 =	sadd.s32 $0x0, s7  }
0xa6: {  	[spmem:s30] =	stream.linear.scatter [tilespmem:s15], [sflag:$0x9], $0x800, $0x38;
	[tilespmem:$0x1D800] =	vst v63  }
0xa7: {  	s30 =	simm.s32 $0x2000;
	_ =	swait.ge [sflag:s16], $0x800  }
.LBB2_2:
0xa8: {  	s31 =	sshra.s32 s30, $0x2;
	[sflag:s16] =	ssyncset.done $0x0;
	p0 =	sne.s32 s30, $0x4E000  }
.Ltmp2:
0xa9: {  	s31 =	sadd.s32 s31, s7;
	[sflag:s16] =	ssyncadd.s32 $0xFFFFF800;
	(pc) =	sbr.rel @p0 .LBB2_2-.Ltmp2, $3  }
0xaa: {  	[spmem:s31] =	stream.linear.scatter [tilespmem:s15], [sflag:$0x9], $0x800, $0x38;
	[tilespmem:$0x1D800] =	vst v63  }
0xab: {  	s30 =	sadd.s32 $0x2000, s30;
	_ =	sdelay $0x1  }
0xac: {  	_ =	swait.ge [sflag:s16], $0x800  }
0xad: {  	[sflag:s16] =	ssyncset.done $0x0  }
0xae: {  	[dreg:$0x9] =	wrdreg s2;
	[sflag:s16] =	ssyncadd.s32 $0xFFFFF800  }
0xaf: {  	[bflag:$0x0] =	sbarrier.arrive $0xFFFF  }
0xb0: {  	s30 =	simm.s32 $0x0;
	s0 =	rddreg [dreg:$0x4]  }
0xb1: {  	[tilespmem:s30], [sflag:$0x9] =	stream.linear.gather [hbm4b:s0+s30], $0x800, $0x38;
	[tilespmem:$0x1D800] =	vst v63  }
0xb2: {  	_ =	swait.ge [sflag:s16], $0x800  }
0xb3: {  	[sflag:s16] =	ssyncset.done $0x0  }
0xb4: {  	s8 =	rddreg [dreg:$0x5];
	[sflag:s16] =	ssyncadd.s32 $0xFFFFF800  }
0xb5: {  	[tilespmem:s17], [sflag:$0x9] =	stream.linear.gather [hbm4b:s8+s30], $0x800, $0x38;
	[tilespmem:$0x1D800] =	vst v63  }
.Ltmp3:
0xb6: {  	_ = 	snop;
	(pc) =	sbr.rel .LBB2_4-.Ltmp3, $4  }
0xb7: {  	_ =	swait.ge [sflag:s16], $0x800  }
0xb8: {  	[sflag:s16] =	ssyncset.done $0x0  }
0xb9: {  	s31 =	rddreg [dreg:$0x8];
	[sflag:s16] =	ssyncadd.s32 $0xFFFFF800  }
0xba: {  	[tilespmem:s19], [sflag:$0x1] =	stream.indirect.gather [hbm4b:s1+s18], $0x80, s30, s18, $0xb8;
	[tilespmem:$0x1D800] =	vst v63  }
.LBB2_8:
0xbb: {  	s0 =	simm.s32 $0x480  }
0xbc: {  	[tilespmem:s22], [sflag:$0x2] =	stream.indirect.gather [hbm4b:s1+s18], $0x80, s0, s18, $0xb8;
	[tilespmem:$0x1D800] =	vst v63  }
0xbd: {  	s8 =	simm.s32 $0xC00  }
0xbe: {  	[spmem:s3] =	stream.indirect.scatter.add.f32 [tilespmem:s19], [sflag:$0x3], $0x80, s8, s18, $0xb8;
	[tilespmem:$0x1D800] =	vst v63  }
0xbf: {  	_ =	swait.ge [sflag:s23], $0x3E80  }
0xc0: {  	[sflag:s23] =	ssyncset.done $0x0  }
0xc1: {  	[sflag:s23] =	ssyncadd.s32 $0xFFFFC180  }
0xc2: {  	_ =	swait.ge [sflag:s24], $0x3E80  }
0xc3: {  	[sflag:s24] =	ssyncset.done $0x0  }
0xc4: {  	p0 =	por $0x1, $0x1;
	[sflag:s24] =	ssyncadd.s32 $0xFFFFC180  }
.LBB2_9:
0xc5: {  	s0 =	simm.s32 $0x500  }
0xc6: {  	[tilespmem:s19], [sflag:$0x1] =	stream.indirect.gather [hbm4b:s1+s18], $0x80, s0, s18, $0xb8;
	[tilespmem:$0x1D800] =	vst v63  }
0xc7: {  	s2 =	simm.s32 $0xC80  }
0xc8: {  	[spmem:s3] =	stream.indirect.scatter.add.f32 [tilespmem:s22], [sflag:$0x4], $0x80, s2, s18, $0xb8;
	[tilespmem:$0x1D800] =	vst v63  }
0xc9: {  	_ =	swait.ge [sflag:s20], $0x3E80  }
0xca: {  	[sflag:s20] =	ssyncset.done $0x0  }
0xcb: {  	[sflag:s20] =	ssyncadd.s32 $0xFFFFC180  }
0xcc: {  	_ =	swait.ge [sflag:s28], $0x3E80  }
0xcd: {  	[sflag:s28] =	ssyncset.done $0x0  }
0xce: {  	s8 =	simm.s32 $0x580;
	[sflag:s28] =	ssyncadd.s32 $0xFFFFC180  }
0xcf: {  	[tilespmem:s22], [sflag:$0x2] =	stream.indirect.gather [hbm4b:s1+s18], $0x80, s8, s18, $0xb8;
	[tilespmem:$0x1D800] =	vst v63  }
0xd0: {  	s2 =	simm.s32 $0xD00  }
0xd1: {  	[spmem:s3] =	stream.indirect.scatter.add.f32 [tilespmem:s19], [sflag:$0x3], $0x80, s2, s18, $0xb8;
	[tilespmem:$0x1D800] =	vst v63  }
0xd2: {  	_ =	swait.ge [sflag:s23], $0x3E80  }
0xd3: {  	[sflag:s23] =	ssyncset.done $0x0  }
0xd4: {  	[sflag:s23] =	ssyncadd.s32 $0xFFFFC180  }
0xd5: {  	_ =	swait.ge [sflag:s24], $0x3E80  }
0xd6: {  	[sflag:s24] =	ssyncset.done $0x0  }
0xd7: {  	s8 =	simm.s32 $0x600;
	[sflag:s24] =	ssyncadd.s32 $0xFFFFC180  }
0xd8: {  	[tilespmem:s19], [sflag:$0x1] =	stream.indirect.gather [hbm4b:s1+s18], $0x80, s8, s18, $0xb8;
	[tilespmem:$0x1D800] =	vst v63  }
0xd9: {  	_ = 	snop  }
0xda: {  	[spmem:s3] =	stream.indirect.scatter.add.f32 [tilespmem:s22], [sflag:$0x4], $0x80, s9, s18, $0xb8;
	[tilespmem:$0x1D800] =	vst v63  }
0xdb: {  	_ =	swait.ge [sflag:s20], $0x3E80  }
0xdc: {  	[sflag:s20] =	ssyncset.done $0x0  }
0xdd: {  	[sflag:s20] =	ssyncadd.s32 $0xFFFFC180  }
0xde: {  	_ =	swait.ge [sflag:s28], $0x3E80  }
0xdf: {  	[sflag:s28] =	ssyncset.done $0x0  }
0xe0: {  	[sflag:s28] =	ssyncadd.s32 $0xFFFFC180  }
0xe1: {  	[tilespmem:s22], [sflag:$0x2] =	stream.indirect.gather [hbm4b:s1+s18], $0x80, s10, s18, $0xb8;
	[tilespmem:$0x1D800] =	vst v63  }
0xe2: {  	_ = 	snop  }
0xe3: {  	[spmem:s3] =	stream.indirect.scatter.add.f32 [tilespmem:s19], [sflag:$0x3], $0x80, s11, s18, $0xb8;
	[tilespmem:$0x1D800] =	vst v63  }
0xe4: {  	_ =	swait.ge [sflag:s23], $0x3E80  }
0xe5: {  	[sflag:s23] =	ssyncset.done $0x0  }
0xe6: {  	[sflag:s23] =	ssyncadd.s32 $0xFFFFC180  }
0xe7: {  	_ =	swait.ge [sflag:s24], $0x3E80  }
0xe8: {  	[sflag:s24] =	ssyncset.done $0x0  }
0xe9: {  	[sflag:s24] =	ssyncadd.s32 $0xFFFFC180  }
0xea: {  	[tilespmem:s19], [sflag:$0x1] =	stream.indirect.gather [hbm4b:s1+s18], $0x80, s14, s18, $0xb8;
	[tilespmem:$0x1D800] =	vst v63  }
0xeb: {  	_ = 	snop  }
0xec: {  	[spmem:s3] =	stream.indirect.scatter.add.f32 [tilespmem:s22], [sflag:$0x4], $0x80, s21, s18, $0xb8;
	[tilespmem:$0x1D800] =	vst v63  }
0xed: {  	_ =	swait.ge [sflag:s20], $0x3E80  }
0xee: {  	[sflag:s20] =	ssyncset.done $0x0  }
0xef: {  	[sflag:s20] =	ssyncadd.s32 $0xFFFFC180  }
0xf0: {  	_ =	swait.ge [sflag:s28], $0x3E80  }
0xf1: {  	s0 =	simm.s32 @p0 $0x7D;
	[sflag:s28] =	ssyncset.done $0x0  }
0xf2: {  	s2 =	simm.s32 @p0 $0x780;
	s8 =	simm.s32 @p0 $0x5000;
	[sflag:s28] =	ssyncadd.s32 $0xFFFFC180  }
0xf3: {  	[tilespmem:s8], [sflag:$0x2] =	stream.indirect.gather @p0 [hbm4b:s1+s0], $0x80, s2, s0, $0xb8;
	[tilespmem:$0x1D800] =	vst v63  }
0xf4: {  	s2 =	simm.s32 @p0 $0xF00;
	s8 =	simm.s32 @p0 $0x1000  }
0xf5: {  	[spmem:s3] =	stream.indirect.scatter.add.f32 @p0 [tilespmem:s8], [sflag:$0x3], $0x80, s2, s0, $0xb8;
	[tilespmem:$0x1D800] =	vst v63  }
0xf6: {  	s0 =	simm.s32 @p0 $0x2  }
0xf7: {  	_ =	swait.ge @p0 [sflag:s0], $0x3E80  }
0xf8: {  	[sflag:s0] =	ssyncset.done @p0 $0x0  }
0xf9: {  	[sflag:s0] =	ssyncadd.s32 @p0 $0xFFFFC180;
	s0 =	simm.s32 @p0 $0x3  }
0xfa: {  	_ =	swait.ge @p0 [sflag:s0], $0x3E80  }
0xfb: {  	[sflag:s0] =	ssyncset.done @p0 $0x0  }
0xfc: {  	[sflag:s0] =	ssyncadd.s32 @p0 $0xFFFFC180;
	s0 =	simm.s32 @!p0 $0x5  }
0xfd: {  	_ =	swait.ge @!p0 [sflag:s0], $0x400  }
0xfe: {  	[sflag:s0] =	ssyncset.done @!p0 $0x0  }
0xff: {  	[sflag:s0] =	ssyncadd.s32 @!p0 $0xFFFFFC00;
	s0 =	simm.s32 @!p0 $0x7  }
0x100: {  	_ =	swait.ge @!p0 [sflag:s0], $0x400  }
0x101: {  	s2 =	simm.s32 @!p0 $0x780;
	[sflag:s0] =	ssyncset.done @!p0 $0x0  }
0x102: {  	s8 =	simm.s32 @!p0 $0x5000;
	[sflag:s0] =	ssyncadd.s32 @!p0 $0xFFFFFC00;
	s0 =	simm.s32 @!p0 $0x7D  }
0x103: {  	[tilespmem:s8], [sflag:$0x2] =	stream.indirect.gather @!p0 [hbm4b:s1+s0], $0x80, s2, s0, $0xb8;
	[tilespmem:$0x1D800] =	vst v63  }
0x104: {  	s2 =	simm.s32 @!p0 $0xF00;
	s8 =	simm.s32 @!p0 $0x1000  }
0x105: {  	[spmem:s3] =	stream.indirect.scatter.add.f32 @!p0 [tilespmem:s8], [sflag:$0x3], $0x80, s2, s0, $0xb8;
	[tilespmem:$0x1D800] =	vst v63  }
0x106: {  	s2 =	simm.s32 @!p0 $0x2  }
0x107: {  	_ =	swait.ge @!p0 [sflag:s2], $0x3E80  }
0x108: {  	[sflag:s2] =	ssyncset.done @!p0 $0x0  }
0x109: {  	[sflag:s2] =	ssyncadd.s32 @!p0 $0xFFFFC180;
	s2 =	simm.s32 @!p0 $0x3  }
0x10a: {  	_ =	swait.ge @!p0 [sflag:s2], $0x3E80  }
0x10b: {  	[sflag:s2] =	ssyncset.done @!p0 $0x0  }
0x10c: {  	s30 =	sadd.s32 $0x100, s30;
	[sflag:s2] =	ssyncadd.s32 @!p0 $0xFFFFC180;
	s2 =	simm.s32 @!p0 $0x0  }
0x10d: {  	[tilespmem:s8], [sflag:$0x1] =	stream.indirect.gather @!p0 [hbm4b:s1+s0], $0x80, s2, s0, $0xb8;
	[tilespmem:$0x1D800] =	vst v63  }
0x10e: {  	p0 =	sne.s32 s30, $0x500  }
.Ltmp4:
0x10f: {  	_ = 	snop;
	(pc) =	sbr.rel @!p0 .LBB2_10-.Ltmp4, $3  }
0x110: {  	_ =	sdelay $0x1  }
0x111: {  	s31 =	sadd.s32 $0x800, s31  }
0x112: {  	[spmem:s3] =	stream.indirect.scatter.add.f32 [tilespmem:s22], [sflag:$0x4], $0x80, s25, s18, $0xb8;
	[tilespmem:$0x1D800] =	vst v63  }
.LBB2_4:
0x113: {  	_ =	swait.ge [sflag:s20], $0x3E80  }
0x114: {  	p0 =	seq.s32 s30, $0x0;
	[sflag:s20] =	ssyncset.done $0x0  }
0x115: {  	s0 =	simm.s32 @!p0 $0x4;
	[sflag:s20] =	ssyncadd.s32 $0xFFFFC180  }
0x116: {  	_ =	swait.ge @!p0 [sflag:s0], $0x3E80  }
0x117: {  	s2 =	simm.s32 @!p0 $0x0;
	[sflag:s0] =	ssyncset.done @!p0 $0x0  }
0x118: {  	s8 =	simm.s32 @!p0 $0x400;
	[sflag:s0] =	ssyncadd.s32 @!p0 $0xFFFFC180;
	s0 =	sadd.s32 @!p0 s30, s13  }
0x119: {  	[tilespmem:s8], [sflag:$0x6] =	stream.linear.gather @!p0 [hbm4b:s0+s2], $0x400, $0x38;
	[tilespmem:$0x1D800] =	vst v63  }
0x11a: {  	s0 =	sadd.s32 @!p0 s30, s12;
	s8 =	simm.s32 @!p0 $0xC00  }
0x11b: {  	[tilespmem:s8], [sflag:$0x8] =	stream.linear.gather @!p0 [hbm4b:s0+s2], $0x400, $0x38;
	[tilespmem:$0x1D800] =	vst v63  }
0x11c: {  	s8 =	simm.s32 $0x80  }
0x11d: {  	[tilespmem:s22], [sflag:$0x2] =	stream.indirect.gather [hbm4b:s1+s18], $0x80, s8, s18, $0xb8;
	[tilespmem:$0x1D800] =	vst v63  }
0x11e: {  	_ = 	snop  }
0x11f: {  	[spmem:s3] =	stream.indirect.scatter.add.f32 [tilespmem:s19], [sflag:$0x3], $0x80, s17, s18, $0xb8;
	[tilespmem:$0x1D800] =	vst v63  }
0x120: {  	_ =	swait.ge [sflag:s23], $0x3E80  }
0x121: {  	[sflag:s23] =	ssyncset.done $0x0  }
0x122: {  	[sflag:s23] =	ssyncadd.s32 $0xFFFFC180  }
0x123: {  	_ =	swait.ge [sflag:s24], $0x3E80  }
0x124: {  	[sflag:s24] =	ssyncset.done $0x0  }
0x125: {  	s2 =	simm.s32 $0x100;
	[sflag:s24] =	ssyncadd.s32 $0xFFFFC180  }
0x126: {  	[tilespmem:s19], [sflag:$0x1] =	stream.indirect.gather [hbm4b:s1+s18], $0x80, s2, s18, $0xb8;
	[tilespmem:$0x1D800] =	vst v63  }
0x127: {  	s8 =	simm.s32 $0x880  }
0x128: {  	[spmem:s3] =	stream.indirect.scatter.add.f32 [tilespmem:s22], [sflag:$0x4], $0x80, s8, s18, $0xb8;
	[tilespmem:$0x1D800] =	vst v63  }
0x129: {  	_ =	swait.ge [sflag:s20], $0x3E80  }
0x12a: {  	[sflag:s20] =	ssyncset.done $0x0  }
0x12b: {  	[sflag:s20] =	ssyncadd.s32 $0xFFFFC180  }
0x12c: {  	_ =	swait.ge [sflag:s28], $0x3E80  }
0x12d: {  	[sflag:s28] =	ssyncset.done $0x0  }
0x12e: {  	s2 =	simm.s32 $0x180;
	[sflag:s28] =	ssyncadd.s32 $0xFFFFC180  }
0x12f: {  	[tilespmem:s22], [sflag:$0x2] =	stream.indirect.gather [hbm4b:s1+s18], $0x80, s2, s18, $0xb8;
	[tilespmem:$0x1D800] =	vst v63  }
0x130: {  	s8 =	simm.s32 $0x900  }
0x131: {  	[spmem:s3] =	stream.indirect.scatter.add.f32 [tilespmem:s19], [sflag:$0x3], $0x80, s8, s18, $0xb8;
	[tilespmem:$0x1D800] =	vst v63  }
0x132: {  	_ =	swait.ge [sflag:s23], $0x3E80  }
0x133: {  	[sflag:s23] =	ssyncset.done $0x0  }
0x134: {  	[sflag:s23] =	ssyncadd.s32 $0xFFFFC180  }
0x135: {  	_ =	swait.ge [sflag:s24], $0x3E80  }
0x136: {  	[sflag:s24] =	ssyncset.done $0x0  }
0x137: {  	s2 =	simm.s32 $0x200;
	[sflag:s24] =	ssyncadd.s32 $0xFFFFC180  }
0x138: {  	[tilespmem:s19], [sflag:$0x1] =	stream.indirect.gather [hbm4b:s1+s18], $0x80, s2, s18, $0xb8;
	[tilespmem:$0x1D800] =	vst v63  }
0x139: {  	s8 =	simm.s32 $0x980  }
0x13a: {  	[spmem:s3] =	stream.indirect.scatter.add.f32 [tilespmem:s22], [sflag:$0x4], $0x80, s8, s18, $0xb8;
	[tilespmem:$0x1D800] =	vst v63  }
0x13b: {  	_ =	swait.ge [sflag:s20], $0x3E80  }
0x13c: {  	[sflag:s20] =	ssyncset.done $0x0  }
0x13d: {  	[sflag:s20] =	ssyncadd.s32 $0xFFFFC180  }
0x13e: {  	_ =	swait.ge [sflag:s28], $0x3E80  }
0x13f: {  	[sflag:s28] =	ssyncset.done $0x0  }
0x140: {  	s2 =	simm.s32 $0x280;
	[sflag:s28] =	ssyncadd.s32 $0xFFFFC180  }
0x141: {  	[tilespmem:s22], [sflag:$0x2] =	stream.indirect.gather [hbm4b:s1+s18], $0x80, s2, s18, $0xb8;
	[tilespmem:$0x1D800] =	vst v63  }
0x142: {  	s8 =	simm.s32 $0xA00  }
0x143: {  	[spmem:s3] =	stream.indirect.scatter.add.f32 [tilespmem:s19], [sflag:$0x3], $0x80, s8, s18, $0xb8;
	[tilespmem:$0x1D800] =	vst v63  }
0x144: {  	_ =	swait.ge [sflag:s23], $0x3E80  }
0x145: {  	[sflag:s23] =	ssyncset.done $0x0  }
0x146: {  	[sflag:s23] =	ssyncadd.s32 $0xFFFFC180  }
0x147: {  	_ =	swait.ge [sflag:s24], $0x3E80  }
0x148: {  	[sflag:s24] =	ssyncset.done $0x0  }
0x149: {  	s2 =	simm.s32 $0x300;
	[sflag:s24] =	ssyncadd.s32 $0xFFFFC180  }
0x14a: {  	[tilespmem:s19], [sflag:$0x1] =	stream.indirect.gather [hbm4b:s1+s18], $0x80, s2, s18, $0xb8;
	[tilespmem:$0x1D800] =	vst v63  }
0x14b: {  	s8 =	simm.s32 $0xA80  }
0x14c: {  	[spmem:s3] =	stream.indirect.scatter.add.f32 [tilespmem:s22], [sflag:$0x4], $0x80, s8, s18, $0xb8;
	[tilespmem:$0x1D800] =	vst v63  }
0x14d: {  	_ =	swait.ge [sflag:s20], $0x3E80  }
0x14e: {  	[sflag:s20] =	ssyncset.done $0x0  }
0x14f: {  	[sflag:s20] =	ssyncadd.s32 $0xFFFFC180  }
0x150: {  	_ =	swait.ge [sflag:s28], $0x3E80  }
0x151: {  	[sflag:s28] =	ssyncset.done $0x0  }
0x152: {  	s2 =	simm.s32 $0x380;
	[sflag:s28] =	ssyncadd.s32 $0xFFFFC180  }
0x153: {  	[tilespmem:s22], [sflag:$0x2] =	stream.indirect.gather [hbm4b:s1+s18], $0x80, s2, s18, $0xb8;
	[tilespmem:$0x1D800] =	vst v63  }
0x154: {  	s8 =	simm.s32 $0xB00  }
0x155: {  	[spmem:s3] =	stream.indirect.scatter.add.f32 [tilespmem:s19], [sflag:$0x3], $0x80, s8, s18, $0xb8;
	[tilespmem:$0x1D800] =	vst v63  }
0x156: {  	p0 =	sne.s32 s30, $0x0;
	_ =	swait.ge [sflag:s23], $0x3E80  }
.Ltmp5:
0x157: {  	[sflag:s23] =	ssyncset.done $0x0;
	(pc) =	sbr.rel @!p0 .LBB2_5-.Ltmp5, $4  }
0x158: {  	[sflag:s23] =	ssyncadd.s32 $0xFFFFC180  }
0x159: {  	_ =	swait.ge [sflag:s24], $0x3E80  }
0x15a: {  	[sflag:s24] =	ssyncset.done $0x0  }
0x15b: {  	[sflag:s24] =	ssyncadd.s32 $0xFFFFC180  }
0x15c: {  	_ =	swait.ge [sflag:s26], $0x400  }
0x15d: {  	[sflag:s26] =	ssyncset.done $0x0  }
0x15e: {  	s0 =	simm.s32 $0x400;
	[sflag:s26] =	ssyncadd.s32 $0xFFFFFC00  }
0x15f: {  	[tilespmem:s19], [sflag:$0x1] =	stream.indirect.gather [hbm4b:s1+s18], $0x80, s0, s18, $0xb8;
	[tilespmem:$0x1D800] =	vst v63  }
0x160: {  	s8 =	simm.s32 $0xB80  }
0x161: {  	[spmem:s3] =	stream.indirect.scatter.add.f32 [tilespmem:s22], [sflag:$0x4], $0x80, s8, s18, $0xb8;
	[tilespmem:$0x1D800] =	vst v63  }
0x162: {  	_ =	swait.ge [sflag:s20], $0x3E80  }
0x163: {  	[sflag:s20] =	ssyncset.done $0x0  }
0x164: {  	[sflag:s20] =	ssyncadd.s32 $0xFFFFC180  }
0x165: {  	p0 =	seq.s32 s30, $0x400;
	_ =	swait.ge [sflag:s28], $0x3E80  }
.Ltmp6:
0x166: {  	[sflag:s28] =	ssyncset.done $0x0;
	(pc) =	sbr.rel @p0 .LBB2_8-.Ltmp6, $4  }
.Ltmp7:
0x167: {  	[sflag:s28] =	ssyncadd.s32 $0xFFFFC180;
	(pc) =	sbr.rel @!p0 .LBB2_7-.Ltmp7, $4  }
0x168: {  	_ =	swait.ge [sflag:s29], $0x400  }
0x169: {  	[sflag:s29] =	ssyncset.done $0x0  }
0x16a: {  	[sflag:s29] =	ssyncadd.s32 $0xFFFFFC00  }
0x16b: {  	_ = 	snop  }
.LBB2_5:
0x16c: {  	s0 =	simm.s32 $0x400  }
0x16d: {  	[tilespmem:s19], [sflag:$0x1] =	stream.indirect.gather [hbm4b:s1+s18], $0x80, s0, s18, $0xb8;
	[tilespmem:$0x1D800] =	vst v63  }
0x16e: {  	s8 =	simm.s32 $0xB80  }
0x16f: {  	[spmem:s3] =	stream.indirect.scatter.add.f32 [tilespmem:s22], [sflag:$0x4], $0x80, s8, s18, $0xb8;
	[tilespmem:$0x1D800] =	vst v63  }
0x170: {  	_ =	swait.ge [sflag:s20], $0x3E80  }
0x171: {  	[sflag:s20] =	ssyncset.done $0x0  }
0x172: {  	[sflag:s20] =	ssyncadd.s32 $0xFFFFC180  }
0x173: {  	_ =	swait.ge [sflag:s28], $0x3E80  }
0x174: {  	[sflag:s28] =	ssyncset.done $0x0  }
0x175: {  	[sflag:s28] =	ssyncadd.s32 $0xFFFFC180  }
.LBB2_7:
0x176: {  	s0 =	sshrl.u32 s31, $0x3  }
0x177: {  	s2 =	sadd.s32 s5, s0  }
0x178: {  	[tilespmem:s4], [sflag:$0x5] =	stream.linear.gather [hbm4b:s2+s4], $0x400, $0x38;
	[tilespmem:$0x1D800] =	vst v63  }
0x179: {  	s8 =	simm.s32 $0x480  }
0x17a: {  	[tilespmem:s22], [sflag:$0x2] =	stream.indirect.gather [hbm4b:s1+s18], $0x80, s8, s18, $0xb8;
	[tilespmem:$0x1D800] =	vst v63  }
0x17b: {  	s8 =	simm.s32 $0xC00  }
0x17c: {  	[spmem:s3] =	stream.indirect.scatter.add.f32 [tilespmem:s19], [sflag:$0x3], $0x80, s8, s18, $0xb8;
	[tilespmem:$0x1D800] =	vst v63  }
0x17d: {  	_ =	swait.ge [sflag:s23], $0x3E80  }
0x17e: {  	[sflag:s23] =	ssyncset.done $0x0  }
.Ltmp8:
0x17f: {  	[sflag:s23] =	ssyncadd.s32 $0xFFFFC180;
	(pc) =	sbr.rel .LBB2_9-.Ltmp8, $4  }
0x180: {  	_ =	swait.ge [sflag:s24], $0x3E80  }
0x181: {  	[sflag:s24] =	ssyncset.done $0x0  }
0x182: {  	p0 =	por $0x0, $0x0;
	s0 =	sadd.s32 s6, s0;
	[sflag:s24] =	ssyncadd.s32 $0xFFFFC180  }
0x183: {  	[tilespmem:s17], [sflag:$0x7] =	stream.linear.gather [hbm4b:s0+s4], $0x400, $0x38;
	[tilespmem:$0x1D800] =	vst v63  }
.LBB2_11:
0x184: {  	_ =	sfence.sel $0x180000  }
0x185: {  	[bflag:$0x0] =	sbarrier.arrive $0xFFFF  }
0x186: {  	_ =	strace $0x9000004A  }
0x187: {  	s0 =	stileid.u32;
	[bflag:$0x2] =	sbarrier.arrive $0xFFFF  }
0x188: {  	p0 =	sne.s32 s0, $0x0;
	s0 =	rddreg [dreg:$0x3]  }
0x189: {  	s0 =	sadd.s32 @!p0 $0x100000, s0  }
0x18a: {  	[sflag:s0] =	ssyncadd.tile.s32 @!p0 $0x1;
	_ =	shalt  }
.Lfunc_end2:
_tile_overlayer_lowered:
.L_overlay_start_2:
0x18b: {  	(tag) =	ssettag $0x2  }
0x18c: {  	s0 =	rddreg [dreg:$0x0];
	s2 =	stileid.u32  }
0x18d: {  	s1 =	rddreg [dreg:$0x1];
	p0 =	sne.s32 s2, $0x0  }
0x18e: {  	s3 =	rddreg [dreg:$0x2];
	[bflag:$0x3] =	sbarrier.arrive $0xFFFF;
	s2 =	simm.s32 @!p0 $0x1C09  }
0x18f: {  	[timem:s3], [sflag:s2] =	dma.local @!p0 [hbm:s0], s1  }
0x190: {  	s0 =	simm.s32 @!p0 $0x9  }
0x191: {  	_ =	swait.ge @!p0 [sflag:s0], s1  }
0x192: {  	s1 =	ssub.s32 @!p0 $0x0, s1;
	[sflag:s0] =	ssyncset.done @!p0 $0x0  }
0x193: {  	[sflag:s0] =	ssyncadd.s32 @!p0 s1  }
0x194: {  	[bflag:$0x3] =	sbarrier.arrive $0xFFFF  }
0x195: {  	_ =	shalt  }

</sc_bundles>
